<compile_context>
chip_gen: v7x
topology: tpu7x:2x2x1
jax: 0.10.2.dev20260603
libtpu: 0.0.44.dev20260713+nightly
codegen_flags: <defaults>
</compile_context>

<pallas_src>
import functools

import jax
import jax.numpy as jnp
from jax import lax
from jax.experimental import pallas as pl
from jax.experimental.pallas import tpu as pltpu
from jax.experimental.pallas import tpu_sc as plsc

N = 10000
E = 160000
D = 256
R = 50
NBASES = 10
NCLS = 40
HALF = 128
NTILES = 16
EPT = E // NTILES
CH = 80
EB = 2000
NEB = EPT // EB
NCHB = EB // CH
NBUF = 3
ZCH = 200
NZCH = N // ZCH
NBLK = 10
BN = N // NBLK
NBLKA = 1
BNA = N // NBLKA


RGRP = 10


def _w_body(coef_ref, basis_ref, out_ref):
    for g in range(RGRP):
        w = coef_ref[g, 0, 0] * basis_ref[0]
        for b in range(1, NBASES):
            w = w + coef_ref[g, 0, b] * basis_ref[b]
        out_ref[g] = w.astype(jnp.bfloat16)


def _build_w(coef, basis):
    return pl.pallas_call(
        _w_body,
        grid=(R // RGRP,),
        in_specs=[
            pl.BlockSpec((RGRP, 1, NBASES), lambda r: (r, 0, 0)),
            pl.BlockSpec((NBASES, D, D), lambda r: (0, 0, 0)),
        ],
        out_specs=pl.BlockSpec((RGRP, D, D), lambda r: (r, 0, 0)),
        out_shape=jax.ShapeDtypeStruct((R, D, D), jnp.bfloat16),
    )(coef.reshape(R, 1, NBASES), basis)


def _ht_body(w_ref, x_ref, out_ref):
    h = jnp.dot(x_ref[...], w_ref[0], preferred_element_type=jnp.float32)
    out_ref[0, 0] = h[:, :HALF]
    out_ref[1, 0] = h[:, HALF:]


def _build_ht(x16, w_all):
    return pl.pallas_call(
        _ht_body,
        grid=(NBLKA, R),
        in_specs=[
            pl.BlockSpec((1, D, D), lambda j, r: (r, 0, 0)),
            pl.BlockSpec((BNA, D), lambda j, r: (j, 0)),
        ],
        out_specs=pl.BlockSpec((2, 1, BNA, HALF), lambda j, r: (0, r, j, 0)),
        out_shape=jax.ShapeDtypeStruct((2, R, N, HALF), jnp.float32),
    )(w_all, x16)


def _edge_kernel_body(ht_hbm, src_hbm, typ_hbm, dst_hbm, zeros_hbm, out_hbm,
                      src_buf, typ_buf, dst_buf,
                      idx0, idx1, idx2, gb0, gb1, gb2, agg,
                      gsem0, gsem1, gsem2, ssem0, ssem1, ssem2):
    c = lax.axis_index("c")
    s = lax.axis_index("s")
    idx_bufs = (idx0, idx1, idx2)
    gbufs = (gb0, gb1, gb2)
    gsems = (gsem0, gsem1, gsem2)
    ssems = (ssem0, ssem1, ssem2)

    for k in range((NZCH + NTILES - 1) // NTILES):
        ch = s + k * NTILES

        @pl.when(ch < NZCH)
        def _():
            pltpu.sync_copy(zeros_hbm, agg.at[pl.ds(ch * ZCH, ZCH)])
    plsc.subcore_barrier()

    def _mk_idx(j, k):
        eoff = k * CH
        for v in range(CH // 16):
            t = typ_buf[pl.ds(eoff + v * 16, 16)]
            sr = src_buf[pl.ds(eoff + v * 16, 16)]
            idx_bufs[j][pl.ds(v * 16, 16)] = t * N + sr + c * (R * N)

    def _gather_start(j):
        pltpu.async_copy(ht_hbm.at[idx_bufs[j]], gbufs[j], gsems[j])

    def _visit(j, k):
        pltpu.make_async_copy(ht_hbm.at[idx_bufs[j]], gbufs[j],
                              gsems[j]).wait()
        pltpu.async_copy(gbufs[j], agg.at[dst_buf.at[k]], ssems[j], add=True)
        kn = k + NBUF

        @pl.when(kn < NCHB)
        def _():
            _mk_idx(j, kn)
        pltpu.make_async_copy(gbufs[j], agg.at[dst_buf.at[k]],
                              ssems[j]).wait()

        @pl.when(kn < NCHB)
        def _():
            _gather_start(j)

    def _block(b, carry):
        base = s * EPT + b * EB
        pltpu.sync_copy(src_hbm.at[pl.ds(base, EB)], src_buf)
        pltpu.sync_copy(typ_hbm.at[pl.ds(base, EB)], typ_buf)
        pltpu.sync_copy(dst_hbm.at[s, b], dst_buf)

        for j in range(NBUF):
            _mk_idx(j, j)
            _gather_start(j)

        nround = NCHB // NBUF - 1

        def _round(o, cr):
            for j in range(NBUF):
                _visit(j, o * NBUF + j)
            return cr
        lax.fori_loop(0, nround, _round, 0)
        for k in range(nround * NBUF, NCHB):
            _visit(k % NBUF, k)
        return carry
    lax.fori_loop(0, NEB, _block, 0)

    plsc.subcore_barrier()
    for k in range((NZCH + NTILES - 1) // NTILES):
        ch = s + k * NTILES

        @pl.when(ch < NZCH)
        def _():
            pltpu.sync_copy(agg.at[pl.ds(ch * ZCH, ZCH)],
                            out_hbm.at[c * NZCH + ch])


def _edge_aggregate(ht2, src, typ, dst4, zeros):
    mesh = plsc.VectorSubcoreMesh(core_axis_name="c", subcore_axis_name="s")
    k = functools.partial(
        pl.kernel,
        mesh=mesh,
        out_type=jax.ShapeDtypeStruct((2 * NZCH, ZCH, HALF), jnp.float32),
        scratch_types=[
            pltpu.VMEM((EB,), jnp.int32),
            pltpu.VMEM((EB,), jnp.int32),
            pltpu.VMEM((NCHB, CH), jnp.int32),
            pltpu.VMEM((CH,), jnp.int32),
            pltpu.VMEM((CH,), jnp.int32),
            pltpu.VMEM((CH,), jnp.int32),
            pltpu.VMEM((CH, HALF), jnp.float32),
            pltpu.VMEM((CH, HALF), jnp.float32),
            pltpu.VMEM((CH, HALF), jnp.float32),
            pltpu.VMEM_SHARED((N, HALF), jnp.float32),
            pltpu.SemaphoreType.DMA,
            pltpu.SemaphoreType.DMA,
            pltpu.SemaphoreType.DMA,
            pltpu.SemaphoreType.DMA,
            pltpu.SemaphoreType.DMA,
            pltpu.SemaphoreType.DMA,
        ],
    )(_edge_kernel_body)
    return k(ht2, src, typ, dst4, zeros)


def _fin_body(agg_ref, x_ref, wr_ref, bias_ref, w1_ref, b1_ref, w2_ref,
              b2_ref, out_ref, acc_ref):
    i = pl.program_id(0)
    xr = jnp.dot(x_ref[...], wr_ref[...], preferred_element_type=jnp.float32,
                 precision=lax.Precision.HIGHEST)
    h0 = jnp.maximum(agg_ref[0] + xr[:, :HALF] + bias_ref[:, :HALF], 0.0)
    h1 = jnp.maximum(agg_ref[1] + xr[:, HALF:] + bias_ref[:, HALF:], 0.0)
    sums = jnp.concatenate(
        [jnp.sum(h0, axis=0, keepdims=True), jnp.sum(h1, axis=0, keepdims=True)],
        axis=1)

    @pl.when(i == 0)
    def _():
        acc_ref[...] = sums

    @pl.when(i > 0)
    def _():
        acc_ref[...] = acc_ref[...] + sums

    @pl.when(i == NBLK - 1)
    def _():
        pooled = acc_ref[...] * (1.0 / N)
        z = jnp.maximum(
            jnp.dot(pooled, w1_ref[...], preferred_element_type=jnp.float32,
                    precision=lax.Precision.HIGHEST) + b1_ref[...], 0.0)
        out_ref[...] = jnp.dot(z, w2_ref[...],
                               preferred_element_type=jnp.float32,
                               precision=lax.Precision.HIGHEST) + b2_ref[...]


def _finish(agg2, x, W_root, bias, W1, b1, W2, b2):
    return pl.pallas_call(
        _fin_body,
        grid=(NBLK,),
        in_specs=[
            pl.BlockSpec((2, BN, HALF), lambda i: (0, i, 0)),
            pl.BlockSpec((BN, D), lambda i: (i, 0)),
            pl.BlockSpec((D, D), lambda i: (0, 0)),
            pl.BlockSpec((1, D), lambda i: (0, 0)),
            pl.BlockSpec((D, 16), lambda i: (0, 0)),
            pl.BlockSpec((1, 16), lambda i: (0, 0)),
            pl.BlockSpec((16, NCLS), lambda i: (0, 0)),
            pl.BlockSpec((1, NCLS), lambda i: (0, 0)),
        ],
        out_specs=pl.BlockSpec((1, NCLS), lambda i: (0, 0)),
        out_shape=jax.ShapeDtypeStruct((1, NCLS), jnp.float32),
        scratch_shapes=[pltpu.VMEM((1, D), jnp.float32)],
    )(agg2, x, W_root, bias, W1, b1, W2, b2)


def kernel(x, edge_index, edge_type, basis, coef, W_root, bias, W1, b1, W2,
           b2):
    src = edge_index[0].astype(jnp.int32)
    dst = edge_index[1].astype(jnp.int32)
    typ = edge_type.astype(jnp.int32)

    w_all = _build_w(coef, basis)
    ht = _build_ht(x.astype(jnp.bfloat16), w_all)
    ht2 = ht.reshape(2 * R * N, HALF)
    dst4 = dst.reshape(NTILES, NEB, NCHB, CH)
    zeros = jnp.zeros((ZCH, HALF), jnp.float32)
    agg2 = _edge_aggregate(ht2, src, typ, dst4, zeros).reshape(2, N, HALF)
    out = _finish(agg2, x, W_root, bias.reshape(1, D), W1,
                  b1.reshape(1, 16), W2, b2.reshape(1, NCLS))
    return out.reshape(NCLS)

# --- scband reference (transcript-rebuilt; emitter-appended) ---
"""Pipeline reference for scband-knowledge-graph-embedding-model-24137716203650 (READ-ONLY COPY).

The authoritative reference and input builder live on the scoring server;
editing this copy changes nothing except your own understanding.
"""

import jax, jax.numpy as jnp
import numpy as np

N = 10000
E = 160000
D = 256
R = 50
NUM_BASES = 10
NUM_CLASSES = 40


def setup_inputs(seed: int = 0) -> dict:
    key = jax.random.key(seed)
    ks = jax.random.split(key, 12)
    x = jax.random.normal(ks[0], (N, D), dtype=jnp.float32)
    edge_index = jax.random.randint(ks[1], (2, E), 0, N, dtype=jnp.int64)
    edge_type = jax.random.randint(ks[2], (E,), 0, R, dtype=jnp.int64)
    # RGCN basis-decomposition params
    basis = jax.random.normal(ks[3], (NUM_BASES, D, D), dtype=jnp.float32) * (1.0 / np.sqrt(D))
    coef = jax.random.normal(ks[4], (R, NUM_BASES), dtype=jnp.float32) * (1.0 / np.sqrt(NUM_BASES))
    W_root = jax.random.normal(ks[5], (D, D), dtype=jnp.float32) * (1.0 / np.sqrt(D))
    bias = jnp.zeros((D,), dtype=jnp.float32)
    # classifier: Linear(D,16) -> ReLU -> Linear(16,NUM_CLASSES)
    W1 = jax.random.normal(ks[6], (D, 16), dtype=jnp.float32) * (1.0 / np.sqrt(D))
    b1 = jnp.zeros((16,), dtype=jnp.float32)
    W2 = jax.random.normal(ks[7], (16, NUM_CLASSES), dtype=jnp.float32) * (1.0 / np.sqrt(16))
    b2 = jnp.zeros((NUM_CLASSES,), dtype=jnp.float32)
    return {"x": x, "edge_index": edge_index, "edge_type": edge_type,
            "basis": basis, "coef": coef, "W_root": W_root, "bias": bias,
            "W1": W1, "b1": b1, "W2": W2, "b2": b2}


def reference(x, edge_index, edge_type, basis, coef, W_root, bias, W1, b1, W2, b2):
    src = edge_index[0]
    dst = edge_index[1]
    # Basis-decomposed relational transform: W_r = sum_b coef[r,b] * basis[b]
    # Compute H_b = x @ basis_b for all nodes, then per-edge mix by coef[edge_type]
    H = jnp.einsum('nd,bdo->bno', x, basis)  # [NUM_BASES, N, D]
    c = coef[edge_type]  # [E, NUM_BASES]
    msg = jnp.zeros((src.shape[0], basis.shape[2]), dtype=x.dtype)
    for b in range(basis.shape[0]):
        msg = msg + c[:, b][:, None] * jnp.take(H[b], src, axis=0)
    agg = jax.ops.segment_sum(msg, dst, num_segments=x.shape[0])  # scatter-add by dst
    h = agg + x @ W_root + bias
    h = jax.nn.relu(h)
    pooled = jnp.mean(h, axis=0)  # torch.mean(x, dim=0)
    z = jax.nn.relu(pooled @ W1 + b1)
    out = z @ W2 + b2
    return out

if __name__ == "__main__":
    import jax
    _d = setup_inputs()
    print(jax.jit(kernel)(*tuple(_d.values())))

</pallas_src>

<mosaic_0001>
#map = affine_map<(d0, d1) -> (0, 0)>
#map1 = affine_map<(d0, d1) -> (0)>
#map2 = affine_map<(d0, d1) -> (0, 0, 0, 0)>
#map3 = affine_map<(d0, d1) -> (0, 0, 0)>
module attributes {stable_mosaic.version = 14 : i64} {
  func.func @_edge_kernel_body(%arg0: i32, %arg1: i32, %arg2: memref<1000000x128xf32, #tpu.memory_space<hbm>>, %arg3: memref<160000xi32, #tpu.memory_space<hbm>>, %arg4: memref<160000xi32, #tpu.memory_space<hbm>>, %arg5: memref<16x5x25x80xi32, #tpu.memory_space<hbm>>, %arg6: memref<200x128xf32, #tpu.memory_space<hbm>>, %arg7: memref<100x200x128xf32, #tpu.memory_space<hbm>>, %arg8: memref<2000xi32, #tpu.memory_space<vmem>>, %arg9: memref<2000xi32, #tpu.memory_space<vmem>>, %arg10: memref<25x80xi32, #tpu.memory_space<vmem>>, %arg11: memref<80xi32, #tpu.memory_space<vmem>>, %arg12: memref<80xi32, #tpu.memory_space<vmem>>, %arg13: memref<80xi32, #tpu.memory_space<vmem>>, %arg14: memref<80x128xf32, #tpu.memory_space<vmem>>, %arg15: memref<80x128xf32, #tpu.memory_space<vmem>>, %arg16: memref<80x128xf32, #tpu.memory_space<vmem>>, %arg17: memref<10000x128xf32, #tpu.memory_space<vmem_shared>>, %arg18: memref<!tpu.dma_semaphore, #tpu.memory_space<semaphore_mem>>, %arg19: memref<!tpu.dma_semaphore, #tpu.memory_space<semaphore_mem>>, %arg20: memref<!tpu.dma_semaphore, #tpu.memory_space<semaphore_mem>>, %arg21: memref<!tpu.dma_semaphore, #tpu.memory_space<semaphore_mem>>, %arg22: memref<!tpu.dma_semaphore, #tpu.memory_space<semaphore_mem>>, %arg23: memref<!tpu.dma_semaphore, #tpu.memory_space<semaphore_mem>>) attributes {dimension_semantics = [#tpu.dimension_semantics<core_parallel>, #tpu.dimension_semantics<subcore_parallel>], iteration_bounds = array<i64: 2, 16>, scalar_prefetch = 0 : i64, scratch_operands = 16 : i64, tpu.core_type = #tpu.core_type<sc_vector_subcore>, window_params = [{transform_indices = #map}, {transform_indices = #map1}, {transform_indices = #map1}, {transform_indices = #map2}, {transform_indices = #map}, {transform_indices = #map3}]} {
    %add3A = arith.constant 0 : i32
    %add3A_0 = arith.addi %arg1, %add3A : i32
    %lt3A = arith.constant 50 : i32
    %lt3A_1 = arith.cmpi slt, %add3A_0, %lt3A : i32
    %convert_element_type3A = arith.extui %lt3A_1 : i1 to i32
    %cond3A = arith.constant 0 : i32
    %cond3A_2 = arith.cmpi ne, %convert_element_type3A, %cond3A : i32
    scf.if %cond3A_2 {
      %mul3A = arith.constant 200 : i32
      %mul3A_58 = arith.muli %add3A_0, %mul3A : i32
      "tpu.region"() ({
        %run_scoped3A = tpu.sem_alloc : memref<!tpu.dma_semaphore, #tpu.memory_space<semaphore_mem>>
        %dma_start3A = arith.constant 0 : i32
        %dma_start3A_59 = tpu.memref_slice %arg17[%mul3A_58, %dma_start3A] : memref<10000x128xf32, #tpu.memory_space<vmem_shared>> -> memref<200x128xf32, #tpu.memory_space<vmem_shared>>
        tpu.enqueue_dma source(%arg6 : memref<200x128xf32, #tpu.memory_space<hbm>>) target(%dma_start3A_59 : memref<200x128xf32, #tpu.memory_space<vmem_shared>>) target_semaphore(%run_scoped3A : memref<!tpu.dma_semaphore, #tpu.memory_space<semaphore_mem>>)
        %dma_wait3A = arith.constant 0 : i32
        %dma_wait3A_60 = tpu.memref_slice %arg17[%mul3A_58, %dma_wait3A] : memref<10000x128xf32, #tpu.memory_space<vmem_shared>> -> memref<200x128xf32, #tpu.memory_space<vmem_shared>>
        tpu.wait_dma2 semaphore(%run_scoped3A : memref<!tpu.dma_semaphore, #tpu.memory_space<semaphore_mem>>) src(%arg6 : memref<200x128xf32, #tpu.memory_space<hbm>>) dst(%dma_wait3A_60 : memref<200x128xf32, #tpu.memory_space<vmem_shared>>)
        tpu.yield
      }) : () -> ()
    } else {
    }
    %add3A_3 = arith.constant 16 : i32
    %add3A_4 = arith.addi %arg1, %add3A_3 : i32
    %lt3A_5 = arith.constant 50 : i32
    %lt3A_6 = arith.cmpi slt, %add3A_4, %lt3A_5 : i32
    %convert_element_type3A_7 = arith.extui %lt3A_6 : i1 to i32
    %cond3A_8 = arith.constant 0 : i32
    %cond3A_9 = arith.cmpi ne, %convert_element_type3A_7, %cond3A_8 : i32
    scf.if %cond3A_9 {
      %mul3A = arith.constant 200 : i32
      %mul3A_58 = arith.muli %add3A_4, %mul3A : i32
      "tpu.region"() ({
        %run_scoped3A = tpu.sem_alloc : memref<!tpu.dma_semaphore, #tpu.memory_space<semaphore_mem>>
        %dma_start3A = arith.constant 0 : i32
        %dma_start3A_59 = tpu.memref_slice %arg17[%mul3A_58, %dma_start3A] : memref<10000x128xf32, #tpu.memory_space<vmem_shared>> -> memref<200x128xf32, #tpu.memory_space<vmem_shared>>
        tpu.enqueue_dma source(%arg6 : memref<200x128xf32, #tpu.memory_space<hbm>>) target(%dma_start3A_59 : memref<200x128xf32, #tpu.memory_space<vmem_shared>>) target_semaphore(%run_scoped3A : memref<!tpu.dma_semaphore, #tpu.memory_space<semaphore_mem>>)
        %dma_wait3A = arith.constant 0 : i32
        %dma_wait3A_60 = tpu.memref_slice %arg17[%mul3A_58, %dma_wait3A] : memref<10000x128xf32, #tpu.memory_space<vmem_shared>> -> memref<200x128xf32, #tpu.memory_space<vmem_shared>>
        tpu.wait_dma2 semaphore(%run_scoped3A : memref<!tpu.dma_semaphore, #tpu.memory_space<semaphore_mem>>) src(%arg6 : memref<200x128xf32, #tpu.memory_space<hbm>>) dst(%dma_wait3A_60 : memref<200x128xf32, #tpu.memory_space<vmem_shared>>)
        tpu.yield
      }) : () -> ()
    } else {
    }
    %add3A_10 = arith.constant 32 : i32
    %add3A_11 = arith.addi %arg1, %add3A_10 : i32
    %lt3A_12 = arith.constant 50 : i32
    %lt3A_13 = arith.cmpi slt, %add3A_11, %lt3A_12 : i32
    %convert_element_type3A_14 = arith.extui %lt3A_13 : i1 to i32
    %cond3A_15 = arith.constant 0 : i32
    %cond3A_16 = arith.cmpi ne, %convert_element_type3A_14, %cond3A_15 : i32
    scf.if %cond3A_16 {
      %mul3A = arith.constant 200 : i32
      %mul3A_58 = arith.muli %add3A_11, %mul3A : i32
      "tpu.region"() ({
        %run_scoped3A = tpu.sem_alloc : memref<!tpu.dma_semaphore, #tpu.memory_space<semaphore_mem>>
        %dma_start3A = arith.constant 0 : i32
        %dma_start3A_59 = tpu.memref_slice %arg17[%mul3A_58, %dma_start3A] : memref<10000x128xf32, #tpu.memory_space<vmem_shared>> -> memref<200x128xf32, #tpu.memory_space<vmem_shared>>
        tpu.enqueue_dma source(%arg6 : memref<200x128xf32, #tpu.memory_space<hbm>>) target(%dma_start3A_59 : memref<200x128xf32, #tpu.memory_space<vmem_shared>>) target_semaphore(%run_scoped3A : memref<!tpu.dma_semaphore, #tpu.memory_space<semaphore_mem>>)
        %dma_wait3A = arith.constant 0 : i32
        %dma_wait3A_60 = tpu.memref_slice %arg17[%mul3A_58, %dma_wait3A] : memref<10000x128xf32, #tpu.memory_space<vmem_shared>> -> memref<200x128xf32, #tpu.memory_space<vmem_shared>>
        tpu.wait_dma2 semaphore(%run_scoped3A : memref<!tpu.dma_semaphore, #tpu.memory_space<semaphore_mem>>) src(%arg6 : memref<200x128xf32, #tpu.memory_space<hbm>>) dst(%dma_wait3A_60 : memref<200x128xf32, #tpu.memory_space<vmem_shared>>)
        tpu.yield
      }) : () -> ()
    } else {
    }
    %add3A_17 = arith.constant 48 : i32
    %add3A_18 = arith.addi %arg1, %add3A_17 : i32
    %lt3A_19 = arith.constant 50 : i32
    %lt3A_20 = arith.cmpi slt, %add3A_18, %lt3A_19 : i32
    %convert_element_type3A_21 = arith.extui %lt3A_20 : i1 to i32
    %cond3A_22 = arith.constant 0 : i32
    %cond3A_23 = arith.cmpi ne, %convert_element_type3A_21, %cond3A_22 : i32
    scf.if %cond3A_23 {
      %mul3A = arith.constant 200 : i32
      %mul3A_58 = arith.muli %add3A_18, %mul3A : i32
      "tpu.region"() ({
        %run_scoped3A = tpu.sem_alloc : memref<!tpu.dma_semaphore, #tpu.memory_space<semaphore_mem>>
        %dma_start3A = arith.constant 0 : i32
        %dma_start3A_59 = tpu.memref_slice %arg17[%mul3A_58, %dma_start3A] : memref<10000x128xf32, #tpu.memory_space<vmem_shared>> -> memref<200x128xf32, #tpu.memory_space<vmem_shared>>
        tpu.enqueue_dma source(%arg6 : memref<200x128xf32, #tpu.memory_space<hbm>>) target(%dma_start3A_59 : memref<200x128xf32, #tpu.memory_space<vmem_shared>>) target_semaphore(%run_scoped3A : memref<!tpu.dma_semaphore, #tpu.memory_space<semaphore_mem>>)
        %dma_wait3A = arith.constant 0 : i32
        %dma_wait3A_60 = tpu.memref_slice %arg17[%mul3A_58, %dma_wait3A] : memref<10000x128xf32, #tpu.memory_space<vmem_shared>> -> memref<200x128xf32, #tpu.memory_space<vmem_shared>>
        tpu.wait_dma2 semaphore(%run_scoped3A : memref<!tpu.dma_semaphore, #tpu.memory_space<semaphore_mem>>) src(%arg6 : memref<200x128xf32, #tpu.memory_space<hbm>>) dst(%dma_wait3A_60 : memref<200x128xf32, #tpu.memory_space<vmem_shared>>)
        tpu.yield
      }) : () -> ()
    } else {
    }
    %barrier3A = arith.constant 0 : index
    tpu.barrier barrier_id(%barrier3A)
    %scan3A = arith.constant 0 : i32
    %scan3A_24 = arith.constant 0 : i32
    %scan3A_25 = arith.constant 5 : i32
    %scan3A_26 = arith.addi %scan3A_24, %scan3A_25 : i32
    %scan3A_27 = arith.constant 1 : i32
    scf.for %scan3A_58 = %scan3A_24 to %scan3A_26 step %scan3A_27  : i32 {
      %mul3A = arith.constant 10000 : i32
      %mul3A_59 = arith.muli %arg1, %mul3A : i32
      %mul3A_60 = arith.constant 2000 : i32
      %mul3A_61 = arith.muli %scan3A_58, %mul3A_60 : i32
      %add3A_62 = arith.addi %mul3A_59, %mul3A_61 : i32
      "tpu.region"() ({
        %run_scoped3A = tpu.sem_alloc : memref<!tpu.dma_semaphore, #tpu.memory_space<semaphore_mem>>
        %dma_start3A_505 = tpu.memref_slice %arg3[%add3A_62] : memref<160000xi32, #tpu.memory_space<hbm>> -> memref<2000xi32, #tpu.memory_space<hbm>>
        %dma_start3A_506 = tpu.memref_slice %arg3[%add3A_62] : memref<160000xi32, #tpu.memory_space<hbm>> -> memref<2000xi32, #tpu.memory_space<hbm>>
        tpu.enqueue_dma source(%dma_start3A_506 : memref<2000xi32, #tpu.memory_space<hbm>>) target(%arg8 : memref<2000xi32, #tpu.memory_space<vmem>>) target_semaphore(%run_scoped3A : memref<!tpu.dma_semaphore, #tpu.memory_space<semaphore_mem>>)
        %dma_wait3A_507 = tpu.memref_slice %arg3[%add3A_62] : memref<160000xi32, #tpu.memory_space<hbm>> -> memref<2000xi32, #tpu.memory_space<hbm>>
        %dma_wait3A_508 = tpu.memref_slice %arg3[%add3A_62] : memref<160000xi32, #tpu.memory_space<hbm>> -> memref<2000xi32, #tpu.memory_space<hbm>>
        tpu.wait_dma2 semaphore(%run_scoped3A : memref<!tpu.dma_semaphore, #tpu.memory_space<semaphore_mem>>) src(%dma_wait3A_508 : memref<2000xi32, #tpu.memory_space<hbm>>) dst(%arg8 : memref<2000xi32, #tpu.memory_space<vmem>>)
        tpu.yield
      }) : () -> ()
      "tpu.region"() ({
        %run_scoped3A = tpu.sem_alloc : memref<!tpu.dma_semaphore, #tpu.memory_space<semaphore_mem>>
        %dma_start3A_505 = tpu.memref_slice %arg4[%add3A_62] : memref<160000xi32, #tpu.memory_space<hbm>> -> memref<2000xi32, #tpu.memory_space<hbm>>
        %dma_start3A_506 = tpu.memref_slice %arg4[%add3A_62] : memref<160000xi32, #tpu.memory_space<hbm>> -> memref<2000xi32, #tpu.memory_space<hbm>>
        tpu.enqueue_dma source(%dma_start3A_506 : memref<2000xi32, #tpu.memory_space<hbm>>) target(%arg9 : memref<2000xi32, #tpu.memory_space<vmem>>) target_semaphore(%run_scoped3A : memref<!tpu.dma_semaphore, #tpu.memory_space<semaphore_mem>>)
        %dma_wait3A_507 = tpu.memref_slice %arg4[%add3A_62] : memref<160000xi32, #tpu.memory_space<hbm>> -> memref<2000xi32, #tpu.memory_space<hbm>>
        %dma_wait3A_508 = tpu.memref_slice %arg4[%add3A_62] : memref<160000xi32, #tpu.memory_space<hbm>> -> memref<2000xi32, #tpu.memory_space<hbm>>
        tpu.wait_dma2 semaphore(%run_scoped3A : memref<!tpu.dma_semaphore, #tpu.memory_space<semaphore_mem>>) src(%dma_wait3A_508 : memref<2000xi32, #tpu.memory_space<hbm>>) dst(%arg9 : memref<2000xi32, #tpu.memory_space<vmem>>)
        tpu.yield
      }) : () -> ()
      "tpu.region"() ({
        %run_scoped3A = tpu.sem_alloc : memref<!tpu.dma_semaphore, #tpu.memory_space<semaphore_mem>>
        %dma_start3A_505 = arith.constant 0 : i32
        %dma_start3A_506 = arith.constant 0 : i32
        %dma_start3A_507 = tpu.memref_slice %arg5[%arg1, %scan3A_58, %dma_start3A_505, %dma_start3A_506] : memref<16x5x25x80xi32, #tpu.memory_space<hbm>> -> memref<1x1x25x80xi32, #tpu.memory_space<hbm>>
        %dma_start3A_508 = tpu.memref_squeeze %dma_start3A_507 : memref<1x1x25x80xi32, #tpu.memory_space<hbm>> -> memref<25x80xi32, #tpu.memory_space<hbm>>
        %dma_start3A_509 = arith.constant 0 : i32
        %dma_start3A_510 = arith.constant 0 : i32
        %dma_start3A_511 = tpu.memref_slice %arg5[%arg1, %scan3A_58, %dma_start3A_509, %dma_start3A_510] : memref<16x5x25x80xi32, #tpu.memory_space<hbm>> -> memref<1x1x25x80xi32, #tpu.memory_space<hbm>>
        %dma_start3A_512 = tpu.memref_squeeze %dma_start3A_511 : memref<1x1x25x80xi32, #tpu.memory_space<hbm>> -> memref<25x80xi32, #tpu.memory_space<hbm>>
        tpu.enqueue_dma source(%dma_start3A_512 : memref<25x80xi32, #tpu.memory_space<hbm>>) target(%arg10 : memref<25x80xi32, #tpu.memory_space<vmem>>) target_semaphore(%run_scoped3A : memref<!tpu.dma_semaphore, #tpu.memory_space<semaphore_mem>>)
        %dma_wait3A_513 = arith.constant 0 : i32
        %dma_wait3A_514 = arith.constant 0 : i32
        %dma_wait3A_515 = tpu.memref_slice %arg5[%arg1, %scan3A_58, %dma_wait3A_513, %dma_wait3A_514] : memref<16x5x25x80xi32, #tpu.memory_space<hbm>> -> memref<1x1x25x80xi32, #tpu.memory_space<hbm>>
        %dma_wait3A_516 = tpu.memref_squeeze %dma_wait3A_515 : memref<1x1x25x80xi32, #tpu.memory_space<hbm>> -> memref<25x80xi32, #tpu.memory_space<hbm>>
        %dma_wait3A_517 = arith.constant 0 : i32
        %dma_wait3A_518 = arith.constant 0 : i32
        %dma_wait3A_519 = tpu.memref_slice %arg5[%arg1, %scan3A_58, %dma_wait3A_517, %dma_wait3A_518] : memref<16x5x25x80xi32, #tpu.memory_space<hbm>> -> memref<1x1x25x80xi32, #tpu.memory_space<hbm>>
        %dma_wait3A_520 = tpu.memref_squeeze %dma_wait3A_519 : memref<1x1x25x80xi32, #tpu.memory_space<hbm>> -> memref<25x80xi32, #tpu.memory_space<hbm>>
        tpu.wait_dma2 semaphore(%run_scoped3A : memref<!tpu.dma_semaphore, #tpu.memory_space<semaphore_mem>>) src(%dma_wait3A_520 : memref<25x80xi32, #tpu.memory_space<hbm>>) dst(%arg10 : memref<25x80xi32, #tpu.memory_space<vmem>>)
        tpu.yield
      }) : () -> ()
      %get3A = arith.constant 0 : index
      %get3A_63 = tpu.vector_load %arg9[%get3A] {strides = array<i32>} : memref<2000xi32, #tpu.memory_space<vmem>>, vector<16xi32>,
      %get3A_64 = vector.shape_cast %get3A_63 : vector<16xi32> to vector<16xi32>
      %get3A_65 = arith.constant 0 : index
      %get3A_66 = tpu.vector_load %arg8[%get3A_65] {strides = array<i32>} : memref<2000xi32, #tpu.memory_space<vmem>>, vector<16xi32>,
      %get3A_67 = vector.shape_cast %get3A_66 : vector<16xi32> to vector<16xi32>
      %mul3A_68 = arith.constant 10000 : i32
      %mul3A_69 = vector.broadcast %mul3A_68 : i32 to vector<16xi32>
      %mul3A_70 = arith.muli %get3A_64, %mul3A_69 : vector<16xi32>
      %add3A_71 = arith.addi %mul3A_70, %get3A_67 : vector<16xi32>
      %mul3A_72 = arith.constant 500000 : i32
      %mul3A_73 = arith.muli %arg0, %mul3A_72 : i32
      %add3A_74 = vector.broadcast %mul3A_73 : i32 to vector<16xi32>
      %add3A_75 = arith.addi %add3A_71, %add3A_74 : vector<16xi32>
      %swap3A = arith.constant 0 : index
      %swap3A_76 = tpu.vector_load %arg11[%swap3A] {strides = array<i32>} : memref<80xi32, #tpu.memory_space<vmem>>, vector<16xi32>,
      %swap3A_77 = vector.shape_cast %swap3A_76 : vector<16xi32> to vector<16xi32>
      %swap3A_78 = vector.shape_cast %add3A_75 : vector<16xi32> to vector<16xi32>
      tpu.vector_store %arg11[%swap3A], %swap3A_78 {strides = array<i32>} : memref<80xi32, #tpu.memory_space<vmem>>, vector<16xi32>,
      %get3A_79 = arith.constant 16 : index
      %get3A_80 = tpu.vector_load %arg9[%get3A_79] {strides = array<i32>} : memref<2000xi32, #tpu.memory_space<vmem>>, vector<16xi32>,
      %get3A_81 = vector.shape_cast %get3A_80 : vector<16xi32> to vector<16xi32>
      %get3A_82 = arith.constant 16 : index
      %get3A_83 = tpu.vector_load %arg8[%get3A_82] {strides = array<i32>} : memref<2000xi32, #tpu.memory_space<vmem>>, vector<16xi32>,
      %get3A_84 = vector.shape_cast %get3A_83 : vector<16xi32> to vector<16xi32>
      %mul3A_85 = arith.constant 10000 : i32
      %mul3A_86 = vector.broadcast %mul3A_85 : i32 to vector<16xi32>
      %mul3A_87 = arith.muli %get3A_81, %mul3A_86 : vector<16xi32>
      %add3A_88 = arith.addi %mul3A_87, %get3A_84 : vector<16xi32>
      %mul3A_89 = arith.constant 500000 : i32
      %mul3A_90 = arith.muli %arg0, %mul3A_89 : i32
      %add3A_91 = vector.broadcast %mul3A_90 : i32 to vector<16xi32>
      %add3A_92 = arith.addi %add3A_88, %add3A_91 : vector<16xi32>
      %swap3A_93 = arith.constant 16 : index
      %swap3A_94 = tpu.vector_load %arg11[%swap3A_93] {strides = array<i32>} : memref<80xi32, #tpu.memory_space<vmem>>, vector<16xi32>,
      %swap3A_95 = vector.shape_cast %swap3A_94 : vector<16xi32> to vector<16xi32>
      %swap3A_96 = vector.shape_cast %add3A_92 : vector<16xi32> to vector<16xi32>
      tpu.vector_store %arg11[%swap3A_93], %swap3A_96 {strides = array<i32>} : memref<80xi32, #tpu.memory_space<vmem>>, vector<16xi32>,
      %get3A_97 = arith.constant 32 : index
      %get3A_98 = tpu.vector_load %arg9[%get3A_97] {strides = array<i32>} : memref<2000xi32, #tpu.memory_space<vmem>>, vector<16xi32>,
      %get3A_99 = vector.shape_cast %get3A_98 : vector<16xi32> to vector<16xi32>
      %get3A_100 = arith.constant 32 : index
      %get3A_101 = tpu.vector_load %arg8[%get3A_100] {strides = array<i32>} : memref<2000xi32, #tpu.memory_space<vmem>>, vector<16xi32>,
      %get3A_102 = vector.shape_cast %get3A_101 : vector<16xi32> to vector<16xi32>
      %mul3A_103 = arith.constant 10000 : i32
      %mul3A_104 = vector.broadcast %mul3A_103 : i32 to vector<16xi32>
      %mul3A_105 = arith.muli %get3A_99, %mul3A_104 : vector<16xi32>
      %add3A_106 = arith.addi %mul3A_105, %get3A_102 : vector<16xi32>
      %mul3A_107 = arith.constant 500000 : i32
      %mul3A_108 = arith.muli %arg0, %mul3A_107 : i32
      %add3A_109 = vector.broadcast %mul3A_108 : i32 to vector<16xi32>
      %add3A_110 = arith.addi %add3A_106, %add3A_109 : vector<16xi32>
      %swap3A_111 = arith.constant 32 : index
      %swap3A_112 = tpu.vector_load %arg11[%swap3A_111] {strides = array<i32>} : memref<80xi32, #tpu.memory_space<vmem>>, vector<16xi32>,
      %swap3A_113 = vector.shape_cast %swap3A_112 : vector<16xi32> to vector<16xi32>
      %swap3A_114 = vector.shape_cast %add3A_110 : vector<16xi32> to vector<16xi32>
      tpu.vector_store %arg11[%swap3A_111], %swap3A_114 {strides = array<i32>} : memref<80xi32, #tpu.memory_space<vmem>>, vector<16xi32>,
      %get3A_115 = arith.constant 48 : index
      %get3A_116 = tpu.vector_load %arg9[%get3A_115] {strides = array<i32>} : memref<2000xi32, #tpu.memory_space<vmem>>, vector<16xi32>,
      %get3A_117 = vector.shape_cast %get3A_116 : vector<16xi32> to vector<16xi32>
      %get3A_118 = arith.constant 48 : index
      %get3A_119 = tpu.vector_load %arg8[%get3A_118] {strides = array<i32>} : memref<2000xi32, #tpu.memory_space<vmem>>, vector<16xi32>,
      %get3A_120 = vector.shape_cast %get3A_119 : vector<16xi32> to vector<16xi32>
      %mul3A_121 = arith.constant 10000 : i32
      %mul3A_122 = vector.broadcast %mul3A_121 : i32 to vector<16xi32>
      %mul3A_123 = arith.muli %get3A_117, %mul3A_122 : vector<16xi32>
      %add3A_124 = arith.addi %mul3A_123, %get3A_120 : vector<16xi32>
      %mul3A_125 = arith.constant 500000 : i32
      %mul3A_126 = arith.muli %arg0, %mul3A_125 : i32
      %add3A_127 = vector.broadcast %mul3A_126 : i32 to vector<16xi32>
      %add3A_128 = arith.addi %add3A_124, %add3A_127 : vector<16xi32>
      %swap3A_129 = arith.constant 48 : index
      %swap3A_130 = tpu.vector_load %arg11[%swap3A_129] {strides = array<i32>} : memref<80xi32, #tpu.memory_space<vmem>>, vector<16xi32>,
      %swap3A_131 = vector.shape_cast %swap3A_130 : vector<16xi32> to vector<16xi32>
      %swap3A_132 = vector.shape_cast %add3A_128 : vector<16xi32> to vector<16xi32>
      tpu.vector_store %arg11[%swap3A_129], %swap3A_132 {strides = array<i32>} : memref<80xi32, #tpu.memory_space<vmem>>, vector<16xi32>,
      %get3A_133 = arith.constant 64 : index
      %get3A_134 = tpu.vector_load %arg9[%get3A_133] {strides = array<i32>} : memref<2000xi32, #tpu.memory_space<vmem>>, vector<16xi32>,
      %get3A_135 = vector.shape_cast %get3A_134 : vector<16xi32> to vector<16xi32>
      %get3A_136 = arith.constant 64 : index
      %get3A_137 = tpu.vector_load %arg8[%get3A_136] {strides = array<i32>} : memref<2000xi32, #tpu.memory_space<vmem>>, vector<16xi32>,
      %get3A_138 = vector.shape_cast %get3A_137 : vector<16xi32> to vector<16xi32>
      %mul3A_139 = arith.constant 10000 : i32
      %mul3A_140 = vector.broadcast %mul3A_139 : i32 to vector<16xi32>
      %mul3A_141 = arith.muli %get3A_135, %mul3A_140 : vector<16xi32>
      %add3A_142 = arith.addi %mul3A_141, %get3A_138 : vector<16xi32>
      %mul3A_143 = arith.constant 500000 : i32
      %mul3A_144 = arith.muli %arg0, %mul3A_143 : i32
      %add3A_145 = vector.broadcast %mul3A_144 : i32 to vector<16xi32>
      %add3A_146 = arith.addi %add3A_142, %add3A_145 : vector<16xi32>
      %swap3A_147 = arith.constant 64 : index
      %swap3A_148 = tpu.vector_load %arg11[%swap3A_147] {strides = array<i32>} : memref<80xi32, #tpu.memory_space<vmem>>, vector<16xi32>,
      %swap3A_149 = vector.shape_cast %swap3A_148 : vector<16xi32> to vector<16xi32>
      %swap3A_150 = vector.shape_cast %add3A_146 : vector<16xi32> to vector<16xi32>
      tpu.vector_store %arg11[%swap3A_147], %swap3A_150 {strides = array<i32>} : memref<80xi32, #tpu.memory_space<vmem>>, vector<16xi32>,
      %dma_start3A = arith.constant 0 : i32
      %dma_start3A_151 = arith.constant 0 : i32
      %dma_start3A_152 = tpu.memref_slice %arg2[%dma_start3A, %dma_start3A_151] : memref<1000000x128xf32, #tpu.memory_space<hbm>> -> memref<1000000x128xf32, #tpu.memory_space<hbm>>
      tpu.enqueue_indirect_dma source(%dma_start3A_152 : memref<1000000x128xf32, #tpu.memory_space<hbm>>) target(%arg14 : memref<80x128xf32, #tpu.memory_space<vmem>>) offsets(%arg11 : memref<80xi32, #tpu.memory_space<vmem>>) semaphore(%arg18 : memref<!tpu.dma_semaphore, #tpu.memory_space<semaphore_mem>>)
      %get3A_153 = arith.constant 80 : index
      %get3A_154 = tpu.vector_load %arg9[%get3A_153] {strides = array<i32>} : memref<2000xi32, #tpu.memory_space<vmem>>, vector<16xi32>,
      %get3A_155 = vector.shape_cast %get3A_154 : vector<16xi32> to vector<16xi32>
      %get3A_156 = arith.constant 80 : index
      %get3A_157 = tpu.vector_load %arg8[%get3A_156] {strides = array<i32>} : memref<2000xi32, #tpu.memory_space<vmem>>, vector<16xi32>,
      %get3A_158 = vector.shape_cast %get3A_157 : vector<16xi32> to vector<16xi32>
      %mul3A_159 = arith.constant 10000 : i32
      %mul3A_160 = vector.broadcast %mul3A_159 : i32 to vector<16xi32>
      %mul3A_161 = arith.muli %get3A_155, %mul3A_160 : vector<16xi32>
      %add3A_162 = arith.addi %mul3A_161, %get3A_158 : vector<16xi32>
      %mul3A_163 = arith.constant 500000 : i32
      %mul3A_164 = arith.muli %arg0, %mul3A_163 : i32
      %add3A_165 = vector.broadcast %mul3A_164 : i32 to vector<16xi32>
      %add3A_166 = arith.addi %add3A_162, %add3A_165 : vector<16xi32>
      %swap3A_167 = arith.constant 0 : index
      %swap3A_168 = tpu.vector_load %arg12[%swap3A_167] {strides = array<i32>} : memref<80xi32, #tpu.memory_space<vmem>>, vector<16xi32>,
      %swap3A_169 = vector.shape_cast %swap3A_168 : vector<16xi32> to vector<16xi32>
      %swap3A_170 = vector.shape_cast %add3A_166 : vector<16xi32> to vector<16xi32>
      tpu.vector_store %arg12[%swap3A_167], %swap3A_170 {strides = array<i32>} : memref<80xi32, #tpu.memory_space<vmem>>, vector<16xi32>,
      %get3A_171 = arith.constant 96 : index
      %get3A_172 = tpu.vector_load %arg9[%get3A_171] {strides = array<i32>} : memref<2000xi32, #tpu.memory_space<vmem>>, vector<16xi32>,
      %get3A_173 = vector.shape_cast %get3A_172 : vector<16xi32> to vector<16xi32>
      %get3A_174 = arith.constant 96 : index
      %get3A_175 = tpu.vector_load %arg8[%get3A_174] {strides = array<i32>} : memref<2000xi32, #tpu.memory_space<vmem>>, vector<16xi32>,
      %get3A_176 = vector.shape_cast %get3A_175 : vector<16xi32> to vector<16xi32>
      %mul3A_177 = arith.constant 10000 : i32
      %mul3A_178 = vector.broadcast %mul3A_177 : i32 to vector<16xi32>
      %mul3A_179 = arith.muli %get3A_173, %mul3A_178 : vector<16xi32>
      %add3A_180 = arith.addi %mul3A_179, %get3A_176 : vector<16xi32>
      %mul3A_181 = arith.constant 500000 : i32
      %mul3A_182 = arith.muli %arg0, %mul3A_181 : i32
      %add3A_183 = vector.broadcast %mul3A_182 : i32 to vector<16xi32>
      %add3A_184 = arith.addi %add3A_180, %add3A_183 : vector<16xi32>
      %swap3A_185 = arith.constant 16 : index
      %swap3A_186 = tpu.vector_load %arg12[%swap3A_185] {strides = array<i32>} : memref<80xi32, #tpu.memory_space<vmem>>, vector<16xi32>,
      %swap3A_187 = vector.shape_cast %swap3A_186 : vector<16xi32> to vector<16xi32>
      %swap3A_188 = vector.shape_cast %add3A_184 : vector<16xi32> to vector<16xi32>
      tpu.vector_store %arg12[%swap3A_185], %swap3A_188 {strides = array<i32>} : memref<80xi32, #tpu.memory_space<vmem>>, vector<16xi32>,
      %get3A_189 = arith.constant 112 : index
      %get3A_190 = tpu.vector_load %arg9[%get3A_189] {strides = array<i32>} : memref<2000xi32, #tpu.memory_space<vmem>>, vector<16xi32>,
      %get3A_191 = vector.shape_cast %get3A_190 : vector<16xi32> to vector<16xi32>
      %get3A_192 = arith.constant 112 : index
      %get3A_193 = tpu.vector_load %arg8[%get3A_192] {strides = array<i32>} : memref<2000xi32, #tpu.memory_space<vmem>>, vector<16xi32>,
      %get3A_194 = vector.shape_cast %get3A_193 : vector<16xi32> to vector<16xi32>
      %mul3A_195 = arith.constant 10000 : i32
      %mul3A_196 = vector.broadcast %mul3A_195 : i32 to vector<16xi32>
      %mul3A_197 = arith.muli %get3A_191, %mul3A_196 : vector<16xi32>
      %add3A_198 = arith.addi %mul3A_197, %get3A_194 : vector<16xi32>
      %mul3A_199 = arith.constant 500000 : i32
      %mul3A_200 = arith.muli %arg0, %mul3A_199 : i32
      %add3A_201 = vector.broadcast %mul3A_200 : i32 to vector<16xi32>
      %add3A_202 = arith.addi %add3A_198, %add3A_201 : vector<16xi32>
      %swap3A_203 = arith.constant 32 : index
      %swap3A_204 = tpu.vector_load %arg12[%swap3A_203] {strides = array<i32>} : memref<80xi32, #tpu.memory_space<vmem>>, vector<16xi32>,
      %swap3A_205 = vector.shape_cast %swap3A_204 : vector<16xi32> to vector<16xi32>
      %swap3A_206 = vector.shape_cast %add3A_202 : vector<16xi32> to vector<16xi32>
      tpu.vector_store %arg12[%swap3A_203], %swap3A_206 {strides = array<i32>} : memref<80xi32, #tpu.memory_space<vmem>>, vector<16xi32>,
      %get3A_207 = arith.constant 128 : index
      %get3A_208 = tpu.vector_load %arg9[%get3A_207] {strides = array<i32>} : memref<2000xi32, #tpu.memory_space<vmem>>, vector<16xi32>,
      %get3A_209 = vector.shape_cast %get3A_208 : vector<16xi32> to vector<16xi32>
      %get3A_210 = arith.constant 128 : index
      %get3A_211 = tpu.vector_load %arg8[%get3A_210] {strides = array<i32>} : memref<2000xi32, #tpu.memory_space<vmem>>, vector<16xi32>,
      %get3A_212 = vector.shape_cast %get3A_211 : vector<16xi32> to vector<16xi32>
      %mul3A_213 = arith.constant 10000 : i32
      %mul3A_214 = vector.broadcast %mul3A_213 : i32 to vector<16xi32>
      %mul3A_215 = arith.muli %get3A_209, %mul3A_214 : vector<16xi32>
      %add3A_216 = arith.addi %mul3A_215, %get3A_212 : vector<16xi32>
      %mul3A_217 = arith.constant 500000 : i32
      %mul3A_218 = arith.muli %arg0, %mul3A_217 : i32
      %add3A_219 = vector.broadcast %mul3A_218 : i32 to vector<16xi32>
      %add3A_220 = arith.addi %add3A_216, %add3A_219 : vector<16xi32>
      %swap3A_221 = arith.constant 48 : index
      %swap3A_222 = tpu.vector_load %arg12[%swap3A_221] {strides = array<i32>} : memref<80xi32, #tpu.memory_space<vmem>>, vector<16xi32>,
      %swap3A_223 = vector.shape_cast %swap3A_222 : vector<16xi32> to vector<16xi32>
      %swap3A_224 = vector.shape_cast %add3A_220 : vector<16xi32> to vector<16xi32>
      tpu.vector_store %arg12[%swap3A_221], %swap3A_224 {strides = array<i32>} : memref<80xi32, #tpu.memory_space<vmem>>, vector<16xi32>,
      %get3A_225 = arith.constant 144 : index
      %get3A_226 = tpu.vector_load %arg9[%get3A_225] {strides = array<i32>} : memref<2000xi32, #tpu.memory_space<vmem>>, vector<16xi32>,
      %get3A_227 = vector.shape_cast %get3A_226 : vector<16xi32> to vector<16xi32>
      %get3A_228 = arith.constant 144 : index
      %get3A_229 = tpu.vector_load %arg8[%get3A_228] {strides = array<i32>} : memref<2000xi32, #tpu.memory_space<vmem>>, vector<16xi32>,
      %get3A_230 = vector.shape_cast %get3A_229 : vector<16xi32> to vector<16xi32>
      %mul3A_231 = arith.constant 10000 : i32
      %mul3A_232 = vector.broadcast %mul3A_231 : i32 to vector<16xi32>
      %mul3A_233 = arith.muli %get3A_227, %mul3A_232 : vector<16xi32>
      %add3A_234 = arith.addi %mul3A_233, %get3A_230 : vector<16xi32>
      %mul3A_235 = arith.constant 500000 : i32
      %mul3A_236 = arith.muli %arg0, %mul3A_235 : i32
      %add3A_237 = vector.broadcast %mul3A_236 : i32 to vector<16xi32>
      %add3A_238 = arith.addi %add3A_234, %add3A_237 : vector<16xi32>
      %swap3A_239 = arith.constant 64 : index
      %swap3A_240 = tpu.vector_load %arg12[%swap3A_239] {strides = array<i32>} : memref<80xi32, #tpu.memory_space<vmem>>, vector<16xi32>,
      %swap3A_241 = vector.shape_cast %swap3A_240 : vector<16xi32> to vector<16xi32>
      %swap3A_242 = vector.shape_cast %add3A_238 : vector<16xi32> to vector<16xi32>
      tpu.vector_store %arg12[%swap3A_239], %swap3A_242 {strides = array<i32>} : memref<80xi32, #tpu.memory_space<vmem>>, vector<16xi32>,
      %dma_start3A_243 = arith.constant 0 : i32
      %dma_start3A_244 = arith.constant 0 : i32
      %dma_start3A_245 = tpu.memref_slice %arg2[%dma_start3A_243, %dma_start3A_244] : memref<1000000x128xf32, #tpu.memory_space<hbm>> -> memref<1000000x128xf32, #tpu.memory_space<hbm>>
      tpu.enqueue_indirect_dma source(%dma_start3A_245 : memref<1000000x128xf32, #tpu.memory_space<hbm>>) target(%arg15 : memref<80x128xf32, #tpu.memory_space<vmem>>) offsets(%arg12 : memref<80xi32, #tpu.memory_space<vmem>>) semaphore(%arg19 : memref<!tpu.dma_semaphore, #tpu.memory_space<semaphore_mem>>)
      %get3A_246 = arith.constant 160 : index
      %get3A_247 = tpu.vector_load %arg9[%get3A_246] {strides = array<i32>} : memref<2000xi32, #tpu.memory_space<vmem>>, vector<16xi32>,
      %get3A_248 = vector.shape_cast %get3A_247 : vector<16xi32> to vector<16xi32>
      %get3A_249 = arith.constant 160 : index
      %get3A_250 = tpu.vector_load %arg8[%get3A_249] {strides = array<i32>} : memref<2000xi32, #tpu.memory_space<vmem>>, vector<16xi32>,
      %get3A_251 = vector.shape_cast %get3A_250 : vector<16xi32> to vector<16xi32>
      %mul3A_252 = arith.constant 10000 : i32
      %mul3A_253 = vector.broadcast %mul3A_252 : i32 to vector<16xi32>
      %mul3A_254 = arith.muli %get3A_248, %mul3A_253 : vector<16xi32>
      %add3A_255 = arith.addi %mul3A_254, %get3A_251 : vector<16xi32>
      %mul3A_256 = arith.constant 500000 : i32
      %mul3A_257 = arith.muli %arg0, %mul3A_256 : i32
      %add3A_258 = vector.broadcast %mul3A_257 : i32 to vector<16xi32>
      %add3A_259 = arith.addi %add3A_255, %add3A_258 : vector<16xi32>
      %swap3A_260 = arith.constant 0 : index
      %swap3A_261 = tpu.vector_load %arg13[%swap3A_260] {strides = array<i32>} : memref<80xi32, #tpu.memory_space<vmem>>, vector<16xi32>,
      %swap3A_262 = vector.shape_cast %swap3A_261 : vector<16xi32> to vector<16xi32>
      %swap3A_263 = vector.shape_cast %add3A_259 : vector<16xi32> to vector<16xi32>
      tpu.vector_store %arg13[%swap3A_260], %swap3A_263 {strides = array<i32>} : memref<80xi32, #tpu.memory_space<vmem>>, vector<16xi32>,
      %get3A_264 = arith.constant 176 : index
      %get3A_265 = tpu.vector_load %arg9[%get3A_264] {strides = array<i32>} : memref<2000xi32, #tpu.memory_space<vmem>>, vector<16xi32>,
      %get3A_266 = vector.shape_cast %get3A_265 : vector<16xi32> to vector<16xi32>
      %get3A_267 = arith.constant 176 : index
      %get3A_268 = tpu.vector_load %arg8[%get3A_267] {strides = array<i32>} : memref<2000xi32, #tpu.memory_space<vmem>>, vector<16xi32>,
      %get3A_269 = vector.shape_cast %get3A_268 : vector<16xi32> to vector<16xi32>
      %mul3A_270 = arith.constant 10000 : i32
      %mul3A_271 = vector.broadcast %mul3A_270 : i32 to vector<16xi32>
      %mul3A_272 = arith.muli %get3A_266, %mul3A_271 : vector<16xi32>
      %add3A_273 = arith.addi %mul3A_272, %get3A_269 : vector<16xi32>
      %mul3A_274 = arith.constant 500000 : i32
      %mul3A_275 = arith.muli %arg0, %mul3A_274 : i32
      %add3A_276 = vector.broadcast %mul3A_275 : i32 to vector<16xi32>
      %add3A_277 = arith.addi %add3A_273, %add3A_276 : vector<16xi32>
      %swap3A_278 = arith.constant 16 : index
      %swap3A_279 = tpu.vector_load %arg13[%swap3A_278] {strides = array<i32>} : memref<80xi32, #tpu.memory_space<vmem>>, vector<16xi32>,
      %swap3A_280 = vector.shape_cast %swap3A_279 : vector<16xi32> to vector<16xi32>
      %swap3A_281 = vector.shape_cast %add3A_277 : vector<16xi32> to vector<16xi32>
      tpu.vector_store %arg13[%swap3A_278], %swap3A_281 {strides = array<i32>} : memref<80xi32, #tpu.memory_space<vmem>>, vector<16xi32>,
      %get3A_282 = arith.constant 192 : index
      %get3A_283 = tpu.vector_load %arg9[%get3A_282] {strides = array<i32>} : memref<2000xi32, #tpu.memory_space<vmem>>, vector<16xi32>,
      %get3A_284 = vector.shape_cast %get3A_283 : vector<16xi32> to vector<16xi32>
      %get3A_285 = arith.constant 192 : index
      %get3A_286 = tpu.vector_load %arg8[%get3A_285] {strides = array<i32>} : memref<2000xi32, #tpu.memory_space<vmem>>, vector<16xi32>,
      %get3A_287 = vector.shape_cast %get3A_286 : vector<16xi32> to vector<16xi32>
      %mul3A_288 = arith.constant 10000 : i32
      %mul3A_289 = vector.broadcast %mul3A_288 : i32 to vector<16xi32>
      %mul3A_290 = arith.muli %get3A_284, %mul3A_289 : vector<16xi32>
      %add3A_291 = arith.addi %mul3A_290, %get3A_287 : vector<16xi32>
      %mul3A_292 = arith.constant 500000 : i32
      %mul3A_293 = arith.muli %arg0, %mul3A_292 : i32
      %add3A_294 = vector.broadcast %mul3A_293 : i32 to vector<16xi32>
      %add3A_295 = arith.addi %add3A_291, %add3A_294 : vector<16xi32>
      %swap3A_296 = arith.constant 32 : index
      %swap3A_297 = tpu.vector_load %arg13[%swap3A_296] {strides = array<i32>} : memref<80xi32, #tpu.memory_space<vmem>>, vector<16xi32>,
      %swap3A_298 = vector.shape_cast %swap3A_297 : vector<16xi32> to vector<16xi32>
      %swap3A_299 = vector.shape_cast %add3A_295 : vector<16xi32> to vector<16xi32>
      tpu.vector_store %arg13[%swap3A_296], %swap3A_299 {strides = array<i32>} : memref<80xi32, #tpu.memory_space<vmem>>, vector<16xi32>,
      %get3A_300 = arith.constant 208 : index
      %get3A_301 = tpu.vector_load %arg9[%get3A_300] {strides = array<i32>} : memref<2000xi32, #tpu.memory_space<vmem>>, vector<16xi32>,
      %get3A_302 = vector.shape_cast %get3A_301 : vector<16xi32> to vector<16xi32>
      %get3A_303 = arith.constant 208 : index
      %get3A_304 = tpu.vector_load %arg8[%get3A_303] {strides = array<i32>} : memref<2000xi32, #tpu.memory_space<vmem>>, vector<16xi32>,
      %get3A_305 = vector.shape_cast %get3A_304 : vector<16xi32> to vector<16xi32>
      %mul3A_306 = arith.constant 10000 : i32
      %mul3A_307 = vector.broadcast %mul3A_306 : i32 to vector<16xi32>
      %mul3A_308 = arith.muli %get3A_302, %mul3A_307 : vector<16xi32>
      %add3A_309 = arith.addi %mul3A_308, %get3A_305 : vector<16xi32>
      %mul3A_310 = arith.constant 500000 : i32
      %mul3A_311 = arith.muli %arg0, %mul3A_310 : i32
      %add3A_312 = vector.broadcast %mul3A_311 : i32 to vector<16xi32>
      %add3A_313 = arith.addi %add3A_309, %add3A_312 : vector<16xi32>
      %swap3A_314 = arith.constant 48 : index
      %swap3A_315 = tpu.vector_load %arg13[%swap3A_314] {strides = array<i32>} : memref<80xi32, #tpu.memory_space<vmem>>, vector<16xi32>,
      %swap3A_316 = vector.shape_cast %swap3A_315 : vector<16xi32> to vector<16xi32>
      %swap3A_317 = vector.shape_cast %add3A_313 : vector<16xi32> to vector<16xi32>
      tpu.vector_store %arg13[%swap3A_314], %swap3A_317 {strides = array<i32>} : memref<80xi32, #tpu.memory_space<vmem>>, vector<16xi32>,
      %get3A_318 = arith.constant 224 : index
      %get3A_319 = tpu.vector_load %arg9[%get3A_318] {strides = array<i32>} : memref<2000xi32, #tpu.memory_space<vmem>>, vector<16xi32>,
      %get3A_320 = vector.shape_cast %get3A_319 : vector<16xi32> to vector<16xi32>
      %get3A_321 = arith.constant 224 : index
      %get3A_322 = tpu.vector_load %arg8[%get3A_321] {strides = array<i32>} : memref<2000xi32, #tpu.memory_space<vmem>>, vector<16xi32>,
      %get3A_323 = vector.shape_cast %get3A_322 : vector<16xi32> to vector<16xi32>
      %mul3A_324 = arith.constant 10000 : i32
      %mul3A_325 = vector.broadcast %mul3A_324 : i32 to vector<16xi32>
      %mul3A_326 = arith.muli %get3A_320, %mul3A_325 : vector<16xi32>
      %add3A_327 = arith.addi %mul3A_326, %get3A_323 : vector<16xi32>
      %mul3A_328 = arith.constant 500000 : i32
      %mul3A_329 = arith.muli %arg0, %mul3A_328 : i32
      %add3A_330 = vector.broadcast %mul3A_329 : i32 to vector<16xi32>
      %add3A_331 = arith.addi %add3A_327, %add3A_330 : vector<16xi32>
      %swap3A_332 = arith.constant 64 : index
      %swap3A_333 = tpu.vector_load %arg13[%swap3A_332] {strides = array<i32>} : memref<80xi32, #tpu.memory_space<vmem>>, vector<16xi32>,
      %swap3A_334 = vector.shape_cast %swap3A_333 : vector<16xi32> to vector<16xi32>
      %swap3A_335 = vector.shape_cast %add3A_331 : vector<16xi32> to vector<16xi32>
      tpu.vector_store %arg13[%swap3A_332], %swap3A_335 {strides = array<i32>} : memref<80xi32, #tpu.memory_space<vmem>>, vector<16xi32>,
      %dma_start3A_336 = arith.constant 0 : i32
      %dma_start3A_337 = arith.constant 0 : i32
      %dma_start3A_338 = tpu.memref_slice %arg2[%dma_start3A_336, %dma_start3A_337] : memref<1000000x128xf32, #tpu.memory_space<hbm>> -> memref<1000000x128xf32, #tpu.memory_space<hbm>>
      tpu.enqueue_indirect_dma source(%dma_start3A_338 : memref<1000000x128xf32, #tpu.memory_space<hbm>>) target(%arg16 : memref<80x128xf32, #tpu.memory_space<vmem>>) offsets(%arg13 : memref<80xi32, #tpu.memory_space<vmem>>) semaphore(%arg20 : memref<!tpu.dma_semaphore, #tpu.memory_space<semaphore_mem>>)
      %scan3A_339 = arith.constant 0 : i32
      %scan3A_340 = arith.constant 0 : i32
      %scan3A_341 = arith.constant 7 : i32
      %scan3A_342 = arith.addi %scan3A_340, %scan3A_341 : i32
      %scan3A_343 = arith.constant 1 : i32
      scf.for %scan3A_505 = %scan3A_340 to %scan3A_342 step %scan3A_343  : i32 {
        %mul3A_506 = arith.constant 3 : i32
        %mul3A_507 = arith.muli %scan3A_505, %mul3A_506 : i32
        %add3A_508 = arith.constant 0 : i32
        %add3A_509 = arith.addi %mul3A_507, %add3A_508 : i32
        %dma_wait3A_510 = arith.constant 0 : i32
        %dma_wait3A_511 = arith.constant 0 : i32
        %dma_wait3A_512 = tpu.memref_slice %arg2[%dma_wait3A_510, %dma_wait3A_511] : memref<1000000x128xf32, #tpu.memory_space<hbm>> -> memref<1000000x128xf32, #tpu.memory_space<hbm>>
        tpu.wait_indirect_dma semaphore(%arg18 : memref<!tpu.dma_semaphore, #tpu.memory_space<semaphore_mem>>) src(%dma_wait3A_512 : memref<1000000x128xf32, #tpu.memory_space<hbm>>) dst(%arg14 : memref<80x128xf32, #tpu.memory_space<vmem>>)
        %dma_start3A_513 = arith.constant 0 : i32
        %dma_start3A_514 = tpu.memref_slice %arg10[%add3A_509, %dma_start3A_513] : memref<25x80xi32, #tpu.memory_space<vmem>> -> memref<1x80xi32, #tpu.memory_space<vmem>>
        %dma_start3A_515 = tpu.memref_squeeze %dma_start3A_514 : memref<1x80xi32, #tpu.memory_space<vmem>> -> memref<80xi32, #tpu.memory_space<vmem>>
        %dma_start3A_516 = arith.constant 0 : i32
        %dma_start3A_517 = arith.constant 0 : i32
        %dma_start3A_518 = tpu.memref_slice %arg17[%dma_start3A_516, %dma_start3A_517] : memref<10000x128xf32, #tpu.memory_space<vmem_shared>> -> memref<10000x128xf32, #tpu.memory_space<vmem_shared>>
        tpu.enqueue_indirect_dma source(%arg14 : memref<80x128xf32, #tpu.memory_space<vmem>>) target(%dma_start3A_518 : memref<10000x128xf32, #tpu.memory_space<vmem_shared>>) offsets(%dma_start3A_515 : memref<80xi32, #tpu.memory_space<vmem>>) semaphore(%arg21 : memref<!tpu.dma_semaphore, #tpu.memory_space<semaphore_mem>>) {add = true}
        %add3A_519 = arith.constant 3 : i32
        %add3A_520 = arith.addi %add3A_509, %add3A_519 : i32
        %lt3A_521 = arith.constant 25 : i32
        %lt3A_522 = arith.cmpi slt, %add3A_520, %lt3A_521 : i32
        %convert_element_type3A_523 = arith.extui %lt3A_522 : i1 to i32
        %cond3A_524 = arith.constant 0 : i32
        %cond3A_525 = arith.cmpi ne, %convert_element_type3A_523, %cond3A_524 : i32
        scf.if %cond3A_525 {
          %mul3A_599 = arith.constant 80 : i32
          %mul3A_600 = arith.muli %add3A_520, %mul3A_599 : i32
          %add3A_601 = arith.constant 0 : i32
          %add3A_602 = arith.addi %mul3A_600, %add3A_601 : i32
          %get3A_603 = arith.index_cast %add3A_602 : i32 to index
          %get3A_604 = tpu.vector_load %arg9[%get3A_603] {strides = array<i32>} : memref<2000xi32, #tpu.memory_space<vmem>>, vector<16xi32>,
          %get3A_605 = vector.shape_cast %get3A_604 : vector<16xi32> to vector<16xi32>
          %add3A_606 = arith.constant 0 : i32
          %add3A_607 = arith.addi %mul3A_600, %add3A_606 : i32
          %get3A_608 = arith.index_cast %add3A_607 : i32 to index
          %get3A_609 = tpu.vector_load %arg8[%get3A_608] {strides = array<i32>} : memref<2000xi32, #tpu.memory_space<vmem>>, vector<16xi32>,
          %get3A_610 = vector.shape_cast %get3A_609 : vector<16xi32> to vector<16xi32>
          %mul3A_611 = arith.constant 10000 : i32
          %mul3A_612 = vector.broadcast %mul3A_611 : i32 to vector<16xi32>
          %mul3A_613 = arith.muli %get3A_605, %mul3A_612 : vector<16xi32>
          %add3A_614 = arith.addi %mul3A_613, %get3A_610 : vector<16xi32>
          %mul3A_615 = arith.constant 500000 : i32
          %mul3A_616 = arith.muli %arg0, %mul3A_615 : i32
          %add3A_617 = vector.broadcast %mul3A_616 : i32 to vector<16xi32>
          %add3A_618 = arith.addi %add3A_614, %add3A_617 : vector<16xi32>
          %swap3A_619 = arith.constant 0 : index
          %swap3A_620 = tpu.vector_load %arg11[%swap3A_619] {strides = array<i32>} : memref<80xi32, #tpu.memory_space<vmem>>, vector<16xi32>,
          %swap3A_621 = vector.shape_cast %swap3A_620 : vector<16xi32> to vector<16xi32>
          %swap3A_622 = vector.shape_cast %add3A_618 : vector<16xi32> to vector<16xi32>
          tpu.vector_store %arg11[%swap3A_619], %swap3A_622 {strides = array<i32>} : memref<80xi32, #tpu.memory_space<vmem>>, vector<16xi32>,
          %add3A_623 = arith.constant 16 : i32
          %add3A_624 = arith.addi %mul3A_600, %add3A_623 : i32
          %get3A_625 = arith.index_cast %add3A_624 : i32 to index
          %get3A_626 = tpu.vector_load %arg9[%get3A_625] {strides = array<i32>} : memref<2000xi32, #tpu.memory_space<vmem>>, vector<16xi32>,
          %get3A_627 = vector.shape_cast %get3A_626 : vector<16xi32> to vector<16xi32>
          %add3A_628 = arith.constant 16 : i32
          %add3A_629 = arith.addi %mul3A_600, %add3A_628 : i32
          %get3A_630 = arith.index_cast %add3A_629 : i32 to index
          %get3A_631 = tpu.vector_load %arg8[%get3A_630] {strides = array<i32>} : memref<2000xi32, #tpu.memory_space<vmem>>, vector<16xi32>,
          %get3A_632 = vector.shape_cast %get3A_631 : vector<16xi32> to vector<16xi32>
          %mul3A_633 = arith.constant 10000 : i32
          %mul3A_634 = vector.broadcast %mul3A_633 : i32 to vector<16xi32>
          %mul3A_635 = arith.muli %get3A_627, %mul3A_634 : vector<16xi32>
          %add3A_636 = arith.addi %mul3A_635, %get3A_632 : vector<16xi32>
          %mul3A_637 = arith.constant 500000 : i32
          %mul3A_638 = arith.muli %arg0, %mul3A_637 : i32
          %add3A_639 = vector.broadcast %mul3A_638 : i32 to vector<16xi32>
          %add3A_640 = arith.addi %add3A_636, %add3A_639 : vector<16xi32>
          %swap3A_641 = arith.constant 16 : index
          %swap3A_642 = tpu.vector_load %arg11[%swap3A_641] {strides = array<i32>} : memref<80xi32, #tpu.memory_space<vmem>>, vector<16xi32>,
          %swap3A_643 = vector.shape_cast %swap3A_642 : vector<16xi32> to vector<16xi32>
          %swap3A_644 = vector.shape_cast %add3A_640 : vector<16xi32> to vector<16xi32>
          tpu.vector_store %arg11[%swap3A_641], %swap3A_644 {strides = array<i32>} : memref<80xi32, #tpu.memory_space<vmem>>, vector<16xi32>,
          %add3A_645 = arith.constant 32 : i32
          %add3A_646 = arith.addi %mul3A_600, %add3A_645 : i32
          %get3A_647 = arith.index_cast %add3A_646 : i32 to index
          %get3A_648 = tpu.vector_load %arg9[%get3A_647] {strides = array<i32>} : memref<2000xi32, #tpu.memory_space<vmem>>, vector<16xi32>,
          %get3A_649 = vector.shape_cast %get3A_648 : vector<16xi32> to vector<16xi32>
          %add3A_650 = arith.constant 32 : i32
          %add3A_651 = arith.addi %mul3A_600, %add3A_650 : i32
          %get3A_652 = arith.index_cast %add3A_651 : i32 to index
          %get3A_653 = tpu.vector_load %arg8[%get3A_652] {strides = array<i32>} : memref<2000xi32, #tpu.memory_space<vmem>>, vector<16xi32>,
          %get3A_654 = vector.shape_cast %get3A_653 : vector<16xi32> to vector<16xi32>
          %mul3A_655 = arith.constant 10000 : i32
          %mul3A_656 = vector.broadcast %mul3A_655 : i32 to vector<16xi32>
          %mul3A_657 = arith.muli %get3A_649, %mul3A_656 : vector<16xi32>
          %add3A_658 = arith.addi %mul3A_657, %get3A_654 : vector<16xi32>
          %mul3A_659 = arith.constant 500000 : i32
          %mul3A_660 = arith.muli %arg0, %mul3A_659 : i32
          %add3A_661 = vector.broadcast %mul3A_660 : i32 to vector<16xi32>
          %add3A_662 = arith.addi %add3A_658, %add3A_661 : vector<16xi32>
          %swap3A_663 = arith.constant 32 : index
          %swap3A_664 = tpu.vector_load %arg11[%swap3A_663] {strides = array<i32>} : memref<80xi32, #tpu.memory_space<vmem>>, vector<16xi32>,
          %swap3A_665 = vector.shape_cast %swap3A_664 : vector<16xi32> to vector<16xi32>
          %swap3A_666 = vector.shape_cast %add3A_662 : vector<16xi32> to vector<16xi32>
          tpu.vector_store %arg11[%swap3A_663], %swap3A_666 {strides = array<i32>} : memref<80xi32, #tpu.memory_space<vmem>>, vector<16xi32>,
          %add3A_667 = arith.constant 48 : i32
          %add3A_668 = arith.addi %mul3A_600, %add3A_667 : i32
          %get3A_669 = arith.index_cast %add3A_668 : i32 to index
          %get3A_670 = tpu.vector_load %arg9[%get3A_669] {strides = array<i32>} : memref<2000xi32, #tpu.memory_space<vmem>>, vector<16xi32>,
          %get3A_671 = vector.shape_cast %get3A_670 : vector<16xi32> to vector<16xi32>
          %add3A_672 = arith.constant 48 : i32
          %add3A_673 = arith.addi %mul3A_600, %add3A_672 : i32
          %get3A_674 = arith.index_cast %add3A_673 : i32 to index
          %get3A_675 = tpu.vector_load %arg8[%get3A_674] {strides = array<i32>} : memref<2000xi32, #tpu.memory_space<vmem>>, vector<16xi32>,
          %get3A_676 = vector.shape_cast %get3A_675 : vector<16xi32> to vector<16xi32>
          %mul3A_677 = arith.constant 10000 : i32
          %mul3A_678 = vector.broadcast %mul3A_677 : i32 to vector<16xi32>
          %mul3A_679 = arith.muli %get3A_671, %mul3A_678 : vector<16xi32>
          %add3A_680 = arith.addi %mul3A_679, %get3A_676 : vector<16xi32>
          %mul3A_681 = arith.constant 500000 : i32
          %mul3A_682 = arith.muli %arg0, %mul3A_681 : i32
          %add3A_683 = vector.broadcast %mul3A_682 : i32 to vector<16xi32>
          %add3A_684 = arith.addi %add3A_680, %add3A_683 : vector<16xi32>
          %swap3A_685 = arith.constant 48 : index
          %swap3A_686 = tpu.vector_load %arg11[%swap3A_685] {strides = array<i32>} : memref<80xi32, #tpu.memory_space<vmem>>, vector<16xi32>,
          %swap3A_687 = vector.shape_cast %swap3A_686 : vector<16xi32> to vector<16xi32>
          %swap3A_688 = vector.shape_cast %add3A_684 : vector<16xi32> to vector<16xi32>
          tpu.vector_store %arg11[%swap3A_685], %swap3A_688 {strides = array<i32>} : memref<80xi32, #tpu.memory_space<vmem>>, vector<16xi32>,
          %add3A_689 = arith.constant 64 : i32
          %add3A_690 = arith.addi %mul3A_600, %add3A_689 : i32
          %get3A_691 = arith.index_cast %add3A_690 : i32 to index
          %get3A_692 = tpu.vector_load %arg9[%get3A_691] {strides = array<i32>} : memref<2000xi32, #tpu.memory_space<vmem>>, vector<16xi32>,
          %get3A_693 = vector.shape_cast %get3A_692 : vector<16xi32> to vector<16xi32>
          %add3A_694 = arith.constant 64 : i32
          %add3A_695 = arith.addi %mul3A_600, %add3A_694 : i32
          %get3A_696 = arith.index_cast %add3A_695 : i32 to index
          %get3A_697 = tpu.vector_load %arg8[%get3A_696] {strides = array<i32>} : memref<2000xi32, #tpu.memory_space<vmem>>, vector<16xi32>,
          %get3A_698 = vector.shape_cast %get3A_697 : vector<16xi32> to vector<16xi32>
          %mul3A_699 = arith.constant 10000 : i32
          %mul3A_700 = vector.broadcast %mul3A_699 : i32 to vector<16xi32>
          %mul3A_701 = arith.muli %get3A_693, %mul3A_700 : vector<16xi32>
          %add3A_702 = arith.addi %mul3A_701, %get3A_698 : vector<16xi32>
          %mul3A_703 = arith.constant 500000 : i32
          %mul3A_704 = arith.muli %arg0, %mul3A_703 : i32
          %add3A_705 = vector.broadcast %mul3A_704 : i32 to vector<16xi32>
          %add3A_706 = arith.addi %add3A_702, %add3A_705 : vector<16xi32>
          %swap3A_707 = arith.constant 64 : index
          %swap3A_708 = tpu.vector_load %arg11[%swap3A_707] {strides = array<i32>} : memref<80xi32, #tpu.memory_space<vmem>>, vector<16xi32>,
          %swap3A_709 = vector.shape_cast %swap3A_708 : vector<16xi32> to vector<16xi32>
          %swap3A_710 = vector.shape_cast %add3A_706 : vector<16xi32> to vector<16xi32>
          tpu.vector_store %arg11[%swap3A_707], %swap3A_710 {strides = array<i32>} : memref<80xi32, #tpu.memory_space<vmem>>, vector<16xi32>,
        } else {
        }
        %dma_wait3A_526 = arith.constant 0 : i32
        %dma_wait3A_527 = tpu.memref_slice %arg10[%add3A_509, %dma_wait3A_526] : memref<25x80xi32, #tpu.memory_space<vmem>> -> memref<1x80xi32, #tpu.memory_space<vmem>>
        %dma_wait3A_528 = tpu.memref_squeeze %dma_wait3A_527 : memref<1x80xi32, #tpu.memory_space<vmem>> -> memref<80xi32, #tpu.memory_space<vmem>>
        %dma_wait3A_529 = arith.constant 0 : i32
        %dma_wait3A_530 = arith.constant 0 : i32
        %dma_wait3A_531 = tpu.memref_slice %arg17[%dma_wait3A_529, %dma_wait3A_530] : memref<10000x128xf32, #tpu.memory_space<vmem_shared>> -> memref<10000x128xf32, #tpu.memory_space<vmem_shared>>
        tpu.wait_indirect_dma semaphore(%arg21 : memref<!tpu.dma_semaphore, #tpu.memory_space<semaphore_mem>>) src(%arg14 : memref<80x128xf32, #tpu.memory_space<vmem>>) dst(%dma_wait3A_531 : memref<10000x128xf32, #tpu.memory_space<vmem_shared>>)
        %lt3A_532 = arith.constant 25 : i32
        %lt3A_533 = arith.cmpi slt, %add3A_520, %lt3A_532 : i32
        %convert_element_type3A_534 = arith.extui %lt3A_533 : i1 to i32
        %cond3A_535 = arith.constant 0 : i32
        %cond3A_536 = arith.cmpi ne, %convert_element_type3A_534, %cond3A_535 : i32
        scf.if %cond3A_536 {
          %dma_start3A_599 = arith.constant 0 : i32
          %dma_start3A_600 = arith.constant 0 : i32
          %dma_start3A_601 = tpu.memref_slice %arg2[%dma_start3A_599, %dma_start3A_600] : memref<1000000x128xf32, #tpu.memory_space<hbm>> -> memref<1000000x128xf32, #tpu.memory_space<hbm>>
          tpu.enqueue_indirect_dma source(%dma_start3A_601 : memref<1000000x128xf32, #tpu.memory_space<hbm>>) target(%arg14 : memref<80x128xf32, #tpu.memory_space<vmem>>) offsets(%arg11 : memref<80xi32, #tpu.memory_space<vmem>>) semaphore(%arg18 : memref<!tpu.dma_semaphore, #tpu.memory_space<semaphore_mem>>)
        } else {
        }
        %mul3A_537 = arith.constant 3 : i32
        %mul3A_538 = arith.muli %scan3A_505, %mul3A_537 : i32
        %add3A_539 = arith.constant 1 : i32
        %add3A_540 = arith.addi %mul3A_538, %add3A_539 : i32
        %dma_wait3A_541 = arith.constant 0 : i32
        %dma_wait3A_542 = arith.constant 0 : i32
        %dma_wait3A_543 = tpu.memref_slice %arg2[%dma_wait3A_541, %dma_wait3A_542] : memref<1000000x128xf32, #tpu.memory_space<hbm>> -> memref<1000000x128xf32, #tpu.memory_space<hbm>>
        tpu.wait_indirect_dma semaphore(%arg19 : memref<!tpu.dma_semaphore, #tpu.memory_space<semaphore_mem>>) src(%dma_wait3A_543 : memref<1000000x128xf32, #tpu.memory_space<hbm>>) dst(%arg15 : memref<80x128xf32, #tpu.memory_space<vmem>>)
        %dma_start3A_544 = arith.constant 0 : i32
        %dma_start3A_545 = tpu.memref_slice %arg10[%add3A_540, %dma_start3A_544] : memref<25x80xi32, #tpu.memory_space<vmem>> -> memref<1x80xi32, #tpu.memory_space<vmem>>
        %dma_start3A_546 = tpu.memref_squeeze %dma_start3A_545 : memref<1x80xi32, #tpu.memory_space<vmem>> -> memref<80xi32, #tpu.memory_space<vmem>>
        %dma_start3A_547 = arith.constant 0 : i32
        %dma_start3A_548 = arith.constant 0 : i32
        %dma_start3A_549 = tpu.memref_slice %arg17[%dma_start3A_547, %dma_start3A_548] : memref<10000x128xf32, #tpu.memory_space<vmem_shared>> -> memref<10000x128xf32, #tpu.memory_space<vmem_shared>>
        tpu.enqueue_indirect_dma source(%arg15 : memref<80x128xf32, #tpu.memory_space<vmem>>) target(%dma_start3A_549 : memref<10000x128xf32, #tpu.memory_space<vmem_shared>>) offsets(%dma_start3A_546 : memref<80xi32, #tpu.memory_space<vmem>>) semaphore(%arg22 : memref<!tpu.dma_semaphore, #tpu.memory_space<semaphore_mem>>) {add = true}
        %add3A_550 = arith.constant 3 : i32
        %add3A_551 = arith.addi %add3A_540, %add3A_550 : i32
        %lt3A_552 = arith.constant 25 : i32
        %lt3A_553 = arith.cmpi slt, %add3A_551, %lt3A_552 : i32
        %convert_element_type3A_554 = arith.extui %lt3A_553 : i1 to i32
        %cond3A_555 = arith.constant 0 : i32
        %cond3A_556 = arith.cmpi ne, %convert_element_type3A_554, %cond3A_555 : i32
        scf.if %cond3A_556 {
          %mul3A_599 = arith.constant 80 : i32
          %mul3A_600 = arith.muli %add3A_551, %mul3A_599 : i32
          %add3A_601 = arith.constant 0 : i32
          %add3A_602 = arith.addi %mul3A_600, %add3A_601 : i32
          %get3A_603 = arith.index_cast %add3A_602 : i32 to index
          %get3A_604 = tpu.vector_load %arg9[%get3A_603] {strides = array<i32>} : memref<2000xi32, #tpu.memory_space<vmem>>, vector<16xi32>,
          %get3A_605 = vector.shape_cast %get3A_604 : vector<16xi32> to vector<16xi32>
          %add3A_606 = arith.constant 0 : i32
          %add3A_607 = arith.addi %mul3A_600, %add3A_606 : i32
          %get3A_608 = arith.index_cast %add3A_607 : i32 to index
          %get3A_609 = tpu.vector_load %arg8[%get3A_608] {strides = array<i32>} : memref<2000xi32, #tpu.memory_space<vmem>>, vector<16xi32>,
          %get3A_610 = vector.shape_cast %get3A_609 : vector<16xi32> to vector<16xi32>
          %mul3A_611 = arith.constant 10000 : i32
          %mul3A_612 = vector.broadcast %mul3A_611 : i32 to vector<16xi32>
          %mul3A_613 = arith.muli %get3A_605, %mul3A_612 : vector<16xi32>
          %add3A_614 = arith.addi %mul3A_613, %get3A_610 : vector<16xi32>
          %mul3A_615 = arith.constant 500000 : i32
          %mul3A_616 = arith.muli %arg0, %mul3A_615 : i32
          %add3A_617 = vector.broadcast %mul3A_616 : i32 to vector<16xi32>
          %add3A_618 = arith.addi %add3A_614, %add3A_617 : vector<16xi32>
          %swap3A_619 = arith.constant 0 : index
          %swap3A_620 = tpu.vector_load %arg12[%swap3A_619] {strides = array<i32>} : memref<80xi32, #tpu.memory_space<vmem>>, vector<16xi32>,
          %swap3A_621 = vector.shape_cast %swap3A_620 : vector<16xi32> to vector<16xi32>
          %swap3A_622 = vector.shape_cast %add3A_618 : vector<16xi32> to vector<16xi32>
          tpu.vector_store %arg12[%swap3A_619], %swap3A_622 {strides = array<i32>} : memref<80xi32, #tpu.memory_space<vmem>>, vector<16xi32>,
          %add3A_623 = arith.constant 16 : i32
          %add3A_624 = arith.addi %mul3A_600, %add3A_623 : i32
          %get3A_625 = arith.index_cast %add3A_624 : i32 to index
          %get3A_626 = tpu.vector_load %arg9[%get3A_625] {strides = array<i32>} : memref<2000xi32, #tpu.memory_space<vmem>>, vector<16xi32>,
          %get3A_627 = vector.shape_cast %get3A_626 : vector<16xi32> to vector<16xi32>
          %add3A_628 = arith.constant 16 : i32
          %add3A_629 = arith.addi %mul3A_600, %add3A_628 : i32
          %get3A_630 = arith.index_cast %add3A_629 : i32 to index
          %get3A_631 = tpu.vector_load %arg8[%get3A_630] {strides = array<i32>} : memref<2000xi32, #tpu.memory_space<vmem>>, vector<16xi32>,
          %get3A_632 = vector.shape_cast %get3A_631 : vector<16xi32> to vector<16xi32>
          %mul3A_633 = arith.constant 10000 : i32
          %mul3A_634 = vector.broadcast %mul3A_633 : i32 to vector<16xi32>
          %mul3A_635 = arith.muli %get3A_627, %mul3A_634 : vector<16xi32>
          %add3A_636 = arith.addi %mul3A_635, %get3A_632 : vector<16xi32>
          %mul3A_637 = arith.constant 500000 : i32
          %mul3A_638 = arith.muli %arg0, %mul3A_637 : i32
          %add3A_639 = vector.broadcast %mul3A_638 : i32 to vector<16xi32>
          %add3A_640 = arith.addi %add3A_636, %add3A_639 : vector<16xi32>
          %swap3A_641 = arith.constant 16 : index
          %swap3A_642 = tpu.vector_load %arg12[%swap3A_641] {strides = array<i32>} : memref<80xi32, #tpu.memory_space<vmem>>, vector<16xi32>,
          %swap3A_643 = vector.shape_cast %swap3A_642 : vector<16xi32> to vector<16xi32>
          %swap3A_644 = vector.shape_cast %add3A_640 : vector<16xi32> to vector<16xi32>
          tpu.vector_store %arg12[%swap3A_641], %swap3A_644 {strides = array<i32>} : memref<80xi32, #tpu.memory_space<vmem>>, vector<16xi32>,
          %add3A_645 = arith.constant 32 : i32
          %add3A_646 = arith.addi %mul3A_600, %add3A_645 : i32
          %get3A_647 = arith.index_cast %add3A_646 : i32 to index
          %get3A_648 = tpu.vector_load %arg9[%get3A_647] {strides = array<i32>} : memref<2000xi32, #tpu.memory_space<vmem>>, vector<16xi32>,
          %get3A_649 = vector.shape_cast %get3A_648 : vector<16xi32> to vector<16xi32>
          %add3A_650 = arith.constant 32 : i32
          %add3A_651 = arith.addi %mul3A_600, %add3A_650 : i32
          %get3A_652 = arith.index_cast %add3A_651 : i32 to index
          %get3A_653 = tpu.vector_load %arg8[%get3A_652] {strides = array<i32>} : memref<2000xi32, #tpu.memory_space<vmem>>, vector<16xi32>,
          %get3A_654 = vector.shape_cast %get3A_653 : vector<16xi32> to vector<16xi32>
          %mul3A_655 = arith.constant 10000 : i32
          %mul3A_656 = vector.broadcast %mul3A_655 : i32 to vector<16xi32>
          %mul3A_657 = arith.muli %get3A_649, %mul3A_656 : vector<16xi32>
          %add3A_658 = arith.addi %mul3A_657, %get3A_654 : vector<16xi32>
          %mul3A_659 = arith.constant 500000 : i32
          %mul3A_660 = arith.muli %arg0, %mul3A_659 : i32
          %add3A_661 = vector.broadcast %mul3A_660 : i32 to vector<16xi32>
          %add3A_662 = arith.addi %add3A_658, %add3A_661 : vector<16xi32>
          %swap3A_663 = arith.constant 32 : index
          %swap3A_664 = tpu.vector_load %arg12[%swap3A_663] {strides = array<i32>} : memref<80xi32, #tpu.memory_space<vmem>>, vector<16xi32>,
          %swap3A_665 = vector.shape_cast %swap3A_664 : vector<16xi32> to vector<16xi32>
          %swap3A_666 = vector.shape_cast %add3A_662 : vector<16xi32> to vector<16xi32>
          tpu.vector_store %arg12[%swap3A_663], %swap3A_666 {strides = array<i32>} : memref<80xi32, #tpu.memory_space<vmem>>, vector<16xi32>,
          %add3A_667 = arith.constant 48 : i32
          %add3A_668 = arith.addi %mul3A_600, %add3A_667 : i32
          %get3A_669 = arith.index_cast %add3A_668 : i32 to index
          %get3A_670 = tpu.vector_load %arg9[%get3A_669] {strides = array<i32>} : memref<2000xi32, #tpu.memory_space<vmem>>, vector<16xi32>,
          %get3A_671 = vector.shape_cast %get3A_670 : vector<16xi32> to vector<16xi32>
          %add3A_672 = arith.constant 48 : i32
          %add3A_673 = arith.addi %mul3A_600, %add3A_672 : i32
          %get3A_674 = arith.index_cast %add3A_673 : i32 to index
          %get3A_675 = tpu.vector_load %arg8[%get3A_674] {strides = array<i32>} : memref<2000xi32, #tpu.memory_space<vmem>>, vector<16xi32>,
          %get3A_676 = vector.shape_cast %get3A_675 : vector<16xi32> to vector<16xi32>
          %mul3A_677 = arith.constant 10000 : i32
          %mul3A_678 = vector.broadcast %mul3A_677 : i32 to vector<16xi32>
          %mul3A_679 = arith.muli %get3A_671, %mul3A_678 : vector<16xi32>
          %add3A_680 = arith.addi %mul3A_679, %get3A_676 : vector<16xi32>
          %mul3A_681 = arith.constant 500000 : i32
          %mul3A_682 = arith.muli %arg0, %mul3A_681 : i32
          %add3A_683 = vector.broadcast %mul3A_682 : i32 to vector<16xi32>
          %add3A_684 = arith.addi %add3A_680, %add3A_683 : vector<16xi32>
          %swap3A_685 = arith.constant 48 : index
          %swap3A_686 = tpu.vector_load %arg12[%swap3A_685] {strides = array<i32>} : memref<80xi32, #tpu.memory_space<vmem>>, vector<16xi32>,
          %swap3A_687 = vector.shape_cast %swap3A_686 : vector<16xi32> to vector<16xi32>
          %swap3A_688 = vector.shape_cast %add3A_684 : vector<16xi32> to vector<16xi32>
          tpu.vector_store %arg12[%swap3A_685], %swap3A_688 {strides = array<i32>} : memref<80xi32, #tpu.memory_space<vmem>>, vector<16xi32>,
          %add3A_689 = arith.constant 64 : i32
          %add3A_690 = arith.addi %mul3A_600, %add3A_689 : i32
          %get3A_691 = arith.index_cast %add3A_690 : i32 to index
          %get3A_692 = tpu.vector_load %arg9[%get3A_691] {strides = array<i32>} : memref<2000xi32, #tpu.memory_space<vmem>>, vector<16xi32>,
          %get3A_693 = vector.shape_cast %get3A_692 : vector<16xi32> to vector<16xi32>
          %add3A_694 = arith.constant 64 : i32
          %add3A_695 = arith.addi %mul3A_600, %add3A_694 : i32
          %get3A_696 = arith.index_cast %add3A_695 : i32 to index
          %get3A_697 = tpu.vector_load %arg8[%get3A_696] {strides = array<i32>} : memref<2000xi32, #tpu.memory_space<vmem>>, vector<16xi32>,
          %get3A_698 = vector.shape_cast %get3A_697 : vector<16xi32> to vector<16xi32>
          %mul3A_699 = arith.constant 10000 : i32
          %mul3A_700 = vector.broadcast %mul3A_699 : i32 to vector<16xi32>
          %mul3A_701 = arith.muli %get3A_693, %mul3A_700 : vector<16xi32>
          %add3A_702 = arith.addi %mul3A_701, %get3A_698 : vector<16xi32>
          %mul3A_703 = arith.constant 500000 : i32
          %mul3A_704 = arith.muli %arg0, %mul3A_703 : i32
          %add3A_705 = vector.broadcast %mul3A_704 : i32 to vector<16xi32>
          %add3A_706 = arith.addi %add3A_702, %add3A_705 : vector<16xi32>
          %swap3A_707 = arith.constant 64 : index
          %swap3A_708 = tpu.vector_load %arg12[%swap3A_707] {strides = array<i32>} : memref<80xi32, #tpu.memory_space<vmem>>, vector<16xi32>,
          %swap3A_709 = vector.shape_cast %swap3A_708 : vector<16xi32> to vector<16xi32>
          %swap3A_710 = vector.shape_cast %add3A_706 : vector<16xi32> to vector<16xi32>
          tpu.vector_store %arg12[%swap3A_707], %swap3A_710 {strides = array<i32>} : memref<80xi32, #tpu.memory_space<vmem>>, vector<16xi32>,
        } else {
        }
        %dma_wait3A_557 = arith.constant 0 : i32
        %dma_wait3A_558 = tpu.memref_slice %arg10[%add3A_540, %dma_wait3A_557] : memref<25x80xi32, #tpu.memory_space<vmem>> -> memref<1x80xi32, #tpu.memory_space<vmem>>
        %dma_wait3A_559 = tpu.memref_squeeze %dma_wait3A_558 : memref<1x80xi32, #tpu.memory_space<vmem>> -> memref<80xi32, #tpu.memory_space<vmem>>
        %dma_wait3A_560 = arith.constant 0 : i32
        %dma_wait3A_561 = arith.constant 0 : i32
        %dma_wait3A_562 = tpu.memref_slice %arg17[%dma_wait3A_560, %dma_wait3A_561] : memref<10000x128xf32, #tpu.memory_space<vmem_shared>> -> memref<10000x128xf32, #tpu.memory_space<vmem_shared>>
        tpu.wait_indirect_dma semaphore(%arg22 : memref<!tpu.dma_semaphore, #tpu.memory_space<semaphore_mem>>) src(%arg15 : memref<80x128xf32, #tpu.memory_space<vmem>>) dst(%dma_wait3A_562 : memref<10000x128xf32, #tpu.memory_space<vmem_shared>>)
        %lt3A_563 = arith.constant 25 : i32
        %lt3A_564 = arith.cmpi slt, %add3A_551, %lt3A_563 : i32
        %convert_element_type3A_565 = arith.extui %lt3A_564 : i1 to i32
        %cond3A_566 = arith.constant 0 : i32
        %cond3A_567 = arith.cmpi ne, %convert_element_type3A_565, %cond3A_566 : i32
        scf.if %cond3A_567 {
          %dma_start3A_599 = arith.constant 0 : i32
          %dma_start3A_600 = arith.constant 0 : i32
          %dma_start3A_601 = tpu.memref_slice %arg2[%dma_start3A_599, %dma_start3A_600] : memref<1000000x128xf32, #tpu.memory_space<hbm>> -> memref<1000000x128xf32, #tpu.memory_space<hbm>>
          tpu.enqueue_indirect_dma source(%dma_start3A_601 : memref<1000000x128xf32, #tpu.memory_space<hbm>>) target(%arg15 : memref<80x128xf32, #tpu.memory_space<vmem>>) offsets(%arg12 : memref<80xi32, #tpu.memory_space<vmem>>) semaphore(%arg19 : memref<!tpu.dma_semaphore, #tpu.memory_space<semaphore_mem>>)
        } else {
        }
        %mul3A_568 = arith.constant 3 : i32
        %mul3A_569 = arith.muli %scan3A_505, %mul3A_568 : i32
        %add3A_570 = arith.constant 2 : i32
        %add3A_571 = arith.addi %mul3A_569, %add3A_570 : i32
        %dma_wait3A_572 = arith.constant 0 : i32
        %dma_wait3A_573 = arith.constant 0 : i32
        %dma_wait3A_574 = tpu.memref_slice %arg2[%dma_wait3A_572, %dma_wait3A_573] : memref<1000000x128xf32, #tpu.memory_space<hbm>> -> memref<1000000x128xf32, #tpu.memory_space<hbm>>
        tpu.wait_indirect_dma semaphore(%arg20 : memref<!tpu.dma_semaphore, #tpu.memory_space<semaphore_mem>>) src(%dma_wait3A_574 : memref<1000000x128xf32, #tpu.memory_space<hbm>>) dst(%arg16 : memref<80x128xf32, #tpu.memory_space<vmem>>)
        %dma_start3A_575 = arith.constant 0 : i32
        %dma_start3A_576 = tpu.memref_slice %arg10[%add3A_571, %dma_start3A_575] : memref<25x80xi32, #tpu.memory_space<vmem>> -> memref<1x80xi32, #tpu.memory_space<vmem>>
        %dma_start3A_577 = tpu.memref_squeeze %dma_start3A_576 : memref<1x80xi32, #tpu.memory_space<vmem>> -> memref<80xi32, #tpu.memory_space<vmem>>
        %dma_start3A_578 = arith.constant 0 : i32
        %dma_start3A_579 = arith.constant 0 : i32
        %dma_start3A_580 = tpu.memref_slice %arg17[%dma_start3A_578, %dma_start3A_579] : memref<10000x128xf32, #tpu.memory_space<vmem_shared>> -> memref<10000x128xf32, #tpu.memory_space<vmem_shared>>
        tpu.enqueue_indirect_dma source(%arg16 : memref<80x128xf32, #tpu.memory_space<vmem>>) target(%dma_start3A_580 : memref<10000x128xf32, #tpu.memory_space<vmem_shared>>) offsets(%dma_start3A_577 : memref<80xi32, #tpu.memory_space<vmem>>) semaphore(%arg23 : memref<!tpu.dma_semaphore, #tpu.memory_space<semaphore_mem>>) {add = true}
        %add3A_581 = arith.constant 3 : i32
        %add3A_582 = arith.addi %add3A_571, %add3A_581 : i32
        %lt3A_583 = arith.constant 25 : i32
        %lt3A_584 = arith.cmpi slt, %add3A_582, %lt3A_583 : i32
        %convert_element_type3A_585 = arith.extui %lt3A_584 : i1 to i32
        %cond3A_586 = arith.constant 0 : i32
        %cond3A_587 = arith.cmpi ne, %convert_element_type3A_585, %cond3A_586 : i32
        scf.if %cond3A_587 {
          %mul3A_599 = arith.constant 80 : i32
          %mul3A_600 = arith.muli %add3A_582, %mul3A_599 : i32
          %add3A_601 = arith.constant 0 : i32
          %add3A_602 = arith.addi %mul3A_600, %add3A_601 : i32
          %get3A_603 = arith.index_cast %add3A_602 : i32 to index
          %get3A_604 = tpu.vector_load %arg9[%get3A_603] {strides = array<i32>} : memref<2000xi32, #tpu.memory_space<vmem>>, vector<16xi32>,
          %get3A_605 = vector.shape_cast %get3A_604 : vector<16xi32> to vector<16xi32>
          %add3A_606 = arith.constant 0 : i32
          %add3A_607 = arith.addi %mul3A_600, %add3A_606 : i32
          %get3A_608 = arith.index_cast %add3A_607 : i32 to index
          %get3A_609 = tpu.vector_load %arg8[%get3A_608] {strides = array<i32>} : memref<2000xi32, #tpu.memory_space<vmem>>, vector<16xi32>,
          %get3A_610 = vector.shape_cast %get3A_609 : vector<16xi32> to vector<16xi32>
          %mul3A_611 = arith.constant 10000 : i32
          %mul3A_612 = vector.broadcast %mul3A_611 : i32 to vector<16xi32>
          %mul3A_613 = arith.muli %get3A_605, %mul3A_612 : vector<16xi32>
          %add3A_614 = arith.addi %mul3A_613, %get3A_610 : vector<16xi32>
          %mul3A_615 = arith.constant 500000 : i32
          %mul3A_616 = arith.muli %arg0, %mul3A_615 : i32
          %add3A_617 = vector.broadcast %mul3A_616 : i32 to vector<16xi32>
          %add3A_618 = arith.addi %add3A_614, %add3A_617 : vector<16xi32>
          %swap3A_619 = arith.constant 0 : index
          %swap3A_620 = tpu.vector_load %arg13[%swap3A_619] {strides = array<i32>} : memref<80xi32, #tpu.memory_space<vmem>>, vector<16xi32>,
          %swap3A_621 = vector.shape_cast %swap3A_620 : vector<16xi32> to vector<16xi32>
          %swap3A_622 = vector.shape_cast %add3A_618 : vector<16xi32> to vector<16xi32>
          tpu.vector_store %arg13[%swap3A_619], %swap3A_622 {strides = array<i32>} : memref<80xi32, #tpu.memory_space<vmem>>, vector<16xi32>,
          %add3A_623 = arith.constant 16 : i32
          %add3A_624 = arith.addi %mul3A_600, %add3A_623 : i32
          %get3A_625 = arith.index_cast %add3A_624 : i32 to index
          %get3A_626 = tpu.vector_load %arg9[%get3A_625] {strides = array<i32>} : memref<2000xi32, #tpu.memory_space<vmem>>, vector<16xi32>,
          %get3A_627 = vector.shape_cast %get3A_626 : vector<16xi32> to vector<16xi32>
          %add3A_628 = arith.constant 16 : i32
          %add3A_629 = arith.addi %mul3A_600, %add3A_628 : i32
          %get3A_630 = arith.index_cast %add3A_629 : i32 to index
          %get3A_631 = tpu.vector_load %arg8[%get3A_630] {strides = array<i32>} : memref<2000xi32, #tpu.memory_space<vmem>>, vector<16xi32>,
          %get3A_632 = vector.shape_cast %get3A_631 : vector<16xi32> to vector<16xi32>
          %mul3A_633 = arith.constant 10000 : i32
          %mul3A_634 = vector.broadcast %mul3A_633 : i32 to vector<16xi32>
          %mul3A_635 = arith.muli %get3A_627, %mul3A_634 : vector<16xi32>
          %add3A_636 = arith.addi %mul3A_635, %get3A_632 : vector<16xi32>
          %mul3A_637 = arith.constant 500000 : i32
          %mul3A_638 = arith.muli %arg0, %mul3A_637 : i32
          %add3A_639 = vector.broadcast %mul3A_638 : i32 to vector<16xi32>
          %add3A_640 = arith.addi %add3A_636, %add3A_639 : vector<16xi32>
          %swap3A_641 = arith.constant 16 : index
          %swap3A_642 = tpu.vector_load %arg13[%swap3A_641] {strides = array<i32>} : memref<80xi32, #tpu.memory_space<vmem>>, vector<16xi32>,
          %swap3A_643 = vector.shape_cast %swap3A_642 : vector<16xi32> to vector<16xi32>
          %swap3A_644 = vector.shape_cast %add3A_640 : vector<16xi32> to vector<16xi32>
          tpu.vector_store %arg13[%swap3A_641], %swap3A_644 {strides = array<i32>} : memref<80xi32, #tpu.memory_space<vmem>>, vector<16xi32>,
          %add3A_645 = arith.constant 32 : i32
          %add3A_646 = arith.addi %mul3A_600, %add3A_645 : i32
          %get3A_647 = arith.index_cast %add3A_646 : i32 to index
          %get3A_648 = tpu.vector_load %arg9[%get3A_647] {strides = array<i32>} : memref<2000xi32, #tpu.memory_space<vmem>>, vector<16xi32>,
          %get3A_649 = vector.shape_cast %get3A_648 : vector<16xi32> to vector<16xi32>
          %add3A_650 = arith.constant 32 : i32
          %add3A_651 = arith.addi %mul3A_600, %add3A_650 : i32
          %get3A_652 = arith.index_cast %add3A_651 : i32 to index
          %get3A_653 = tpu.vector_load %arg8[%get3A_652] {strides = array<i32>} : memref<2000xi32, #tpu.memory_space<vmem>>, vector<16xi32>,
          %get3A_654 = vector.shape_cast %get3A_653 : vector<16xi32> to vector<16xi32>
          %mul3A_655 = arith.constant 10000 : i32
          %mul3A_656 = vector.broadcast %mul3A_655 : i32 to vector<16xi32>
          %mul3A_657 = arith.muli %get3A_649, %mul3A_656 : vector<16xi32>
          %add3A_658 = arith.addi %mul3A_657, %get3A_654 : vector<16xi32>
          %mul3A_659 = arith.constant 500000 : i32
          %mul3A_660 = arith.muli %arg0, %mul3A_659 : i32
          %add3A_661 = vector.broadcast %mul3A_660 : i32 to vector<16xi32>
          %add3A_662 = arith.addi %add3A_658, %add3A_661 : vector<16xi32>
          %swap3A_663 = arith.constant 32 : index
          %swap3A_664 = tpu.vector_load %arg13[%swap3A_663] {strides = array<i32>} : memref<80xi32, #tpu.memory_space<vmem>>, vector<16xi32>,
          %swap3A_665 = vector.shape_cast %swap3A_664 : vector<16xi32> to vector<16xi32>
          %swap3A_666 = vector.shape_cast %add3A_662 : vector<16xi32> to vector<16xi32>
          tpu.vector_store %arg13[%swap3A_663], %swap3A_666 {strides = array<i32>} : memref<80xi32, #tpu.memory_space<vmem>>, vector<16xi32>,
          %add3A_667 = arith.constant 48 : i32
          %add3A_668 = arith.addi %mul3A_600, %add3A_667 : i32
          %get3A_669 = arith.index_cast %add3A_668 : i32 to index
          %get3A_670 = tpu.vector_load %arg9[%get3A_669] {strides = array<i32>} : memref<2000xi32, #tpu.memory_space<vmem>>, vector<16xi32>,
          %get3A_671 = vector.shape_cast %get3A_670 : vector<16xi32> to vector<16xi32>
          %add3A_672 = arith.constant 48 : i32
          %add3A_673 = arith.addi %mul3A_600, %add3A_672 : i32
          %get3A_674 = arith.index_cast %add3A_673 : i32 to index
          %get3A_675 = tpu.vector_load %arg8[%get3A_674] {strides = array<i32>} : memref<2000xi32, #tpu.memory_space<vmem>>, vector<16xi32>,
          %get3A_676 = vector.shape_cast %get3A_675 : vector<16xi32> to vector<16xi32>
          %mul3A_677 = arith.constant 10000 : i32
          %mul3A_678 = vector.broadcast %mul3A_677 : i32 to vector<16xi32>
          %mul3A_679 = arith.muli %get3A_671, %mul3A_678 : vector<16xi32>
          %add3A_680 = arith.addi %mul3A_679, %get3A_676 : vector<16xi32>
          %mul3A_681 = arith.constant 500000 : i32
          %mul3A_682 = arith.muli %arg0, %mul3A_681 : i32
          %add3A_683 = vector.broadcast %mul3A_682 : i32 to vector<16xi32>
          %add3A_684 = arith.addi %add3A_680, %add3A_683 : vector<16xi32>
          %swap3A_685 = arith.constant 48 : index
          %swap3A_686 = tpu.vector_load %arg13[%swap3A_685] {strides = array<i32>} : memref<80xi32, #tpu.memory_space<vmem>>, vector<16xi32>,
          %swap3A_687 = vector.shape_cast %swap3A_686 : vector<16xi32> to vector<16xi32>
          %swap3A_688 = vector.shape_cast %add3A_684 : vector<16xi32> to vector<16xi32>
          tpu.vector_store %arg13[%swap3A_685], %swap3A_688 {strides = array<i32>} : memref<80xi32, #tpu.memory_space<vmem>>, vector<16xi32>,
          %add3A_689 = arith.constant 64 : i32
          %add3A_690 = arith.addi %mul3A_600, %add3A_689 : i32
          %get3A_691 = arith.index_cast %add3A_690 : i32 to index
          %get3A_692 = tpu.vector_load %arg9[%get3A_691] {strides = array<i32>} : memref<2000xi32, #tpu.memory_space<vmem>>, vector<16xi32>,
          %get3A_693 = vector.shape_cast %get3A_692 : vector<16xi32> to vector<16xi32>
          %add3A_694 = arith.constant 64 : i32
          %add3A_695 = arith.addi %mul3A_600, %add3A_694 : i32
          %get3A_696 = arith.index_cast %add3A_695 : i32 to index
          %get3A_697 = tpu.vector_load %arg8[%get3A_696] {strides = array<i32>} : memref<2000xi32, #tpu.memory_space<vmem>>, vector<16xi32>,
          %get3A_698 = vector.shape_cast %get3A_697 : vector<16xi32> to vector<16xi32>
          %mul3A_699 = arith.constant 10000 : i32
          %mul3A_700 = vector.broadcast %mul3A_699 : i32 to vector<16xi32>
          %mul3A_701 = arith.muli %get3A_693, %mul3A_700 : vector<16xi32>
          %add3A_702 = arith.addi %mul3A_701, %get3A_698 : vector<16xi32>
          %mul3A_703 = arith.constant 500000 : i32
          %mul3A_704 = arith.muli %arg0, %mul3A_703 : i32
          %add3A_705 = vector.broadcast %mul3A_704 : i32 to vector<16xi32>
          %add3A_706 = arith.addi %add3A_702, %add3A_705 : vector<16xi32>
          %swap3A_707 = arith.constant 64 : index
          %swap3A_708 = tpu.vector_load %arg13[%swap3A_707] {strides = array<i32>} : memref<80xi32, #tpu.memory_space<vmem>>, vector<16xi32>,
          %swap3A_709 = vector.shape_cast %swap3A_708 : vector<16xi32> to vector<16xi32>
          %swap3A_710 = vector.shape_cast %add3A_706 : vector<16xi32> to vector<16xi32>
          tpu.vector_store %arg13[%swap3A_707], %swap3A_710 {strides = array<i32>} : memref<80xi32, #tpu.memory_space<vmem>>, vector<16xi32>,
        } else {
        }
        %dma_wait3A_588 = arith.constant 0 : i32
        %dma_wait3A_589 = tpu.memref_slice %arg10[%add3A_571, %dma_wait3A_588] : memref<25x80xi32, #tpu.memory_space<vmem>> -> memref<1x80xi32, #tpu.memory_space<vmem>>
        %dma_wait3A_590 = tpu.memref_squeeze %dma_wait3A_589 : memref<1x80xi32, #tpu.memory_space<vmem>> -> memref<80xi32, #tpu.memory_space<vmem>>
        %dma_wait3A_591 = arith.constant 0 : i32
        %dma_wait3A_592 = arith.constant 0 : i32
        %dma_wait3A_593 = tpu.memref_slice %arg17[%dma_wait3A_591, %dma_wait3A_592] : memref<10000x128xf32, #tpu.memory_space<vmem_shared>> -> memref<10000x128xf32, #tpu.memory_space<vmem_shared>>
        tpu.wait_indirect_dma semaphore(%arg23 : memref<!tpu.dma_semaphore, #tpu.memory_space<semaphore_mem>>) src(%arg16 : memref<80x128xf32, #tpu.memory_space<vmem>>) dst(%dma_wait3A_593 : memref<10000x128xf32, #tpu.memory_space<vmem_shared>>)
        %lt3A_594 = arith.constant 25 : i32
        %lt3A_595 = arith.cmpi slt, %add3A_582, %lt3A_594 : i32
        %convert_element_type3A_596 = arith.extui %lt3A_595 : i1 to i32
        %cond3A_597 = arith.constant 0 : i32
        %cond3A_598 = arith.cmpi ne, %convert_element_type3A_596, %cond3A_597 : i32
        scf.if %cond3A_598 {
          %dma_start3A_599 = arith.constant 0 : i32
          %dma_start3A_600 = arith.constant 0 : i32
          %dma_start3A_601 = tpu.memref_slice %arg2[%dma_start3A_599, %dma_start3A_600] : memref<1000000x128xf32, #tpu.memory_space<hbm>> -> memref<1000000x128xf32, #tpu.memory_space<hbm>>
          tpu.enqueue_indirect_dma source(%dma_start3A_601 : memref<1000000x128xf32, #tpu.memory_space<hbm>>) target(%arg16 : memref<80x128xf32, #tpu.memory_space<vmem>>) offsets(%arg13 : memref<80xi32, #tpu.memory_space<vmem>>) semaphore(%arg20 : memref<!tpu.dma_semaphore, #tpu.memory_space<semaphore_mem>>)
        } else {
        }
      }
      %scan3A_344 = arith.constant 7 : i32
      %dma_wait3A = arith.constant 0 : i32
      %dma_wait3A_345 = arith.constant 0 : i32
      %dma_wait3A_346 = tpu.memref_slice %arg2[%dma_wait3A, %dma_wait3A_345] : memref<1000000x128xf32, #tpu.memory_space<hbm>> -> memref<1000000x128xf32, #tpu.memory_space<hbm>>
      tpu.wait_indirect_dma semaphore(%arg18 : memref<!tpu.dma_semaphore, #tpu.memory_space<semaphore_mem>>) src(%dma_wait3A_346 : memref<1000000x128xf32, #tpu.memory_space<hbm>>) dst(%arg14 : memref<80x128xf32, #tpu.memory_space<vmem>>)
      %dma_start3A_347 = arith.constant 21 : i32
      %dma_start3A_348 = arith.constant 0 : i32
      %dma_start3A_349 = tpu.memref_slice %arg10[%dma_start3A_347, %dma_start3A_348] : memref<25x80xi32, #tpu.memory_space<vmem>> -> memref<1x80xi32, #tpu.memory_space<vmem>>
      %dma_start3A_350 = tpu.memref_squeeze %dma_start3A_349 : memref<1x80xi32, #tpu.memory_space<vmem>> -> memref<80xi32, #tpu.memory_space<vmem>>
      %dma_start3A_351 = arith.constant 0 : i32
      %dma_start3A_352 = arith.constant 0 : i32
      %dma_start3A_353 = tpu.memref_slice %arg17[%dma_start3A_351, %dma_start3A_352] : memref<10000x128xf32, #tpu.memory_space<vmem_shared>> -> memref<10000x128xf32, #tpu.memory_space<vmem_shared>>
      tpu.enqueue_indirect_dma source(%arg14 : memref<80x128xf32, #tpu.memory_space<vmem>>) target(%dma_start3A_353 : memref<10000x128xf32, #tpu.memory_space<vmem_shared>>) offsets(%dma_start3A_350 : memref<80xi32, #tpu.memory_space<vmem>>) semaphore(%arg21 : memref<!tpu.dma_semaphore, #tpu.memory_space<semaphore_mem>>) {add = true}
      %get3A_354 = arith.constant 1920 : index
      %get3A_355 = tpu.vector_load %arg9[%get3A_354] {strides = array<i32>} : memref<2000xi32, #tpu.memory_space<vmem>>, vector<16xi32>,
      %get3A_356 = vector.shape_cast %get3A_355 : vector<16xi32> to vector<16xi32>
      %get3A_357 = arith.constant 1920 : index
      %get3A_358 = tpu.vector_load %arg8[%get3A_357] {strides = array<i32>} : memref<2000xi32, #tpu.memory_space<vmem>>, vector<16xi32>,
      %get3A_359 = vector.shape_cast %get3A_358 : vector<16xi32> to vector<16xi32>
      %mul3A_360 = arith.constant 10000 : i32
      %mul3A_361 = vector.broadcast %mul3A_360 : i32 to vector<16xi32>
      %mul3A_362 = arith.muli %get3A_356, %mul3A_361 : vector<16xi32>
      %add3A_363 = arith.addi %mul3A_362, %get3A_359 : vector<16xi32>
      %mul3A_364 = arith.constant 500000 : i32
      %mul3A_365 = arith.muli %arg0, %mul3A_364 : i32
      %add3A_366 = vector.broadcast %mul3A_365 : i32 to vector<16xi32>
      %add3A_367 = arith.addi %add3A_363, %add3A_366 : vector<16xi32>
      %swap3A_368 = arith.constant 0 : index
      %swap3A_369 = tpu.vector_load %arg11[%swap3A_368] {strides = array<i32>} : memref<80xi32, #tpu.memory_space<vmem>>, vector<16xi32>,
      %swap3A_370 = vector.shape_cast %swap3A_369 : vector<16xi32> to vector<16xi32>
      %swap3A_371 = vector.shape_cast %add3A_367 : vector<16xi32> to vector<16xi32>
      tpu.vector_store %arg11[%swap3A_368], %swap3A_371 {strides = array<i32>} : memref<80xi32, #tpu.memory_space<vmem>>, vector<16xi32>,
      %get3A_372 = arith.constant 1936 : index
      %get3A_373 = tpu.vector_load %arg9[%get3A_372] {strides = array<i32>} : memref<2000xi32, #tpu.memory_space<vmem>>, vector<16xi32>,
      %get3A_374 = vector.shape_cast %get3A_373 : vector<16xi32> to vector<16xi32>
      %get3A_375 = arith.constant 1936 : index
      %get3A_376 = tpu.vector_load %arg8[%get3A_375] {strides = array<i32>} : memref<2000xi32, #tpu.memory_space<vmem>>, vector<16xi32>,
      %get3A_377 = vector.shape_cast %get3A_376 : vector<16xi32> to vector<16xi32>
      %mul3A_378 = arith.constant 10000 : i32
      %mul3A_379 = vector.broadcast %mul3A_378 : i32 to vector<16xi32>
      %mul3A_380 = arith.muli %get3A_374, %mul3A_379 : vector<16xi32>
      %add3A_381 = arith.addi %mul3A_380, %get3A_377 : vector<16xi32>
      %mul3A_382 = arith.constant 500000 : i32
      %mul3A_383 = arith.muli %arg0, %mul3A_382 : i32
      %add3A_384 = vector.broadcast %mul3A_383 : i32 to vector<16xi32>
      %add3A_385 = arith.addi %add3A_381, %add3A_384 : vector<16xi32>
      %swap3A_386 = arith.constant 16 : index
      %swap3A_387 = tpu.vector_load %arg11[%swap3A_386] {strides = array<i32>} : memref<80xi32, #tpu.memory_space<vmem>>, vector<16xi32>,
      %swap3A_388 = vector.shape_cast %swap3A_387 : vector<16xi32> to vector<16xi32>
      %swap3A_389 = vector.shape_cast %add3A_385 : vector<16xi32> to vector<16xi32>
      tpu.vector_store %arg11[%swap3A_386], %swap3A_389 {strides = array<i32>} : memref<80xi32, #tpu.memory_space<vmem>>, vector<16xi32>,
      %get3A_390 = arith.constant 1952 : index
      %get3A_391 = tpu.vector_load %arg9[%get3A_390] {strides = array<i32>} : memref<2000xi32, #tpu.memory_space<vmem>>, vector<16xi32>,
      %get3A_392 = vector.shape_cast %get3A_391 : vector<16xi32> to vector<16xi32>
      %get3A_393 = arith.constant 1952 : index
      %get3A_394 = tpu.vector_load %arg8[%get3A_393] {strides = array<i32>} : memref<2000xi32, #tpu.memory_space<vmem>>, vector<16xi32>,
      %get3A_395 = vector.shape_cast %get3A_394 : vector<16xi32> to vector<16xi32>
      %mul3A_396 = arith.constant 10000 : i32
      %mul3A_397 = vector.broadcast %mul3A_396 : i32 to vector<16xi32>
      %mul3A_398 = arith.muli %get3A_392, %mul3A_397 : vector<16xi32>
      %add3A_399 = arith.addi %mul3A_398, %get3A_395 : vector<16xi32>
      %mul3A_400 = arith.constant 500000 : i32
      %mul3A_401 = arith.muli %arg0, %mul3A_400 : i32
      %add3A_402 = vector.broadcast %mul3A_401 : i32 to vector<16xi32>
      %add3A_403 = arith.addi %add3A_399, %add3A_402 : vector<16xi32>
      %swap3A_404 = arith.constant 32 : index
      %swap3A_405 = tpu.vector_load %arg11[%swap3A_404] {strides = array<i32>} : memref<80xi32, #tpu.memory_space<vmem>>, vector<16xi32>,
      %swap3A_406 = vector.shape_cast %swap3A_405 : vector<16xi32> to vector<16xi32>
      %swap3A_407 = vector.shape_cast %add3A_403 : vector<16xi32> to vector<16xi32>
      tpu.vector_store %arg11[%swap3A_404], %swap3A_407 {strides = array<i32>} : memref<80xi32, #tpu.memory_space<vmem>>, vector<16xi32>,
      %get3A_408 = arith.constant 1968 : index
      %get3A_409 = tpu.vector_load %arg9[%get3A_408] {strides = array<i32>} : memref<2000xi32, #tpu.memory_space<vmem>>, vector<16xi32>,
      %get3A_410 = vector.shape_cast %get3A_409 : vector<16xi32> to vector<16xi32>
      %get3A_411 = arith.constant 1968 : index
      %get3A_412 = tpu.vector_load %arg8[%get3A_411] {strides = array<i32>} : memref<2000xi32, #tpu.memory_space<vmem>>, vector<16xi32>,
      %get3A_413 = vector.shape_cast %get3A_412 : vector<16xi32> to vector<16xi32>
      %mul3A_414 = arith.constant 10000 : i32
      %mul3A_415 = vector.broadcast %mul3A_414 : i32 to vector<16xi32>
      %mul3A_416 = arith.muli %get3A_410, %mul3A_415 : vector<16xi32>
      %add3A_417 = arith.addi %mul3A_416, %get3A_413 : vector<16xi32>
      %mul3A_418 = arith.constant 500000 : i32
      %mul3A_419 = arith.muli %arg0, %mul3A_418 : i32
      %add3A_420 = vector.broadcast %mul3A_419 : i32 to vector<16xi32>
      %add3A_421 = arith.addi %add3A_417, %add3A_420 : vector<16xi32>
      %swap3A_422 = arith.constant 48 : index
      %swap3A_423 = tpu.vector_load %arg11[%swap3A_422] {strides = array<i32>} : memref<80xi32, #tpu.memory_space<vmem>>, vector<16xi32>,
      %swap3A_424 = vector.shape_cast %swap3A_423 : vector<16xi32> to vector<16xi32>
      %swap3A_425 = vector.shape_cast %add3A_421 : vector<16xi32> to vector<16xi32>
      tpu.vector_store %arg11[%swap3A_422], %swap3A_425 {strides = array<i32>} : memref<80xi32, #tpu.memory_space<vmem>>, vector<16xi32>,
      %get3A_426 = arith.constant 1984 : index
      %get3A_427 = tpu.vector_load %arg9[%get3A_426] {strides = array<i32>} : memref<2000xi32, #tpu.memory_space<vmem>>, vector<16xi32>,
      %get3A_428 = vector.shape_cast %get3A_427 : vector<16xi32> to vector<16xi32>
      %get3A_429 = arith.constant 1984 : index
      %get3A_430 = tpu.vector_load %arg8[%get3A_429] {strides = array<i32>} : memref<2000xi32, #tpu.memory_space<vmem>>, vector<16xi32>,
      %get3A_431 = vector.shape_cast %get3A_430 : vector<16xi32> to vector<16xi32>
      %mul3A_432 = arith.constant 10000 : i32
      %mul3A_433 = vector.broadcast %mul3A_432 : i32 to vector<16xi32>
      %mul3A_434 = arith.muli %get3A_428, %mul3A_433 : vector<16xi32>
      %add3A_435 = arith.addi %mul3A_434, %get3A_431 : vector<16xi32>
      %mul3A_436 = arith.constant 500000 : i32
      %mul3A_437 = arith.muli %arg0, %mul3A_436 : i32
      %add3A_438 = vector.broadcast %mul3A_437 : i32 to vector<16xi32>
      %add3A_439 = arith.addi %add3A_435, %add3A_438 : vector<16xi32>
      %swap3A_440 = arith.constant 64 : index
      %swap3A_441 = tpu.vector_load %arg11[%swap3A_440] {strides = array<i32>} : memref<80xi32, #tpu.memory_space<vmem>>, vector<16xi32>,
      %swap3A_442 = vector.shape_cast %swap3A_441 : vector<16xi32> to vector<16xi32>
      %swap3A_443 = vector.shape_cast %add3A_439 : vector<16xi32> to vector<16xi32>
      tpu.vector_store %arg11[%swap3A_440], %swap3A_443 {strides = array<i32>} : memref<80xi32, #tpu.memory_space<vmem>>, vector<16xi32>,
      %dma_wait3A_444 = arith.constant 21 : i32
      %dma_wait3A_445 = arith.constant 0 : i32
      %dma_wait3A_446 = tpu.memref_slice %arg10[%dma_wait3A_444, %dma_wait3A_445] : memref<25x80xi32, #tpu.memory_space<vmem>> -> memref<1x80xi32, #tpu.memory_space<vmem>>
      %dma_wait3A_447 = tpu.memref_squeeze %dma_wait3A_446 : memref<1x80xi32, #tpu.memory_space<vmem>> -> memref<80xi32, #tpu.memory_space<vmem>>
      %dma_wait3A_448 = arith.constant 0 : i32
      %dma_wait3A_449 = arith.constant 0 : i32
      %dma_wait3A_450 = tpu.memref_slice %arg17[%dma_wait3A_448, %dma_wait3A_449] : memref<10000x128xf32, #tpu.memory_space<vmem_shared>> -> memref<10000x128xf32, #tpu.memory_space<vmem_shared>>
      tpu.wait_indirect_dma semaphore(%arg21 : memref<!tpu.dma_semaphore, #tpu.memory_space<semaphore_mem>>) src(%arg14 : memref<80x128xf32, #tpu.memory_space<vmem>>) dst(%dma_wait3A_450 : memref<10000x128xf32, #tpu.memory_space<vmem_shared>>)
      %dma_start3A_451 = arith.constant 0 : i32
      %dma_start3A_452 = arith.constant 0 : i32
      %dma_start3A_453 = tpu.memref_slice %arg2[%dma_start3A_451, %dma_start3A_452] : memref<1000000x128xf32, #tpu.memory_space<hbm>> -> memref<1000000x128xf32, #tpu.memory_space<hbm>>
      tpu.enqueue_indirect_dma source(%dma_start3A_453 : memref<1000000x128xf32, #tpu.memory_space<hbm>>) target(%arg14 : memref<80x128xf32, #tpu.memory_space<vmem>>) offsets(%arg11 : memref<80xi32, #tpu.memory_space<vmem>>) semaphore(%arg18 : memref<!tpu.dma_semaphore, #tpu.memory_space<semaphore_mem>>)
      %dma_wait3A_454 = arith.constant 0 : i32
      %dma_wait3A_455 = arith.constant 0 : i32
      %dma_wait3A_456 = tpu.memref_slice %arg2[%dma_wait3A_454, %dma_wait3A_455] : memref<1000000x128xf32, #tpu.memory_space<hbm>> -> memref<1000000x128xf32, #tpu.memory_space<hbm>>
      tpu.wait_indirect_dma semaphore(%arg19 : memref<!tpu.dma_semaphore, #tpu.memory_space<semaphore_mem>>) src(%dma_wait3A_456 : memref<1000000x128xf32, #tpu.memory_space<hbm>>) dst(%arg15 : memref<80x128xf32, #tpu.memory_space<vmem>>)
      %dma_start3A_457 = arith.constant 22 : i32
      %dma_start3A_458 = arith.constant 0 : i32
      %dma_start3A_459 = tpu.memref_slice %arg10[%dma_start3A_457, %dma_start3A_458] : memref<25x80xi32, #tpu.memory_space<vmem>> -> memref<1x80xi32, #tpu.memory_space<vmem>>
      %dma_start3A_460 = tpu.memref_squeeze %dma_start3A_459 : memref<1x80xi32, #tpu.memory_space<vmem>> -> memref<80xi32, #tpu.memory_space<vmem>>
      %dma_start3A_461 = arith.constant 0 : i32
      %dma_start3A_462 = arith.constant 0 : i32
      %dma_start3A_463 = tpu.memref_slice %arg17[%dma_start3A_461, %dma_start3A_462] : memref<10000x128xf32, #tpu.memory_space<vmem_shared>> -> memref<10000x128xf32, #tpu.memory_space<vmem_shared>>
      tpu.enqueue_indirect_dma source(%arg15 : memref<80x128xf32, #tpu.memory_space<vmem>>) target(%dma_start3A_463 : memref<10000x128xf32, #tpu.memory_space<vmem_shared>>) offsets(%dma_start3A_460 : memref<80xi32, #tpu.memory_space<vmem>>) semaphore(%arg22 : memref<!tpu.dma_semaphore, #tpu.memory_space<semaphore_mem>>) {add = true}
      %dma_wait3A_464 = arith.constant 22 : i32
      %dma_wait3A_465 = arith.constant 0 : i32
      %dma_wait3A_466 = tpu.memref_slice %arg10[%dma_wait3A_464, %dma_wait3A_465] : memref<25x80xi32, #tpu.memory_space<vmem>> -> memref<1x80xi32, #tpu.memory_space<vmem>>
      %dma_wait3A_467 = tpu.memref_squeeze %dma_wait3A_466 : memref<1x80xi32, #tpu.memory_space<vmem>> -> memref<80xi32, #tpu.memory_space<vmem>>
      %dma_wait3A_468 = arith.constant 0 : i32
      %dma_wait3A_469 = arith.constant 0 : i32
      %dma_wait3A_470 = tpu.memref_slice %arg17[%dma_wait3A_468, %dma_wait3A_469] : memref<10000x128xf32, #tpu.memory_space<vmem_shared>> -> memref<10000x128xf32, #tpu.memory_space<vmem_shared>>
      tpu.wait_indirect_dma semaphore(%arg22 : memref<!tpu.dma_semaphore, #tpu.memory_space<semaphore_mem>>) src(%arg15 : memref<80x128xf32, #tpu.memory_space<vmem>>) dst(%dma_wait3A_470 : memref<10000x128xf32, #tpu.memory_space<vmem_shared>>)
      %dma_wait3A_471 = arith.constant 0 : i32
      %dma_wait3A_472 = arith.constant 0 : i32
      %dma_wait3A_473 = tpu.memref_slice %arg2[%dma_wait3A_471, %dma_wait3A_472] : memref<1000000x128xf32, #tpu.memory_space<hbm>> -> memref<1000000x128xf32, #tpu.memory_space<hbm>>
      tpu.wait_indirect_dma semaphore(%arg20 : memref<!tpu.dma_semaphore, #tpu.memory_space<semaphore_mem>>) src(%dma_wait3A_473 : memref<1000000x128xf32, #tpu.memory_space<hbm>>) dst(%arg16 : memref<80x128xf32, #tpu.memory_space<vmem>>)
      %dma_start3A_474 = arith.constant 23 : i32
      %dma_start3A_475 = arith.constant 0 : i32
      %dma_start3A_476 = tpu.memref_slice %arg10[%dma_start3A_474, %dma_start3A_475] : memref<25x80xi32, #tpu.memory_space<vmem>> -> memref<1x80xi32, #tpu.memory_space<vmem>>
      %dma_start3A_477 = tpu.memref_squeeze %dma_start3A_476 : memref<1x80xi32, #tpu.memory_space<vmem>> -> memref<80xi32, #tpu.memory_space<vmem>>
      %dma_start3A_478 = arith.constant 0 : i32
      %dma_start3A_479 = arith.constant 0 : i32
      %dma_start3A_480 = tpu.memref_slice %arg17[%dma_start3A_478, %dma_start3A_479] : memref<10000x128xf32, #tpu.memory_space<vmem_shared>> -> memref<10000x128xf32, #tpu.memory_space<vmem_shared>>
      tpu.enqueue_indirect_dma source(%arg16 : memref<80x128xf32, #tpu.memory_space<vmem>>) target(%dma_start3A_480 : memref<10000x128xf32, #tpu.memory_space<vmem_shared>>) offsets(%dma_start3A_477 : memref<80xi32, #tpu.memory_space<vmem>>) semaphore(%arg23 : memref<!tpu.dma_semaphore, #tpu.memory_space<semaphore_mem>>) {add = true}
      %dma_wait3A_481 = arith.constant 23 : i32
      %dma_wait3A_482 = arith.constant 0 : i32
      %dma_wait3A_483 = tpu.memref_slice %arg10[%dma_wait3A_481, %dma_wait3A_482] : memref<25x80xi32, #tpu.memory_space<vmem>> -> memref<1x80xi32, #tpu.memory_space<vmem>>
      %dma_wait3A_484 = tpu.memref_squeeze %dma_wait3A_483 : memref<1x80xi32, #tpu.memory_space<vmem>> -> memref<80xi32, #tpu.memory_space<vmem>>
      %dma_wait3A_485 = arith.constant 0 : i32
      %dma_wait3A_486 = arith.constant 0 : i32
      %dma_wait3A_487 = tpu.memref_slice %arg17[%dma_wait3A_485, %dma_wait3A_486] : memref<10000x128xf32, #tpu.memory_space<vmem_shared>> -> memref<10000x128xf32, #tpu.memory_space<vmem_shared>>
      tpu.wait_indirect_dma semaphore(%arg23 : memref<!tpu.dma_semaphore, #tpu.memory_space<semaphore_mem>>) src(%arg16 : memref<80x128xf32, #tpu.memory_space<vmem>>) dst(%dma_wait3A_487 : memref<10000x128xf32, #tpu.memory_space<vmem_shared>>)
      %dma_wait3A_488 = arith.constant 0 : i32
      %dma_wait3A_489 = arith.constant 0 : i32
      %dma_wait3A_490 = tpu.memref_slice %arg2[%dma_wait3A_488, %dma_wait3A_489] : memref<1000000x128xf32, #tpu.memory_space<hbm>> -> memref<1000000x128xf32, #tpu.memory_space<hbm>>
      tpu.wait_indirect_dma semaphore(%arg18 : memref<!tpu.dma_semaphore, #tpu.memory_space<semaphore_mem>>) src(%dma_wait3A_490 : memref<1000000x128xf32, #tpu.memory_space<hbm>>) dst(%arg14 : memref<80x128xf32, #tpu.memory_space<vmem>>)
      %dma_start3A_491 = arith.constant 24 : i32
      %dma_start3A_492 = arith.constant 0 : i32
      %dma_start3A_493 = tpu.memref_slice %arg10[%dma_start3A_491, %dma_start3A_492] : memref<25x80xi32, #tpu.memory_space<vmem>> -> memref<1x80xi32, #tpu.memory_space<vmem>>
      %dma_start3A_494 = tpu.memref_squeeze %dma_start3A_493 : memref<1x80xi32, #tpu.memory_space<vmem>> -> memref<80xi32, #tpu.memory_space<vmem>>
      %dma_start3A_495 = arith.constant 0 : i32
      %dma_start3A_496 = arith.constant 0 : i32
      %dma_start3A_497 = tpu.memref_slice %arg17[%dma_start3A_495, %dma_start3A_496] : memref<10000x128xf32, #tpu.memory_space<vmem_shared>> -> memref<10000x128xf32, #tpu.memory_space<vmem_shared>>
      tpu.enqueue_indirect_dma source(%arg14 : memref<80x128xf32, #tpu.memory_space<vmem>>) target(%dma_start3A_497 : memref<10000x128xf32, #tpu.memory_space<vmem_shared>>) offsets(%dma_start3A_494 : memref<80xi32, #tpu.memory_space<vmem>>) semaphore(%arg21 : memref<!tpu.dma_semaphore, #tpu.memory_space<semaphore_mem>>) {add = true}
      %dma_wait3A_498 = arith.constant 24 : i32
      %dma_wait3A_499 = arith.constant 0 : i32
      %dma_wait3A_500 = tpu.memref_slice %arg10[%dma_wait3A_498, %dma_wait3A_499] : memref<25x80xi32, #tpu.memory_space<vmem>> -> memref<1x80xi32, #tpu.memory_space<vmem>>
      %dma_wait3A_501 = tpu.memref_squeeze %dma_wait3A_500 : memref<1x80xi32, #tpu.memory_space<vmem>> -> memref<80xi32, #tpu.memory_space<vmem>>
      %dma_wait3A_502 = arith.constant 0 : i32
      %dma_wait3A_503 = arith.constant 0 : i32
      %dma_wait3A_504 = tpu.memref_slice %arg17[%dma_wait3A_502, %dma_wait3A_503] : memref<10000x128xf32, #tpu.memory_space<vmem_shared>> -> memref<10000x128xf32, #tpu.memory_space<vmem_shared>>
      tpu.wait_indirect_dma semaphore(%arg21 : memref<!tpu.dma_semaphore, #tpu.memory_space<semaphore_mem>>) src(%arg14 : memref<80x128xf32, #tpu.memory_space<vmem>>) dst(%dma_wait3A_504 : memref<10000x128xf32, #tpu.memory_space<vmem_shared>>)
    }
    %scan3A_28 = arith.constant 5 : i32
    %barrier3A_29 = arith.constant 0 : index
    tpu.barrier barrier_id(%barrier3A_29)
    %add3A_30 = arith.constant 0 : i32
    %add3A_31 = arith.addi %arg1, %add3A_30 : i32
    %lt3A_32 = arith.constant 50 : i32
    %lt3A_33 = arith.cmpi slt, %add3A_31, %lt3A_32 : i32
    %convert_element_type3A_34 = arith.extui %lt3A_33 : i1 to i32
    %cond3A_35 = arith.constant 0 : i32
    %cond3A_36 = arith.cmpi ne, %convert_element_type3A_34, %cond3A_35 : i32
    scf.if %cond3A_36 {
      %mul3A = arith.constant 200 : i32
      %mul3A_58 = arith.muli %add3A_31, %mul3A : i32
      %mul3A_59 = arith.constant 50 : i32
      %mul3A_60 = arith.muli %arg0, %mul3A_59 : i32
      %add3A_61 = arith.addi %mul3A_60, %add3A_31 : i32
      "tpu.region"() ({
        %run_scoped3A = tpu.sem_alloc : memref<!tpu.dma_semaphore, #tpu.memory_space<semaphore_mem>>
        %dma_start3A = arith.constant 0 : i32
        %dma_start3A_62 = arith.constant 0 : i32
        %dma_start3A_63 = tpu.memref_slice %arg7[%add3A_61, %dma_start3A, %dma_start3A_62] : memref<100x200x128xf32, #tpu.memory_space<hbm>> -> memref<1x200x128xf32, #tpu.memory_space<hbm>>
        %dma_start3A_64 = tpu.memref_squeeze %dma_start3A_63 : memref<1x200x128xf32, #tpu.memory_space<hbm>> -> memref<200x128xf32, #tpu.memory_space<hbm>>
        %dma_start3A_65 = arith.constant 0 : i32
        %dma_start3A_66 = tpu.memref_slice %arg17[%mul3A_58, %dma_start3A_65] : memref<10000x128xf32, #tpu.memory_space<vmem_shared>> -> memref<200x128xf32, #tpu.memory_space<vmem_shared>>
        tpu.enqueue_dma source(%dma_start3A_66 : memref<200x128xf32, #tpu.memory_space<vmem_shared>>) target(%dma_start3A_64 : memref<200x128xf32, #tpu.memory_space<hbm>>) target_semaphore(%run_scoped3A : memref<!tpu.dma_semaphore, #tpu.memory_space<semaphore_mem>>)
        %dma_wait3A = arith.constant 0 : i32
        %dma_wait3A_67 = arith.constant 0 : i32
        %dma_wait3A_68 = tpu.memref_slice %arg7[%add3A_61, %dma_wait3A, %dma_wait3A_67] : memref<100x200x128xf32, #tpu.memory_space<hbm>> -> memref<1x200x128xf32, #tpu.memory_space<hbm>>
        %dma_wait3A_69 = tpu.memref_squeeze %dma_wait3A_68 : memref<1x200x128xf32, #tpu.memory_space<hbm>> -> memref<200x128xf32, #tpu.memory_space<hbm>>
        %dma_wait3A_70 = arith.constant 0 : i32
        %dma_wait3A_71 = tpu.memref_slice %arg17[%mul3A_58, %dma_wait3A_70] : memref<10000x128xf32, #tpu.memory_space<vmem_shared>> -> memref<200x128xf32, #tpu.memory_space<vmem_shared>>
        tpu.wait_dma2 semaphore(%run_scoped3A : memref<!tpu.dma_semaphore, #tpu.memory_space<semaphore_mem>>) src(%dma_wait3A_71 : memref<200x128xf32, #tpu.memory_space<vmem_shared>>) dst(%dma_wait3A_69 : memref<200x128xf32, #tpu.memory_space<hbm>>)
        tpu.yield
      }) : () -> ()
    } else {
    }
    %add3A_37 = arith.constant 16 : i32
    %add3A_38 = arith.addi %arg1, %add3A_37 : i32
    %lt3A_39 = arith.constant 50 : i32
    %lt3A_40 = arith.cmpi slt, %add3A_38, %lt3A_39 : i32
    %convert_element_type3A_41 = arith.extui %lt3A_40 : i1 to i32
    %cond3A_42 = arith.constant 0 : i32
    %cond3A_43 = arith.cmpi ne, %convert_element_type3A_41, %cond3A_42 : i32
    scf.if %cond3A_43 {
      %mul3A = arith.constant 200 : i32
      %mul3A_58 = arith.muli %add3A_38, %mul3A : i32
      %mul3A_59 = arith.constant 50 : i32
      %mul3A_60 = arith.muli %arg0, %mul3A_59 : i32
      %add3A_61 = arith.addi %mul3A_60, %add3A_38 : i32
      "tpu.region"() ({
        %run_scoped3A = tpu.sem_alloc : memref<!tpu.dma_semaphore, #tpu.memory_space<semaphore_mem>>
        %dma_start3A = arith.constant 0 : i32
        %dma_start3A_62 = arith.constant 0 : i32
        %dma_start3A_63 = tpu.memref_slice %arg7[%add3A_61, %dma_start3A, %dma_start3A_62] : memref<100x200x128xf32, #tpu.memory_space<hbm>> -> memref<1x200x128xf32, #tpu.memory_space<hbm>>
        %dma_start3A_64 = tpu.memref_squeeze %dma_start3A_63 : memref<1x200x128xf32, #tpu.memory_space<hbm>> -> memref<200x128xf32, #tpu.memory_space<hbm>>
        %dma_start3A_65 = arith.constant 0 : i32
        %dma_start3A_66 = tpu.memref_slice %arg17[%mul3A_58, %dma_start3A_65] : memref<10000x128xf32, #tpu.memory_space<vmem_shared>> -> memref<200x128xf32, #tpu.memory_space<vmem_shared>>
        tpu.enqueue_dma source(%dma_start3A_66 : memref<200x128xf32, #tpu.memory_space<vmem_shared>>) target(%dma_start3A_64 : memref<200x128xf32, #tpu.memory_space<hbm>>) target_semaphore(%run_scoped3A : memref<!tpu.dma_semaphore, #tpu.memory_space<semaphore_mem>>)
        %dma_wait3A = arith.constant 0 : i32
        %dma_wait3A_67 = arith.constant 0 : i32
        %dma_wait3A_68 = tpu.memref_slice %arg7[%add3A_61, %dma_wait3A, %dma_wait3A_67] : memref<100x200x128xf32, #tpu.memory_space<hbm>> -> memref<1x200x128xf32, #tpu.memory_space<hbm>>
        %dma_wait3A_69 = tpu.memref_squeeze %dma_wait3A_68 : memref<1x200x128xf32, #tpu.memory_space<hbm>> -> memref<200x128xf32, #tpu.memory_space<hbm>>
        %dma_wait3A_70 = arith.constant 0 : i32
        %dma_wait3A_71 = tpu.memref_slice %arg17[%mul3A_58, %dma_wait3A_70] : memref<10000x128xf32, #tpu.memory_space<vmem_shared>> -> memref<200x128xf32, #tpu.memory_space<vmem_shared>>
        tpu.wait_dma2 semaphore(%run_scoped3A : memref<!tpu.dma_semaphore, #tpu.memory_space<semaphore_mem>>) src(%dma_wait3A_71 : memref<200x128xf32, #tpu.memory_space<vmem_shared>>) dst(%dma_wait3A_69 : memref<200x128xf32, #tpu.memory_space<hbm>>)
        tpu.yield
      }) : () -> ()
    } else {
    }
    %add3A_44 = arith.constant 32 : i32
    %add3A_45 = arith.addi %arg1, %add3A_44 : i32
    %lt3A_46 = arith.constant 50 : i32
    %lt3A_47 = arith.cmpi slt, %add3A_45, %lt3A_46 : i32
    %convert_element_type3A_48 = arith.extui %lt3A_47 : i1 to i32
    %cond3A_49 = arith.constant 0 : i32
    %cond3A_50 = arith.cmpi ne, %convert_element_type3A_48, %cond3A_49 : i32
    scf.if %cond3A_50 {
      %mul3A = arith.constant 200 : i32
      %mul3A_58 = arith.muli %add3A_45, %mul3A : i32
      %mul3A_59 = arith.constant 50 : i32
      %mul3A_60 = arith.muli %arg0, %mul3A_59 : i32
      %add3A_61 = arith.addi %mul3A_60, %add3A_45 : i32
      "tpu.region"() ({
        %run_scoped3A = tpu.sem_alloc : memref<!tpu.dma_semaphore, #tpu.memory_space<semaphore_mem>>
        %dma_start3A = arith.constant 0 : i32
        %dma_start3A_62 = arith.constant 0 : i32
        %dma_start3A_63 = tpu.memref_slice %arg7[%add3A_61, %dma_start3A, %dma_start3A_62] : memref<100x200x128xf32, #tpu.memory_space<hbm>> -> memref<1x200x128xf32, #tpu.memory_space<hbm>>
        %dma_start3A_64 = tpu.memref_squeeze %dma_start3A_63 : memref<1x200x128xf32, #tpu.memory_space<hbm>> -> memref<200x128xf32, #tpu.memory_space<hbm>>
        %dma_start3A_65 = arith.constant 0 : i32
        %dma_start3A_66 = tpu.memref_slice %arg17[%mul3A_58, %dma_start3A_65] : memref<10000x128xf32, #tpu.memory_space<vmem_shared>> -> memref<200x128xf32, #tpu.memory_space<vmem_shared>>
        tpu.enqueue_dma source(%dma_start3A_66 : memref<200x128xf32, #tpu.memory_space<vmem_shared>>) target(%dma_start3A_64 : memref<200x128xf32, #tpu.memory_space<hbm>>) target_semaphore(%run_scoped3A : memref<!tpu.dma_semaphore, #tpu.memory_space<semaphore_mem>>)
        %dma_wait3A = arith.constant 0 : i32
        %dma_wait3A_67 = arith.constant 0 : i32
        %dma_wait3A_68 = tpu.memref_slice %arg7[%add3A_61, %dma_wait3A, %dma_wait3A_67] : memref<100x200x128xf32, #tpu.memory_space<hbm>> -> memref<1x200x128xf32, #tpu.memory_space<hbm>>
        %dma_wait3A_69 = tpu.memref_squeeze %dma_wait3A_68 : memref<1x200x128xf32, #tpu.memory_space<hbm>> -> memref<200x128xf32, #tpu.memory_space<hbm>>
        %dma_wait3A_70 = arith.constant 0 : i32
        %dma_wait3A_71 = tpu.memref_slice %arg17[%mul3A_58, %dma_wait3A_70] : memref<10000x128xf32, #tpu.memory_space<vmem_shared>> -> memref<200x128xf32, #tpu.memory_space<vmem_shared>>
        tpu.wait_dma2 semaphore(%run_scoped3A : memref<!tpu.dma_semaphore, #tpu.memory_space<semaphore_mem>>) src(%dma_wait3A_71 : memref<200x128xf32, #tpu.memory_space<vmem_shared>>) dst(%dma_wait3A_69 : memref<200x128xf32, #tpu.memory_space<hbm>>)
        tpu.yield
      }) : () -> ()
    } else {
    }
    %add3A_51 = arith.constant 48 : i32
    %add3A_52 = arith.addi %arg1, %add3A_51 : i32
    %lt3A_53 = arith.constant 50 : i32
    %lt3A_54 = arith.cmpi slt, %add3A_52, %lt3A_53 : i32
    %convert_element_type3A_55 = arith.extui %lt3A_54 : i1 to i32
    %cond3A_56 = arith.constant 0 : i32
    %cond3A_57 = arith.cmpi ne, %convert_element_type3A_55, %cond3A_56 : i32
    scf.if %cond3A_57 {
      %mul3A = arith.constant 200 : i32
      %mul3A_58 = arith.muli %add3A_52, %mul3A : i32
      %mul3A_59 = arith.constant 50 : i32
      %mul3A_60 = arith.muli %arg0, %mul3A_59 : i32
      %add3A_61 = arith.addi %mul3A_60, %add3A_52 : i32
      "tpu.region"() ({
        %run_scoped3A = tpu.sem_alloc : memref<!tpu.dma_semaphore, #tpu.memory_space<semaphore_mem>>
        %dma_start3A = arith.constant 0 : i32
        %dma_start3A_62 = arith.constant 0 : i32
        %dma_start3A_63 = tpu.memref_slice %arg7[%add3A_61, %dma_start3A, %dma_start3A_62] : memref<100x200x128xf32, #tpu.memory_space<hbm>> -> memref<1x200x128xf32, #tpu.memory_space<hbm>>
        %dma_start3A_64 = tpu.memref_squeeze %dma_start3A_63 : memref<1x200x128xf32, #tpu.memory_space<hbm>> -> memref<200x128xf32, #tpu.memory_space<hbm>>
        %dma_start3A_65 = arith.constant 0 : i32
        %dma_start3A_66 = tpu.memref_slice %arg17[%mul3A_58, %dma_start3A_65] : memref<10000x128xf32, #tpu.memory_space<vmem_shared>> -> memref<200x128xf32, #tpu.memory_space<vmem_shared>>
        tpu.enqueue_dma source(%dma_start3A_66 : memref<200x128xf32, #tpu.memory_space<vmem_shared>>) target(%dma_start3A_64 : memref<200x128xf32, #tpu.memory_space<hbm>>) target_semaphore(%run_scoped3A : memref<!tpu.dma_semaphore, #tpu.memory_space<semaphore_mem>>)
        %dma_wait3A = arith.constant 0 : i32
        %dma_wait3A_67 = arith.constant 0 : i32
        %dma_wait3A_68 = tpu.memref_slice %arg7[%add3A_61, %dma_wait3A, %dma_wait3A_67] : memref<100x200x128xf32, #tpu.memory_space<hbm>> -> memref<1x200x128xf32, #tpu.memory_space<hbm>>
        %dma_wait3A_69 = tpu.memref_squeeze %dma_wait3A_68 : memref<1x200x128xf32, #tpu.memory_space<hbm>> -> memref<200x128xf32, #tpu.memory_space<hbm>>
        %dma_wait3A_70 = arith.constant 0 : i32
        %dma_wait3A_71 = tpu.memref_slice %arg17[%mul3A_58, %dma_wait3A_70] : memref<10000x128xf32, #tpu.memory_space<vmem_shared>> -> memref<200x128xf32, #tpu.memory_space<vmem_shared>>
        tpu.wait_dma2 semaphore(%run_scoped3A : memref<!tpu.dma_semaphore, #tpu.memory_space<semaphore_mem>>) src(%dma_wait3A_71 : memref<200x128xf32, #tpu.memory_space<vmem_shared>>) dst(%dma_wait3A_69 : memref<200x128xf32, #tpu.memory_space<hbm>>)
        tpu.yield
      }) : () -> ()
    } else {
    }
    return
  }
}

module attributes {stable_mosaic.version = 14 : i64} {
  func.func @_w_body(%arg0: i32, %arg1: memref<10x1x10xf32, #tpu.memory_space<vmem>>, %arg2: memref<10x256x256xf32, #tpu.memory_space<vmem>>, %arg3: memref<10x256x256xbf16, #tpu.memory_space<vmem>>) attributes {dimension_semantics = [#tpu.dimension_semantics<arbitrary>], iteration_bounds = array<i64: 5>, scalar_prefetch = 0 : i64, scratch_operands = 0 : i64, tpu.core_type = #tpu.core_type<tc>, window_params = [{transform_indices = @transform_0, window_bounds = array<i64: 10, 1, 10>}, {pipeline_mode = #tpu.pipeline_mode<synchronous>, transform_indices = @transform_1, window_bounds = array<i64: 10, 256, 256>}, {transform_indices = @transform_2, window_bounds = array<i64: 10, 256, 256>}]} {
    %get3A = arith.constant 0 : index
    %get3A_0 = arith.constant 0 : index
    %get3A_1 = arith.constant 0 : index
    %get3A_2 = vector.load %arg1[%get3A, %get3A_0, %get3A_1] : memref<10x1x10xf32, #tpu.memory_space<vmem>>, vector<1x1x1xf32>
    %get3A_3 = vector.extract %get3A_2[0, 0, 0] : f32 from vector<1x1x1xf32>
    %get3A_4 = arith.constant 0 : index
    %get3A_5 = arith.constant 0 : index
    %get3A_6 = arith.constant 0 : index
    %get3A_7 = vector.load %arg2[%get3A_4, %get3A_5, %get3A_6] : memref<10x256x256xf32, #tpu.memory_space<vmem>>, vector<1x256x256xf32>
    %get3A_8 = vector.shape_cast %get3A_7 : vector<1x256x256xf32> to vector<256x256xf32>
    %mul3A = vector.broadcast %get3A_3 : f32 to vector<256x256xf32>
    %mul3A_9 = arith.mulf %mul3A, %get3A_8 : vector<256x256xf32>
    %get3A_10 = arith.constant 0 : index
    %get3A_11 = arith.constant 0 : index
    %get3A_12 = arith.constant 1 : index
    %get3A_13 = vector.load %arg1[%get3A_10, %get3A_11, %get3A_12] : memref<10x1x10xf32, #tpu.memory_space<vmem>>, vector<1x1x1xf32>
    %get3A_14 = vector.extract %get3A_13[0, 0, 0] : f32 from vector<1x1x1xf32>
    %get3A_15 = arith.constant 1 : index
    %get3A_16 = arith.constant 0 : index
    %get3A_17 = arith.constant 0 : index
    %get3A_18 = vector.load %arg2[%get3A_15, %get3A_16, %get3A_17] : memref<10x256x256xf32, #tpu.memory_space<vmem>>, vector<1x256x256xf32>
    %get3A_19 = vector.shape_cast %get3A_18 : vector<1x256x256xf32> to vector<256x256xf32>
    %mul3A_20 = vector.broadcast %get3A_14 : f32 to vector<256x256xf32>
    %mul3A_21 = arith.mulf %mul3A_20, %get3A_19 : vector<256x256xf32>
    %add3A = arith.addf %mul3A_9, %mul3A_21 : vector<256x256xf32>
    %get3A_22 = arith.constant 0 : index
    %get3A_23 = arith.constant 0 : index
    %get3A_24 = arith.constant 2 : index
    %get3A_25 = vector.load %arg1[%get3A_22, %get3A_23, %get3A_24] : memref<10x1x10xf32, #tpu.memory_space<vmem>>, vector<1x1x1xf32>
    %get3A_26 = vector.extract %get3A_25[0, 0, 0] : f32 from vector<1x1x1xf32>
    %get3A_27 = arith.constant 2 : index
    %get3A_28 = arith.constant 0 : index
    %get3A_29 = arith.constant 0 : index
    %get3A_30 = vector.load %arg2[%get3A_27, %get3A_28, %get3A_29] : memref<10x256x256xf32, #tpu.memory_space<vmem>>, vector<1x256x256xf32>
    %get3A_31 = vector.shape_cast %get3A_30 : vector<1x256x256xf32> to vector<256x256xf32>
    %mul3A_32 = vector.broadcast %get3A_26 : f32 to vector<256x256xf32>
    %mul3A_33 = arith.mulf %mul3A_32, %get3A_31 : vector<256x256xf32>
    %add3A_34 = arith.addf %add3A, %mul3A_33 : vector<256x256xf32>
    %get3A_35 = arith.constant 0 : index
    %get3A_36 = arith.constant 0 : index
    %get3A_37 = arith.constant 3 : index
    %get3A_38 = vector.load %arg1[%get3A_35, %get3A_36, %get3A_37] : memref<10x1x10xf32, #tpu.memory_space<vmem>>, vector<1x1x1xf32>
    %get3A_39 = vector.extract %get3A_38[0, 0, 0] : f32 from vector<1x1x1xf32>
    %get3A_40 = arith.constant 3 : index
    %get3A_41 = arith.constant 0 : index
    %get3A_42 = arith.constant 0 : index
    %get3A_43 = vector.load %arg2[%get3A_40, %get3A_41, %get3A_42] : memref<10x256x256xf32, #tpu.memory_space<vmem>>, vector<1x256x256xf32>
    %get3A_44 = vector.shape_cast %get3A_43 : vector<1x256x256xf32> to vector<256x256xf32>
    %mul3A_45 = vector.broadcast %get3A_39 : f32 to vector<256x256xf32>
    %mul3A_46 = arith.mulf %mul3A_45, %get3A_44 : vector<256x256xf32>
    %add3A_47 = arith.addf %add3A_34, %mul3A_46 : vector<256x256xf32>
    %get3A_48 = arith.constant 0 : index
    %get3A_49 = arith.constant 0 : index
    %get3A_50 = arith.constant 4 : index
    %get3A_51 = vector.load %arg1[%get3A_48, %get3A_49, %get3A_50] : memref<10x1x10xf32, #tpu.memory_space<vmem>>, vector<1x1x1xf32>
    %get3A_52 = vector.extract %get3A_51[0, 0, 0] : f32 from vector<1x1x1xf32>
    %get3A_53 = arith.constant 4 : index
    %get3A_54 = arith.constant 0 : index
    %get3A_55 = arith.constant 0 : index
    %get3A_56 = vector.load %arg2[%get3A_53, %get3A_54, %get3A_55] : memref<10x256x256xf32, #tpu.memory_space<vmem>>, vector<1x256x256xf32>
    %get3A_57 = vector.shape_cast %get3A_56 : vector<1x256x256xf32> to vector<256x256xf32>
    %mul3A_58 = vector.broadcast %get3A_52 : f32 to vector<256x256xf32>
    %mul3A_59 = arith.mulf %mul3A_58, %get3A_57 : vector<256x256xf32>
    %add3A_60 = arith.addf %add3A_47, %mul3A_59 : vector<256x256xf32>
    %get3A_61 = arith.constant 0 : index
    %get3A_62 = arith.constant 0 : index
    %get3A_63 = arith.constant 5 : index
    %get3A_64 = vector.load %arg1[%get3A_61, %get3A_62, %get3A_63] : memref<10x1x10xf32, #tpu.memory_space<vmem>>, vector<1x1x1xf32>
    %get3A_65 = vector.extract %get3A_64[0, 0, 0] : f32 from vector<1x1x1xf32>
    %get3A_66 = arith.constant 5 : index
    %get3A_67 = arith.constant 0 : index
    %get3A_68 = arith.constant 0 : index
    %get3A_69 = vector.load %arg2[%get3A_66, %get3A_67, %get3A_68] : memref<10x256x256xf32, #tpu.memory_space<vmem>>, vector<1x256x256xf32>
    %get3A_70 = vector.shape_cast %get3A_69 : vector<1x256x256xf32> to vector<256x256xf32>
    %mul3A_71 = vector.broadcast %get3A_65 : f32 to vector<256x256xf32>
    %mul3A_72 = arith.mulf %mul3A_71, %get3A_70 : vector<256x256xf32>
    %add3A_73 = arith.addf %add3A_60, %mul3A_72 : vector<256x256xf32>
    %get3A_74 = arith.constant 0 : index
    %get3A_75 = arith.constant 0 : index
    %get3A_76 = arith.constant 6 : index
    %get3A_77 = vector.load %arg1[%get3A_74, %get3A_75, %get3A_76] : memref<10x1x10xf32, #tpu.memory_space<vmem>>, vector<1x1x1xf32>
    %get3A_78 = vector.extract %get3A_77[0, 0, 0] : f32 from vector<1x1x1xf32>
    %get3A_79 = arith.constant 6 : index
    %get3A_80 = arith.constant 0 : index
    %get3A_81 = arith.constant 0 : index
    %get3A_82 = vector.load %arg2[%get3A_79, %get3A_80, %get3A_81] : memref<10x256x256xf32, #tpu.memory_space<vmem>>, vector<1x256x256xf32>
    %get3A_83 = vector.shape_cast %get3A_82 : vector<1x256x256xf32> to vector<256x256xf32>
    %mul3A_84 = vector.broadcast %get3A_78 : f32 to vector<256x256xf32>
    %mul3A_85 = arith.mulf %mul3A_84, %get3A_83 : vector<256x256xf32>
    %add3A_86 = arith.addf %add3A_73, %mul3A_85 : vector<256x256xf32>
    %get3A_87 = arith.constant 0 : index
    %get3A_88 = arith.constant 0 : index
    %get3A_89 = arith.constant 7 : index
    %get3A_90 = vector.load %arg1[%get3A_87, %get3A_88, %get3A_89] : memref<10x1x10xf32, #tpu.memory_space<vmem>>, vector<1x1x1xf32>
    %get3A_91 = vector.extract %get3A_90[0, 0, 0] : f32 from vector<1x1x1xf32>
    %get3A_92 = arith.constant 7 : index
    %get3A_93 = arith.constant 0 : index
    %get3A_94 = arith.constant 0 : index
    %get3A_95 = vector.load %arg2[%get3A_92, %get3A_93, %get3A_94] : memref<10x256x256xf32, #tpu.memory_space<vmem>>, vector<1x256x256xf32>
    %get3A_96 = vector.shape_cast %get3A_95 : vector<1x256x256xf32> to vector<256x256xf32>
    %mul3A_97 = vector.broadcast %get3A_91 : f32 to vector<256x256xf32>
    %mul3A_98 = arith.mulf %mul3A_97, %get3A_96 : vector<256x256xf32>
    %add3A_99 = arith.addf %add3A_86, %mul3A_98 : vector<256x256xf32>
    %get3A_100 = arith.constant 0 : index
    %get3A_101 = arith.constant 0 : index
    %get3A_102 = arith.constant 8 : index
    %get3A_103 = vector.load %arg1[%get3A_100, %get3A_101, %get3A_102] : memref<10x1x10xf32, #tpu.memory_space<vmem>>, vector<1x1x1xf32>
    %get3A_104 = vector.extract %get3A_103[0, 0, 0] : f32 from vector<1x1x1xf32>
    %get3A_105 = arith.constant 8 : index
    %get3A_106 = arith.constant 0 : index
    %get3A_107 = arith.constant 0 : index
    %get3A_108 = vector.load %arg2[%get3A_105, %get3A_106, %get3A_107] : memref<10x256x256xf32, #tpu.memory_space<vmem>>, vector<1x256x256xf32>
    %get3A_109 = vector.shape_cast %get3A_108 : vector<1x256x256xf32> to vector<256x256xf32>
    %mul3A_110 = vector.broadcast %get3A_104 : f32 to vector<256x256xf32>
    %mul3A_111 = arith.mulf %mul3A_110, %get3A_109 : vector<256x256xf32>
    %add3A_112 = arith.addf %add3A_99, %mul3A_111 : vector<256x256xf32>
    %get3A_113 = arith.constant 0 : index
    %get3A_114 = arith.constant 0 : index
    %get3A_115 = arith.constant 9 : index
    %get3A_116 = vector.load %arg1[%get3A_113, %get3A_114, %get3A_115] : memref<10x1x10xf32, #tpu.memory_space<vmem>>, vector<1x1x1xf32>
    %get3A_117 = vector.extract %get3A_116[0, 0, 0] : f32 from vector<1x1x1xf32>
    %get3A_118 = arith.constant 9 : index
    %get3A_119 = arith.constant 0 : index
    %get3A_120 = arith.constant 0 : index
    %get3A_121 = vector.load %arg2[%get3A_118, %get3A_119, %get3A_120] : memref<10x256x256xf32, #tpu.memory_space<vmem>>, vector<1x256x256xf32>
    %get3A_122 = vector.shape_cast %get3A_121 : vector<1x256x256xf32> to vector<256x256xf32>
    %mul3A_123 = vector.broadcast %get3A_117 : f32 to vector<256x256xf32>
    %mul3A_124 = arith.mulf %mul3A_123, %get3A_122 : vector<256x256xf32>
    %add3A_125 = arith.addf %add3A_112, %mul3A_124 : vector<256x256xf32>
    %convert_element_type3A = arith.truncf %add3A_125 : vector<256x256xf32> to vector<256x256xbf16>
    %swap3A = arith.constant 0 : index
    %swap3A_126 = arith.constant 0 : index
    %swap3A_127 = arith.constant 0 : index
    %swap3A_128 = vector.load %arg3[%swap3A, %swap3A_126, %swap3A_127] : memref<10x256x256xbf16, #tpu.memory_space<vmem>>, vector<1x256x256xbf16>
    %swap3A_129 = vector.shape_cast %swap3A_128 : vector<1x256x256xbf16> to vector<256x256xbf16>
    %swap3A_130 = vector.shape_cast %convert_element_type3A : vector<256x256xbf16> to vector<1x256x256xbf16>
    tpu.vector_store %arg3[%swap3A, %swap3A_126, %swap3A_127], %swap3A_130 {strides = array<i32>} : memref<10x256x256xbf16, #tpu.memory_space<vmem>>, vector<1x256x256xbf16>,
    %get3A_131 = arith.constant 1 : index
    %get3A_132 = arith.constant 0 : index
    %get3A_133 = arith.constant 0 : index
    %get3A_134 = vector.load %arg1[%get3A_131, %get3A_132, %get3A_133] : memref<10x1x10xf32, #tpu.memory_space<vmem>>, vector<1x1x1xf32>
    %get3A_135 = vector.extract %get3A_134[0, 0, 0] : f32 from vector<1x1x1xf32>
    %get3A_136 = arith.constant 0 : index
    %get3A_137 = arith.constant 0 : index
    %get3A_138 = arith.constant 0 : index
    %get3A_139 = vector.load %arg2[%get3A_136, %get3A_137, %get3A_138] : memref<10x256x256xf32, #tpu.memory_space<vmem>>, vector<1x256x256xf32>
    %get3A_140 = vector.shape_cast %get3A_139 : vector<1x256x256xf32> to vector<256x256xf32>
    %mul3A_141 = vector.broadcast %get3A_135 : f32 to vector<256x256xf32>
    %mul3A_142 = arith.mulf %mul3A_141, %get3A_140 : vector<256x256xf32>
    %get3A_143 = arith.constant 1 : index
    %get3A_144 = arith.constant 0 : index
    %get3A_145 = arith.constant 1 : index
    %get3A_146 = vector.load %arg1[%get3A_143, %get3A_144, %get3A_145] : memref<10x1x10xf32, #tpu.memory_space<vmem>>, vector<1x1x1xf32>
    %get3A_147 = vector.extract %get3A_146[0, 0, 0] : f32 from vector<1x1x1xf32>
    %get3A_148 = arith.constant 1 : index
    %get3A_149 = arith.constant 0 : index
    %get3A_150 = arith.constant 0 : index
    %get3A_151 = vector.load %arg2[%get3A_148, %get3A_149, %get3A_150] : memref<10x256x256xf32, #tpu.memory_space<vmem>>, vector<1x256x256xf32>
    %get3A_152 = vector.shape_cast %get3A_151 : vector<1x256x256xf32> to vector<256x256xf32>
    %mul3A_153 = vector.broadcast %get3A_147 : f32 to vector<256x256xf32>
    %mul3A_154 = arith.mulf %mul3A_153, %get3A_152 : vector<256x256xf32>
    %add3A_155 = arith.addf %mul3A_142, %mul3A_154 : vector<256x256xf32>
    %get3A_156 = arith.constant 1 : index
    %get3A_157 = arith.constant 0 : index
    %get3A_158 = arith.constant 2 : index
    %get3A_159 = vector.load %arg1[%get3A_156, %get3A_157, %get3A_158] : memref<10x1x10xf32, #tpu.memory_space<vmem>>, vector<1x1x1xf32>
    %get3A_160 = vector.extract %get3A_159[0, 0, 0] : f32 from vector<1x1x1xf32>
    %get3A_161 = arith.constant 2 : index
    %get3A_162 = arith.constant 0 : index
    %get3A_163 = arith.constant 0 : index
    %get3A_164 = vector.load %arg2[%get3A_161, %get3A_162, %get3A_163] : memref<10x256x256xf32, #tpu.memory_space<vmem>>, vector<1x256x256xf32>
    %get3A_165 = vector.shape_cast %get3A_164 : vector<1x256x256xf32> to vector<256x256xf32>
    %mul3A_166 = vector.broadcast %get3A_160 : f32 to vector<256x256xf32>
    %mul3A_167 = arith.mulf %mul3A_166, %get3A_165 : vector<256x256xf32>
    %add3A_168 = arith.addf %add3A_155, %mul3A_167 : vector<256x256xf32>
    %get3A_169 = arith.constant 1 : index
    %get3A_170 = arith.constant 0 : index
    %get3A_171 = arith.constant 3 : index
    %get3A_172 = vector.load %arg1[%get3A_169, %get3A_170, %get3A_171] : memref<10x1x10xf32, #tpu.memory_space<vmem>>, vector<1x1x1xf32>
    %get3A_173 = vector.extract %get3A_172[0, 0, 0] : f32 from vector<1x1x1xf32>
    %get3A_174 = arith.constant 3 : index
    %get3A_175 = arith.constant 0 : index
    %get3A_176 = arith.constant 0 : index
    %get3A_177 = vector.load %arg2[%get3A_174, %get3A_175, %get3A_176] : memref<10x256x256xf32, #tpu.memory_space<vmem>>, vector<1x256x256xf32>
    %get3A_178 = vector.shape_cast %get3A_177 : vector<1x256x256xf32> to vector<256x256xf32>
    %mul3A_179 = vector.broadcast %get3A_173 : f32 to vector<256x256xf32>
    %mul3A_180 = arith.mulf %mul3A_179, %get3A_178 : vector<256x256xf32>
    %add3A_181 = arith.addf %add3A_168, %mul3A_180 : vector<256x256xf32>
    %get3A_182 = arith.constant 1 : index
    %get3A_183 = arith.constant 0 : index
    %get3A_184 = arith.constant 4 : index
    %get3A_185 = vector.load %arg1[%get3A_182, %get3A_183, %get3A_184] : memref<10x1x10xf32, #tpu.memory_space<vmem>>, vector<1x1x1xf32>
    %get3A_186 = vector.extract %get3A_185[0, 0, 0] : f32 from vector<1x1x1xf32>
    %get3A_187 = arith.constant 4 : index
    %get3A_188 = arith.constant 0 : index
    %get3A_189 = arith.constant 0 : index
    %get3A_190 = vector.load %arg2[%get3A_187, %get3A_188, %get3A_189] : memref<10x256x256xf32, #tpu.memory_space<vmem>>, vector<1x256x256xf32>
    %get3A_191 = vector.shape_cast %get3A_190 : vector<1x256x256xf32> to vector<256x256xf32>
    %mul3A_192 = vector.broadcast %get3A_186 : f32 to vector<256x256xf32>
    %mul3A_193 = arith.mulf %mul3A_192, %get3A_191 : vector<256x256xf32>
    %add3A_194 = arith.addf %add3A_181, %mul3A_193 : vector<256x256xf32>
    %get3A_195 = arith.constant 1 : index
    %get3A_196 = arith.constant 0 : index
    %get3A_197 = arith.constant 5 : index
    %get3A_198 = vector.load %arg1[%get3A_195, %get3A_196, %get3A_197] : memref<10x1x10xf32, #tpu.memory_space<vmem>>, vector<1x1x1xf32>
    %get3A_199 = vector.extract %get3A_198[0, 0, 0] : f32 from vector<1x1x1xf32>
    %get3A_200 = arith.constant 5 : index
    %get3A_201 = arith.constant 0 : index
    %get3A_202 = arith.constant 0 : index
    %get3A_203 = vector.load %arg2[%get3A_200, %get3A_201, %get3A_202] : memref<10x256x256xf32, #tpu.memory_space<vmem>>, vector<1x256x256xf32>
    %get3A_204 = vector.shape_cast %get3A_203 : vector<1x256x256xf32> to vector<256x256xf32>
    %mul3A_205 = vector.broadcast %get3A_199 : f32 to vector<256x256xf32>
    %mul3A_206 = arith.mulf %mul3A_205, %get3A_204 : vector<256x256xf32>
    %add3A_207 = arith.addf %add3A_194, %mul3A_206 : vector<256x256xf32>
    %get3A_208 = arith.constant 1 : index
    %get3A_209 = arith.constant 0 : index
    %get3A_210 = arith.constant 6 : index
    %get3A_211 = vector.load %arg1[%get3A_208, %get3A_209, %get3A_210] : memref<10x1x10xf32, #tpu.memory_space<vmem>>, vector<1x1x1xf32>
    %get3A_212 = vector.extract %get3A_211[0, 0, 0] : f32 from vector<1x1x1xf32>
    %get3A_213 = arith.constant 6 : index
    %get3A_214 = arith.constant 0 : index
    %get3A_215 = arith.constant 0 : index
    %get3A_216 = vector.load %arg2[%get3A_213, %get3A_214, %get3A_215] : memref<10x256x256xf32, #tpu.memory_space<vmem>>, vector<1x256x256xf32>
    %get3A_217 = vector.shape_cast %get3A_216 : vector<1x256x256xf32> to vector<256x256xf32>
    %mul3A_218 = vector.broadcast %get3A_212 : f32 to vector<256x256xf32>
    %mul3A_219 = arith.mulf %mul3A_218, %get3A_217 : vector<256x256xf32>
    %add3A_220 = arith.addf %add3A_207, %mul3A_219 : vector<256x256xf32>
    %get3A_221 = arith.constant 1 : index
    %get3A_222 = arith.constant 0 : index
    %get3A_223 = arith.constant 7 : index
    %get3A_224 = vector.load %arg1[%get3A_221, %get3A_222, %get3A_223] : memref<10x1x10xf32, #tpu.memory_space<vmem>>, vector<1x1x1xf32>
    %get3A_225 = vector.extract %get3A_224[0, 0, 0] : f32 from vector<1x1x1xf32>
    %get3A_226 = arith.constant 7 : index
    %get3A_227 = arith.constant 0 : index
    %get3A_228 = arith.constant 0 : index
    %get3A_229 = vector.load %arg2[%get3A_226, %get3A_227, %get3A_228] : memref<10x256x256xf32, #tpu.memory_space<vmem>>, vector<1x256x256xf32>
    %get3A_230 = vector.shape_cast %get3A_229 : vector<1x256x256xf32> to vector<256x256xf32>
    %mul3A_231 = vector.broadcast %get3A_225 : f32 to vector<256x256xf32>
    %mul3A_232 = arith.mulf %mul3A_231, %get3A_230 : vector<256x256xf32>
    %add3A_233 = arith.addf %add3A_220, %mul3A_232 : vector<256x256xf32>
    %get3A_234 = arith.constant 1 : index
    %get3A_235 = arith.constant 0 : index
    %get3A_236 = arith.constant 8 : index
    %get3A_237 = vector.load %arg1[%get3A_234, %get3A_235, %get3A_236] : memref<10x1x10xf32, #tpu.memory_space<vmem>>, vector<1x1x1xf32>
    %get3A_238 = vector.extract %get3A_237[0, 0, 0] : f32 from vector<1x1x1xf32>
    %get3A_239 = arith.constant 8 : index
    %get3A_240 = arith.constant 0 : index
    %get3A_241 = arith.constant 0 : index
    %get3A_242 = vector.load %arg2[%get3A_239, %get3A_240, %get3A_241] : memref<10x256x256xf32, #tpu.memory_space<vmem>>, vector<1x256x256xf32>
    %get3A_243 = vector.shape_cast %get3A_242 : vector<1x256x256xf32> to vector<256x256xf32>
    %mul3A_244 = vector.broadcast %get3A_238 : f32 to vector<256x256xf32>
    %mul3A_245 = arith.mulf %mul3A_244, %get3A_243 : vector<256x256xf32>
    %add3A_246 = arith.addf %add3A_233, %mul3A_245 : vector<256x256xf32>
    %get3A_247 = arith.constant 1 : index
    %get3A_248 = arith.constant 0 : index
    %get3A_249 = arith.constant 9 : index
    %get3A_250 = vector.load %arg1[%get3A_247, %get3A_248, %get3A_249] : memref<10x1x10xf32, #tpu.memory_space<vmem>>, vector<1x1x1xf32>
    %get3A_251 = vector.extract %get3A_250[0, 0, 0] : f32 from vector<1x1x1xf32>
    %get3A_252 = arith.constant 9 : index
    %get3A_253 = arith.constant 0 : index
    %get3A_254 = arith.constant 0 : index
    %get3A_255 = vector.load %arg2[%get3A_252, %get3A_253, %get3A_254] : memref<10x256x256xf32, #tpu.memory_space<vmem>>, vector<1x256x256xf32>
    %get3A_256 = vector.shape_cast %get3A_255 : vector<1x256x256xf32> to vector<256x256xf32>
    %mul3A_257 = vector.broadcast %get3A_251 : f32 to vector<256x256xf32>
    %mul3A_258 = arith.mulf %mul3A_257, %get3A_256 : vector<256x256xf32>
    %add3A_259 = arith.addf %add3A_246, %mul3A_258 : vector<256x256xf32>
    %convert_element_type3A_260 = arith.truncf %add3A_259 : vector<256x256xf32> to vector<256x256xbf16>
    %swap3A_261 = arith.constant 1 : index
    %swap3A_262 = arith.constant 0 : index
    %swap3A_263 = arith.constant 0 : index
    %swap3A_264 = vector.load %arg3[%swap3A_261, %swap3A_262, %swap3A_263] : memref<10x256x256xbf16, #tpu.memory_space<vmem>>, vector<1x256x256xbf16>
    %swap3A_265 = vector.shape_cast %swap3A_264 : vector<1x256x256xbf16> to vector<256x256xbf16>
    %swap3A_266 = vector.shape_cast %convert_element_type3A_260 : vector<256x256xbf16> to vector<1x256x256xbf16>
    tpu.vector_store %arg3[%swap3A_261, %swap3A_262, %swap3A_263], %swap3A_266 {strides = array<i32>} : memref<10x256x256xbf16, #tpu.memory_space<vmem>>, vector<1x256x256xbf16>,
    %get3A_267 = arith.constant 2 : index
    %get3A_268 = arith.constant 0 : index
    %get3A_269 = arith.constant 0 : index
    %get3A_270 = vector.load %arg1[%get3A_267, %get3A_268, %get3A_269] : memref<10x1x10xf32, #tpu.memory_space<vmem>>, vector<1x1x1xf32>
    %get3A_271 = vector.extract %get3A_270[0, 0, 0] : f32 from vector<1x1x1xf32>
    %get3A_272 = arith.constant 0 : index
    %get3A_273 = arith.constant 0 : index
    %get3A_274 = arith.constant 0 : index
    %get3A_275 = vector.load %arg2[%get3A_272, %get3A_273, %get3A_274] : memref<10x256x256xf32, #tpu.memory_space<vmem>>, vector<1x256x256xf32>
    %get3A_276 = vector.shape_cast %get3A_275 : vector<1x256x256xf32> to vector<256x256xf32>
    %mul3A_277 = vector.broadcast %get3A_271 : f32 to vector<256x256xf32>
    %mul3A_278 = arith.mulf %mul3A_277, %get3A_276 : vector<256x256xf32>
    %get3A_279 = arith.constant 2 : index
    %get3A_280 = arith.constant 0 : index
    %get3A_281 = arith.constant 1 : index
    %get3A_282 = vector.load %arg1[%get3A_279, %get3A_280, %get3A_281] : memref<10x1x10xf32, #tpu.memory_space<vmem>>, vector<1x1x1xf32>
    %get3A_283 = vector.extract %get3A_282[0, 0, 0] : f32 from vector<1x1x1xf32>
    %get3A_284 = arith.constant 1 : index
    %get3A_285 = arith.constant 0 : index
    %get3A_286 = arith.constant 0 : index
    %get3A_287 = vector.load %arg2[%get3A_284, %get3A_285, %get3A_286] : memref<10x256x256xf32, #tpu.memory_space<vmem>>, vector<1x256x256xf32>
    %get3A_288 = vector.shape_cast %get3A_287 : vector<1x256x256xf32> to vector<256x256xf32>
    %mul3A_289 = vector.broadcast %get3A_283 : f32 to vector<256x256xf32>
    %mul3A_290 = arith.mulf %mul3A_289, %get3A_288 : vector<256x256xf32>
    %add3A_291 = arith.addf %mul3A_278, %mul3A_290 : vector<256x256xf32>
    %get3A_292 = arith.constant 2 : index
    %get3A_293 = arith.constant 0 : index
    %get3A_294 = arith.constant 2 : index
    %get3A_295 = vector.load %arg1[%get3A_292, %get3A_293, %get3A_294] : memref<10x1x10xf32, #tpu.memory_space<vmem>>, vector<1x1x1xf32>
    %get3A_296 = vector.extract %get3A_295[0, 0, 0] : f32 from vector<1x1x1xf32>
    %get3A_297 = arith.constant 2 : index
    %get3A_298 = arith.constant 0 : index
    %get3A_299 = arith.constant 0 : index
    %get3A_300 = vector.load %arg2[%get3A_297, %get3A_298, %get3A_299] : memref<10x256x256xf32, #tpu.memory_space<vmem>>, vector<1x256x256xf32>
    %get3A_301 = vector.shape_cast %get3A_300 : vector<1x256x256xf32> to vector<256x256xf32>
    %mul3A_302 = vector.broadcast %get3A_296 : f32 to vector<256x256xf32>
    %mul3A_303 = arith.mulf %mul3A_302, %get3A_301 : vector<256x256xf32>
    %add3A_304 = arith.addf %add3A_291, %mul3A_303 : vector<256x256xf32>
    %get3A_305 = arith.constant 2 : index
    %get3A_306 = arith.constant 0 : index
    %get3A_307 = arith.constant 3 : index
    %get3A_308 = vector.load %arg1[%get3A_305, %get3A_306, %get3A_307] : memref<10x1x10xf32, #tpu.memory_space<vmem>>, vector<1x1x1xf32>
    %get3A_309 = vector.extract %get3A_308[0, 0, 0] : f32 from vector<1x1x1xf32>
    %get3A_310 = arith.constant 3 : index
    %get3A_311 = arith.constant 0 : index
    %get3A_312 = arith.constant 0 : index
    %get3A_313 = vector.load %arg2[%get3A_310, %get3A_311, %get3A_312] : memref<10x256x256xf32, #tpu.memory_space<vmem>>, vector<1x256x256xf32>
    %get3A_314 = vector.shape_cast %get3A_313 : vector<1x256x256xf32> to vector<256x256xf32>
    %mul3A_315 = vector.broadcast %get3A_309 : f32 to vector<256x256xf32>
    %mul3A_316 = arith.mulf %mul3A_315, %get3A_314 : vector<256x256xf32>
    %add3A_317 = arith.addf %add3A_304, %mul3A_316 : vector<256x256xf32>
    %get3A_318 = arith.constant 2 : index
    %get3A_319 = arith.constant 0 : index
    %get3A_320 = arith.constant 4 : index
    %get3A_321 = vector.load %arg1[%get3A_318, %get3A_319, %get3A_320] : memref<10x1x10xf32, #tpu.memory_space<vmem>>, vector<1x1x1xf32>
    %get3A_322 = vector.extract %get3A_321[0, 0, 0] : f32 from vector<1x1x1xf32>
    %get3A_323 = arith.constant 4 : index
    %get3A_324 = arith.constant 0 : index
    %get3A_325 = arith.constant 0 : index
    %get3A_326 = vector.load %arg2[%get3A_323, %get3A_324, %get3A_325] : memref<10x256x256xf32, #tpu.memory_space<vmem>>, vector<1x256x256xf32>
    %get3A_327 = vector.shape_cast %get3A_326 : vector<1x256x256xf32> to vector<256x256xf32>
    %mul3A_328 = vector.broadcast %get3A_322 : f32 to vector<256x256xf32>
    %mul3A_329 = arith.mulf %mul3A_328, %get3A_327 : vector<256x256xf32>
    %add3A_330 = arith.addf %add3A_317, %mul3A_329 : vector<256x256xf32>
    %get3A_331 = arith.constant 2 : index
    %get3A_332 = arith.constant 0 : index
    %get3A_333 = arith.constant 5 : index
    %get3A_334 = vector.load %arg1[%get3A_331, %get3A_332, %get3A_333] : memref<10x1x10xf32, #tpu.memory_space<vmem>>, vector<1x1x1xf32>
    %get3A_335 = vector.extract %get3A_334[0, 0, 0] : f32 from vector<1x1x1xf32>
    %get3A_336 = arith.constant 5 : index
    %get3A_337 = arith.constant 0 : index
    %get3A_338 = arith.constant 0 : index
    %get3A_339 = vector.load %arg2[%get3A_336, %get3A_337, %get3A_338] : memref<10x256x256xf32, #tpu.memory_space<vmem>>, vector<1x256x256xf32>
    %get3A_340 = vector.shape_cast %get3A_339 : vector<1x256x256xf32> to vector<256x256xf32>
    %mul3A_341 = vector.broadcast %get3A_335 : f32 to vector<256x256xf32>
    %mul3A_342 = arith.mulf %mul3A_341, %get3A_340 : vector<256x256xf32>
    %add3A_343 = arith.addf %add3A_330, %mul3A_342 : vector<256x256xf32>
    %get3A_344 = arith.constant 2 : index
    %get3A_345 = arith.constant 0 : index
    %get3A_346 = arith.constant 6 : index
    %get3A_347 = vector.load %arg1[%get3A_344, %get3A_345, %get3A_346] : memref<10x1x10xf32, #tpu.memory_space<vmem>>, vector<1x1x1xf32>
    %get3A_348 = vector.extract %get3A_347[0, 0, 0] : f32 from vector<1x1x1xf32>
    %get3A_349 = arith.constant 6 : index
    %get3A_350 = arith.constant 0 : index
    %get3A_351 = arith.constant 0 : index
    %get3A_352 = vector.load %arg2[%get3A_349, %get3A_350, %get3A_351] : memref<10x256x256xf32, #tpu.memory_space<vmem>>, vector<1x256x256xf32>
    %get3A_353 = vector.shape_cast %get3A_352 : vector<1x256x256xf32> to vector<256x256xf32>
    %mul3A_354 = vector.broadcast %get3A_348 : f32 to vector<256x256xf32>
    %mul3A_355 = arith.mulf %mul3A_354, %get3A_353 : vector<256x256xf32>
    %add3A_356 = arith.addf %add3A_343, %mul3A_355 : vector<256x256xf32>
    %get3A_357 = arith.constant 2 : index
    %get3A_358 = arith.constant 0 : index
    %get3A_359 = arith.constant 7 : index
    %get3A_360 = vector.load %arg1[%get3A_357, %get3A_358, %get3A_359] : memref<10x1x10xf32, #tpu.memory_space<vmem>>, vector<1x1x1xf32>
    %get3A_361 = vector.extract %get3A_360[0, 0, 0] : f32 from vector<1x1x1xf32>
    %get3A_362 = arith.constant 7 : index
    %get3A_363 = arith.constant 0 : index
    %get3A_364 = arith.constant 0 : index
    %get3A_365 = vector.load %arg2[%get3A_362, %get3A_363, %get3A_364] : memref<10x256x256xf32, #tpu.memory_space<vmem>>, vector<1x256x256xf32>
    %get3A_366 = vector.shape_cast %get3A_365 : vector<1x256x256xf32> to vector<256x256xf32>
    %mul3A_367 = vector.broadcast %get3A_361 : f32 to vector<256x256xf32>
    %mul3A_368 = arith.mulf %mul3A_367, %get3A_366 : vector<256x256xf32>
    %add3A_369 = arith.addf %add3A_356, %mul3A_368 : vector<256x256xf32>
    %get3A_370 = arith.constant 2 : index
    %get3A_371 = arith.constant 0 : index
    %get3A_372 = arith.constant 8 : index
    %get3A_373 = vector.load %arg1[%get3A_370, %get3A_371, %get3A_372] : memref<10x1x10xf32, #tpu.memory_space<vmem>>, vector<1x1x1xf32>
    %get3A_374 = vector.extract %get3A_373[0, 0, 0] : f32 from vector<1x1x1xf32>
    %get3A_375 = arith.constant 8 : index
    %get3A_376 = arith.constant 0 : index
    %get3A_377 = arith.constant 0 : index
    %get3A_378 = vector.load %arg2[%get3A_375, %get3A_376, %get3A_377] : memref<10x256x256xf32, #tpu.memory_space<vmem>>, vector<1x256x256xf32>
    %get3A_379 = vector.shape_cast %get3A_378 : vector<1x256x256xf32> to vector<256x256xf32>
    %mul3A_380 = vector.broadcast %get3A_374 : f32 to vector<256x256xf32>
    %mul3A_381 = arith.mulf %mul3A_380, %get3A_379 : vector<256x256xf32>
    %add3A_382 = arith.addf %add3A_369, %mul3A_381 : vector<256x256xf32>
    %get3A_383 = arith.constant 2 : index
    %get3A_384 = arith.constant 0 : index
    %get3A_385 = arith.constant 9 : index
    %get3A_386 = vector.load %arg1[%get3A_383, %get3A_384, %get3A_385] : memref<10x1x10xf32, #tpu.memory_space<vmem>>, vector<1x1x1xf32>
    %get3A_387 = vector.extract %get3A_386[0, 0, 0] : f32 from vector<1x1x1xf32>
    %get3A_388 = arith.constant 9 : index
    %get3A_389 = arith.constant 0 : index
    %get3A_390 = arith.constant 0 : index
    %get3A_391 = vector.load %arg2[%get3A_388, %get3A_389, %get3A_390] : memref<10x256x256xf32, #tpu.memory_space<vmem>>, vector<1x256x256xf32>
    %get3A_392 = vector.shape_cast %get3A_391 : vector<1x256x256xf32> to vector<256x256xf32>
    %mul3A_393 = vector.broadcast %get3A_387 : f32 to vector<256x256xf32>
    %mul3A_394 = arith.mulf %mul3A_393, %get3A_392 : vector<256x256xf32>
    %add3A_395 = arith.addf %add3A_382, %mul3A_394 : vector<256x256xf32>
    %convert_element_type3A_396 = arith.truncf %add3A_395 : vector<256x256xf32> to vector<256x256xbf16>
    %swap3A_397 = arith.constant 2 : index
    %swap3A_398 = arith.constant 0 : index
    %swap3A_399 = arith.constant 0 : index
    %swap3A_400 = vector.load %arg3[%swap3A_397, %swap3A_398, %swap3A_399] : memref<10x256x256xbf16, #tpu.memory_space<vmem>>, vector<1x256x256xbf16>
    %swap3A_401 = vector.shape_cast %swap3A_400 : vector<1x256x256xbf16> to vector<256x256xbf16>
    %swap3A_402 = vector.shape_cast %convert_element_type3A_396 : vector<256x256xbf16> to vector<1x256x256xbf16>
    tpu.vector_store %arg3[%swap3A_397, %swap3A_398, %swap3A_399], %swap3A_402 {strides = array<i32>} : memref<10x256x256xbf16, #tpu.memory_space<vmem>>, vector<1x256x256xbf16>,
    %get3A_403 = arith.constant 3 : index
    %get3A_404 = arith.constant 0 : index
    %get3A_405 = arith.constant 0 : index
    %get3A_406 = vector.load %arg1[%get3A_403, %get3A_404, %get3A_405] : memref<10x1x10xf32, #tpu.memory_space<vmem>>, vector<1x1x1xf32>
    %get3A_407 = vector.extract %get3A_406[0, 0, 0] : f32 from vector<1x1x1xf32>
    %get3A_408 = arith.constant 0 : index
    %get3A_409 = arith.constant 0 : index
    %get3A_410 = arith.constant 0 : index
    %get3A_411 = vector.load %arg2[%get3A_408, %get3A_409, %get3A_410] : memref<10x256x256xf32, #tpu.memory_space<vmem>>, vector<1x256x256xf32>
    %get3A_412 = vector.shape_cast %get3A_411 : vector<1x256x256xf32> to vector<256x256xf32>
    %mul3A_413 = vector.broadcast %get3A_407 : f32 to vector<256x256xf32>
    %mul3A_414 = arith.mulf %mul3A_413, %get3A_412 : vector<256x256xf32>
    %get3A_415 = arith.constant 3 : index
    %get3A_416 = arith.constant 0 : index
    %get3A_417 = arith.constant 1 : index
    %get3A_418 = vector.load %arg1[%get3A_415, %get3A_416, %get3A_417] : memref<10x1x10xf32, #tpu.memory_space<vmem>>, vector<1x1x1xf32>
    %get3A_419 = vector.extract %get3A_418[0, 0, 0] : f32 from vector<1x1x1xf32>
    %get3A_420 = arith.constant 1 : index
    %get3A_421 = arith.constant 0 : index
    %get3A_422 = arith.constant 0 : index
    %get3A_423 = vector.load %arg2[%get3A_420, %get3A_421, %get3A_422] : memref<10x256x256xf32, #tpu.memory_space<vmem>>, vector<1x256x256xf32>
    %get3A_424 = vector.shape_cast %get3A_423 : vector<1x256x256xf32> to vector<256x256xf32>
    %mul3A_425 = vector.broadcast %get3A_419 : f32 to vector<256x256xf32>
    %mul3A_426 = arith.mulf %mul3A_425, %get3A_424 : vector<256x256xf32>
    %add3A_427 = arith.addf %mul3A_414, %mul3A_426 : vector<256x256xf32>
    %get3A_428 = arith.constant 3 : index
    %get3A_429 = arith.constant 0 : index
    %get3A_430 = arith.constant 2 : index
    %get3A_431 = vector.load %arg1[%get3A_428, %get3A_429, %get3A_430] : memref<10x1x10xf32, #tpu.memory_space<vmem>>, vector<1x1x1xf32>
    %get3A_432 = vector.extract %get3A_431[0, 0, 0] : f32 from vector<1x1x1xf32>
    %get3A_433 = arith.constant 2 : index
    %get3A_434 = arith.constant 0 : index
    %get3A_435 = arith.constant 0 : index
    %get3A_436 = vector.load %arg2[%get3A_433, %get3A_434, %get3A_435] : memref<10x256x256xf32, #tpu.memory_space<vmem>>, vector<1x256x256xf32>
    %get3A_437 = vector.shape_cast %get3A_436 : vector<1x256x256xf32> to vector<256x256xf32>
    %mul3A_438 = vector.broadcast %get3A_432 : f32 to vector<256x256xf32>
    %mul3A_439 = arith.mulf %mul3A_438, %get3A_437 : vector<256x256xf32>
    %add3A_440 = arith.addf %add3A_427, %mul3A_439 : vector<256x256xf32>
    %get3A_441 = arith.constant 3 : index
    %get3A_442 = arith.constant 0 : index
    %get3A_443 = arith.constant 3 : index
    %get3A_444 = vector.load %arg1[%get3A_441, %get3A_442, %get3A_443] : memref<10x1x10xf32, #tpu.memory_space<vmem>>, vector<1x1x1xf32>
    %get3A_445 = vector.extract %get3A_444[0, 0, 0] : f32 from vector<1x1x1xf32>
    %get3A_446 = arith.constant 3 : index
    %get3A_447 = arith.constant 0 : index
    %get3A_448 = arith.constant 0 : index
    %get3A_449 = vector.load %arg2[%get3A_446, %get3A_447, %get3A_448] : memref<10x256x256xf32, #tpu.memory_space<vmem>>, vector<1x256x256xf32>
    %get3A_450 = vector.shape_cast %get3A_449 : vector<1x256x256xf32> to vector<256x256xf32>
    %mul3A_451 = vector.broadcast %get3A_445 : f32 to vector<256x256xf32>
    %mul3A_452 = arith.mulf %mul3A_451, %get3A_450 : vector<256x256xf32>
    %add3A_453 = arith.addf %add3A_440, %mul3A_452 : vector<256x256xf32>
    %get3A_454 = arith.constant 3 : index
    %get3A_455 = arith.constant 0 : index
    %get3A_456 = arith.constant 4 : index
    %get3A_457 = vector.load %arg1[%get3A_454, %get3A_455, %get3A_456] : memref<10x1x10xf32, #tpu.memory_space<vmem>>, vector<1x1x1xf32>
    %get3A_458 = vector.extract %get3A_457[0, 0, 0] : f32 from vector<1x1x1xf32>
    %get3A_459 = arith.constant 4 : index
    %get3A_460 = arith.constant 0 : index
    %get3A_461 = arith.constant 0 : index
    %get3A_462 = vector.load %arg2[%get3A_459, %get3A_460, %get3A_461] : memref<10x256x256xf32, #tpu.memory_space<vmem>>, vector<1x256x256xf32>
    %get3A_463 = vector.shape_cast %get3A_462 : vector<1x256x256xf32> to vector<256x256xf32>
    %mul3A_464 = vector.broadcast %get3A_458 : f32 to vector<256x256xf32>
    %mul3A_465 = arith.mulf %mul3A_464, %get3A_463 : vector<256x256xf32>
    %add3A_466 = arith.addf %add3A_453, %mul3A_465 : vector<256x256xf32>
    %get3A_467 = arith.constant 3 : index
    %get3A_468 = arith.constant 0 : index
    %get3A_469 = arith.constant 5 : index
    %get3A_470 = vector.load %arg1[%get3A_467, %get3A_468, %get3A_469] : memref<10x1x10xf32, #tpu.memory_space<vmem>>, vector<1x1x1xf32>
    %get3A_471 = vector.extract %get3A_470[0, 0, 0] : f32 from vector<1x1x1xf32>
    %get3A_472 = arith.constant 5 : index
    %get3A_473 = arith.constant 0 : index
    %get3A_474 = arith.constant 0 : index
    %get3A_475 = vector.load %arg2[%get3A_472, %get3A_473, %get3A_474] : memref<10x256x256xf32, #tpu.memory_space<vmem>>, vector<1x256x256xf32>
    %get3A_476 = vector.shape_cast %get3A_475 : vector<1x256x256xf32> to vector<256x256xf32>
    %mul3A_477 = vector.broadcast %get3A_471 : f32 to vector<256x256xf32>
    %mul3A_478 = arith.mulf %mul3A_477, %get3A_476 : vector<256x256xf32>
    %add3A_479 = arith.addf %add3A_466, %mul3A_478 : vector<256x256xf32>
    %get3A_480 = arith.constant 3 : index
    %get3A_481 = arith.constant 0 : index
    %get3A_482 = arith.constant 6 : index
    %get3A_483 = vector.load %arg1[%get3A_480, %get3A_481, %get3A_482] : memref<10x1x10xf32, #tpu.memory_space<vmem>>, vector<1x1x1xf32>
    %get3A_484 = vector.extract %get3A_483[0, 0, 0] : f32 from vector<1x1x1xf32>
    %get3A_485 = arith.constant 6 : index
    %get3A_486 = arith.constant 0 : index
    %get3A_487 = arith.constant 0 : index
    %get3A_488 = vector.load %arg2[%get3A_485, %get3A_486, %get3A_487] : memref<10x256x256xf32, #tpu.memory_space<vmem>>, vector<1x256x256xf32>
    %get3A_489 = vector.shape_cast %get3A_488 : vector<1x256x256xf32> to vector<256x256xf32>
    %mul3A_490 = vector.broadcast %get3A_484 : f32 to vector<256x256xf32>
    %mul3A_491 = arith.mulf %mul3A_490, %get3A_489 : vector<256x256xf32>
    %add3A_492 = arith.addf %add3A_479, %mul3A_491 : vector<256x256xf32>
    %get3A_493 = arith.constant 3 : index
    %get3A_494 = arith.constant 0 : index
    %get3A_495 = arith.constant 7 : index
    %get3A_496 = vector.load %arg1[%get3A_493, %get3A_494, %get3A_495] : memref<10x1x10xf32, #tpu.memory_space<vmem>>, vector<1x1x1xf32>
    %get3A_497 = vector.extract %get3A_496[0, 0, 0] : f32 from vector<1x1x1xf32>
    %get3A_498 = arith.constant 7 : index
    %get3A_499 = arith.constant 0 : index
    %get3A_500 = arith.constant 0 : index
    %get3A_501 = vector.load %arg2[%get3A_498, %get3A_499, %get3A_500] : memref<10x256x256xf32, #tpu.memory_space<vmem>>, vector<1x256x256xf32>
    %get3A_502 = vector.shape_cast %get3A_501 : vector<1x256x256xf32> to vector<256x256xf32>
    %mul3A_503 = vector.broadcast %get3A_497 : f32 to vector<256x256xf32>
    %mul3A_504 = arith.mulf %mul3A_503, %get3A_502 : vector<256x256xf32>
    %add3A_505 = arith.addf %add3A_492, %mul3A_504 : vector<256x256xf32>
    %get3A_506 = arith.constant 3 : index
    %get3A_507 = arith.constant 0 : index
    %get3A_508 = arith.constant 8 : index
    %get3A_509 = vector.load %arg1[%get3A_506, %get3A_507, %get3A_508] : memref<10x1x10xf32, #tpu.memory_space<vmem>>, vector<1x1x1xf32>
    %get3A_510 = vector.extract %get3A_509[0, 0, 0] : f32 from vector<1x1x1xf32>
    %get3A_511 = arith.constant 8 : index
    %get3A_512 = arith.constant 0 : index
    %get3A_513 = arith.constant 0 : index
    %get3A_514 = vector.load %arg2[%get3A_511, %get3A_512, %get3A_513] : memref<10x256x256xf32, #tpu.memory_space<vmem>>, vector<1x256x256xf32>
    %get3A_515 = vector.shape_cast %get3A_514 : vector<1x256x256xf32> to vector<256x256xf32>
    %mul3A_516 = vector.broadcast %get3A_510 : f32 to vector<256x256xf32>
    %mul3A_517 = arith.mulf %mul3A_516, %get3A_515 : vector<256x256xf32>
    %add3A_518 = arith.addf %add3A_505, %mul3A_517 : vector<256x256xf32>
    %get3A_519 = arith.constant 3 : index
    %get3A_520 = arith.constant 0 : index
    %get3A_521 = arith.constant 9 : index
    %get3A_522 = vector.load %arg1[%get3A_519, %get3A_520, %get3A_521] : memref<10x1x10xf32, #tpu.memory_space<vmem>>, vector<1x1x1xf32>
    %get3A_523 = vector.extract %get3A_522[0, 0, 0] : f32 from vector<1x1x1xf32>
    %get3A_524 = arith.constant 9 : index
    %get3A_525 = arith.constant 0 : index
    %get3A_526 = arith.constant 0 : index
    %get3A_527 = vector.load %arg2[%get3A_524, %get3A_525, %get3A_526] : memref<10x256x256xf32, #tpu.memory_space<vmem>>, vector<1x256x256xf32>
    %get3A_528 = vector.shape_cast %get3A_527 : vector<1x256x256xf32> to vector<256x256xf32>
    %mul3A_529 = vector.broadcast %get3A_523 : f32 to vector<256x256xf32>
    %mul3A_530 = arith.mulf %mul3A_529, %get3A_528 : vector<256x256xf32>
    %add3A_531 = arith.addf %add3A_518, %mul3A_530 : vector<256x256xf32>
    %convert_element_type3A_532 = arith.truncf %add3A_531 : vector<256x256xf32> to vector<256x256xbf16>
    %swap3A_533 = arith.constant 3 : index
    %swap3A_534 = arith.constant 0 : index
    %swap3A_535 = arith.constant 0 : index
    %swap3A_536 = vector.load %arg3[%swap3A_533, %swap3A_534, %swap3A_535] : memref<10x256x256xbf16, #tpu.memory_space<vmem>>, vector<1x256x256xbf16>
    %swap3A_537 = vector.shape_cast %swap3A_536 : vector<1x256x256xbf16> to vector<256x256xbf16>
    %swap3A_538 = vector.shape_cast %convert_element_type3A_532 : vector<256x256xbf16> to vector<1x256x256xbf16>
    tpu.vector_store %arg3[%swap3A_533, %swap3A_534, %swap3A_535], %swap3A_538 {strides = array<i32>} : memref<10x256x256xbf16, #tpu.memory_space<vmem>>, vector<1x256x256xbf16>,
    %get3A_539 = arith.constant 4 : index
    %get3A_540 = arith.constant 0 : index
    %get3A_541 = arith.constant 0 : index
    %get3A_542 = vector.load %arg1[%get3A_539, %get3A_540, %get3A_541] : memref<10x1x10xf32, #tpu.memory_space<vmem>>, vector<1x1x1xf32>
    %get3A_543 = vector.extract %get3A_542[0, 0, 0] : f32 from vector<1x1x1xf32>
    %get3A_544 = arith.constant 0 : index
    %get3A_545 = arith.constant 0 : index
    %get3A_546 = arith.constant 0 : index
    %get3A_547 = vector.load %arg2[%get3A_544, %get3A_545, %get3A_546] : memref<10x256x256xf32, #tpu.memory_space<vmem>>, vector<1x256x256xf32>
    %get3A_548 = vector.shape_cast %get3A_547 : vector<1x256x256xf32> to vector<256x256xf32>
    %mul3A_549 = vector.broadcast %get3A_543 : f32 to vector<256x256xf32>
    %mul3A_550 = arith.mulf %mul3A_549, %get3A_548 : vector<256x256xf32>
    %get3A_551 = arith.constant 4 : index
    %get3A_552 = arith.constant 0 : index
    %get3A_553 = arith.constant 1 : index
    %get3A_554 = vector.load %arg1[%get3A_551, %get3A_552, %get3A_553] : memref<10x1x10xf32, #tpu.memory_space<vmem>>, vector<1x1x1xf32>
    %get3A_555 = vector.extract %get3A_554[0, 0, 0] : f32 from vector<1x1x1xf32>
    %get3A_556 = arith.constant 1 : index
    %get3A_557 = arith.constant 0 : index
    %get3A_558 = arith.constant 0 : index
    %get3A_559 = vector.load %arg2[%get3A_556, %get3A_557, %get3A_558] : memref<10x256x256xf32, #tpu.memory_space<vmem>>, vector<1x256x256xf32>
    %get3A_560 = vector.shape_cast %get3A_559 : vector<1x256x256xf32> to vector<256x256xf32>
    %mul3A_561 = vector.broadcast %get3A_555 : f32 to vector<256x256xf32>
    %mul3A_562 = arith.mulf %mul3A_561, %get3A_560 : vector<256x256xf32>
    %add3A_563 = arith.addf %mul3A_550, %mul3A_562 : vector<256x256xf32>
    %get3A_564 = arith.constant 4 : index
    %get3A_565 = arith.constant 0 : index
    %get3A_566 = arith.constant 2 : index
    %get3A_567 = vector.load %arg1[%get3A_564, %get3A_565, %get3A_566] : memref<10x1x10xf32, #tpu.memory_space<vmem>>, vector<1x1x1xf32>
    %get3A_568 = vector.extract %get3A_567[0, 0, 0] : f32 from vector<1x1x1xf32>
    %get3A_569 = arith.constant 2 : index
    %get3A_570 = arith.constant 0 : index
    %get3A_571 = arith.constant 0 : index
    %get3A_572 = vector.load %arg2[%get3A_569, %get3A_570, %get3A_571] : memref<10x256x256xf32, #tpu.memory_space<vmem>>, vector<1x256x256xf32>
    %get3A_573 = vector.shape_cast %get3A_572 : vector<1x256x256xf32> to vector<256x256xf32>
    %mul3A_574 = vector.broadcast %get3A_568 : f32 to vector<256x256xf32>
    %mul3A_575 = arith.mulf %mul3A_574, %get3A_573 : vector<256x256xf32>
    %add3A_576 = arith.addf %add3A_563, %mul3A_575 : vector<256x256xf32>
    %get3A_577 = arith.constant 4 : index
    %get3A_578 = arith.constant 0 : index
    %get3A_579 = arith.constant 3 : index
    %get3A_580 = vector.load %arg1[%get3A_577, %get3A_578, %get3A_579] : memref<10x1x10xf32, #tpu.memory_space<vmem>>, vector<1x1x1xf32>
    %get3A_581 = vector.extract %get3A_580[0, 0, 0] : f32 from vector<1x1x1xf32>
    %get3A_582 = arith.constant 3 : index
    %get3A_583 = arith.constant 0 : index
    %get3A_584 = arith.constant 0 : index
    %get3A_585 = vector.load %arg2[%get3A_582, %get3A_583, %get3A_584] : memref<10x256x256xf32, #tpu.memory_space<vmem>>, vector<1x256x256xf32>
    %get3A_586 = vector.shape_cast %get3A_585 : vector<1x256x256xf32> to vector<256x256xf32>
    %mul3A_587 = vector.broadcast %get3A_581 : f32 to vector<256x256xf32>
    %mul3A_588 = arith.mulf %mul3A_587, %get3A_586 : vector<256x256xf32>
    %add3A_589 = arith.addf %add3A_576, %mul3A_588 : vector<256x256xf32>
    %get3A_590 = arith.constant 4 : index
    %get3A_591 = arith.constant 0 : index
    %get3A_592 = arith.constant 4 : index
    %get3A_593 = vector.load %arg1[%get3A_590, %get3A_591, %get3A_592] : memref<10x1x10xf32, #tpu.memory_space<vmem>>, vector<1x1x1xf32>
    %get3A_594 = vector.extract %get3A_593[0, 0, 0] : f32 from vector<1x1x1xf32>
    %get3A_595 = arith.constant 4 : index
    %get3A_596 = arith.constant 0 : index
    %get3A_597 = arith.constant 0 : index
    %get3A_598 = vector.load %arg2[%get3A_595, %get3A_596, %get3A_597] : memref<10x256x256xf32, #tpu.memory_space<vmem>>, vector<1x256x256xf32>
    %get3A_599 = vector.shape_cast %get3A_598 : vector<1x256x256xf32> to vector<256x256xf32>
    %mul3A_600 = vector.broadcast %get3A_594 : f32 to vector<256x256xf32>
    %mul3A_601 = arith.mulf %mul3A_600, %get3A_599 : vector<256x256xf32>
    %add3A_602 = arith.addf %add3A_589, %mul3A_601 : vector<256x256xf32>
    %get3A_603 = arith.constant 4 : index
    %get3A_604 = arith.constant 0 : index
    %get3A_605 = arith.constant 5 : index
    %get3A_606 = vector.load %arg1[%get3A_603, %get3A_604, %get3A_605] : memref<10x1x10xf32, #tpu.memory_space<vmem>>, vector<1x1x1xf32>
    %get3A_607 = vector.extract %get3A_606[0, 0, 0] : f32 from vector<1x1x1xf32>
    %get3A_608 = arith.constant 5 : index
    %get3A_609 = arith.constant 0 : index
    %get3A_610 = arith.constant 0 : index
    %get3A_611 = vector.load %arg2[%get3A_608, %get3A_609, %get3A_610] : memref<10x256x256xf32, #tpu.memory_space<vmem>>, vector<1x256x256xf32>
    %get3A_612 = vector.shape_cast %get3A_611 : vector<1x256x256xf32> to vector<256x256xf32>
    %mul3A_613 = vector.broadcast %get3A_607 : f32 to vector<256x256xf32>
    %mul3A_614 = arith.mulf %mul3A_613, %get3A_612 : vector<256x256xf32>
    %add3A_615 = arith.addf %add3A_602, %mul3A_614 : vector<256x256xf32>
    %get3A_616 = arith.constant 4 : index
    %get3A_617 = arith.constant 0 : index
    %get3A_618 = arith.constant 6 : index
    %get3A_619 = vector.load %arg1[%get3A_616, %get3A_617, %get3A_618] : memref<10x1x10xf32, #tpu.memory_space<vmem>>, vector<1x1x1xf32>
    %get3A_620 = vector.extract %get3A_619[0, 0, 0] : f32 from vector<1x1x1xf32>
    %get3A_621 = arith.constant 6 : index
    %get3A_622 = arith.constant 0 : index
    %get3A_623 = arith.constant 0 : index
    %get3A_624 = vector.load %arg2[%get3A_621, %get3A_622, %get3A_623] : memref<10x256x256xf32, #tpu.memory_space<vmem>>, vector<1x256x256xf32>
    %get3A_625 = vector.shape_cast %get3A_624 : vector<1x256x256xf32> to vector<256x256xf32>
    %mul3A_626 = vector.broadcast %get3A_620 : f32 to vector<256x256xf32>
    %mul3A_627 = arith.mulf %mul3A_626, %get3A_625 : vector<256x256xf32>
    %add3A_628 = arith.addf %add3A_615, %mul3A_627 : vector<256x256xf32>
    %get3A_629 = arith.constant 4 : index
    %get3A_630 = arith.constant 0 : index
    %get3A_631 = arith.constant 7 : index
    %get3A_632 = vector.load %arg1[%get3A_629, %get3A_630, %get3A_631] : memref<10x1x10xf32, #tpu.memory_space<vmem>>, vector<1x1x1xf32>
    %get3A_633 = vector.extract %get3A_632[0, 0, 0] : f32 from vector<1x1x1xf32>
    %get3A_634 = arith.constant 7 : index
    %get3A_635 = arith.constant 0 : index
    %get3A_636 = arith.constant 0 : index
    %get3A_637 = vector.load %arg2[%get3A_634, %get3A_635, %get3A_636] : memref<10x256x256xf32, #tpu.memory_space<vmem>>, vector<1x256x256xf32>
    %get3A_638 = vector.shape_cast %get3A_637 : vector<1x256x256xf32> to vector<256x256xf32>
    %mul3A_639 = vector.broadcast %get3A_633 : f32 to vector<256x256xf32>
    %mul3A_640 = arith.mulf %mul3A_639, %get3A_638 : vector<256x256xf32>
    %add3A_641 = arith.addf %add3A_628, %mul3A_640 : vector<256x256xf32>
    %get3A_642 = arith.constant 4 : index
    %get3A_643 = arith.constant 0 : index
    %get3A_644 = arith.constant 8 : index
    %get3A_645 = vector.load %arg1[%get3A_642, %get3A_643, %get3A_644] : memref<10x1x10xf32, #tpu.memory_space<vmem>>, vector<1x1x1xf32>
    %get3A_646 = vector.extract %get3A_645[0, 0, 0] : f32 from vector<1x1x1xf32>
    %get3A_647 = arith.constant 8 : index
    %get3A_648 = arith.constant 0 : index
    %get3A_649 = arith.constant 0 : index
    %get3A_650 = vector.load %arg2[%get3A_647, %get3A_648, %get3A_649] : memref<10x256x256xf32, #tpu.memory_space<vmem>>, vector<1x256x256xf32>
    %get3A_651 = vector.shape_cast %get3A_650 : vector<1x256x256xf32> to vector<256x256xf32>
    %mul3A_652 = vector.broadcast %get3A_646 : f32 to vector<256x256xf32>
    %mul3A_653 = arith.mulf %mul3A_652, %get3A_651 : vector<256x256xf32>
    %add3A_654 = arith.addf %add3A_641, %mul3A_653 : vector<256x256xf32>
    %get3A_655 = arith.constant 4 : index
    %get3A_656 = arith.constant 0 : index
    %get3A_657 = arith.constant 9 : index
    %get3A_658 = vector.load %arg1[%get3A_655, %get3A_656, %get3A_657] : memref<10x1x10xf32, #tpu.memory_space<vmem>>, vector<1x1x1xf32>
    %get3A_659 = vector.extract %get3A_658[0, 0, 0] : f32 from vector<1x1x1xf32>
    %get3A_660 = arith.constant 9 : index
    %get3A_661 = arith.constant 0 : index
    %get3A_662 = arith.constant 0 : index
    %get3A_663 = vector.load %arg2[%get3A_660, %get3A_661, %get3A_662] : memref<10x256x256xf32, #tpu.memory_space<vmem>>, vector<1x256x256xf32>
    %get3A_664 = vector.shape_cast %get3A_663 : vector<1x256x256xf32> to vector<256x256xf32>
    %mul3A_665 = vector.broadcast %get3A_659 : f32 to vector<256x256xf32>
    %mul3A_666 = arith.mulf %mul3A_665, %get3A_664 : vector<256x256xf32>
    %add3A_667 = arith.addf %add3A_654, %mul3A_666 : vector<256x256xf32>
    %convert_element_type3A_668 = arith.truncf %add3A_667 : vector<256x256xf32> to vector<256x256xbf16>
    %swap3A_669 = arith.constant 4 : index
    %swap3A_670 = arith.constant 0 : index
    %swap3A_671 = arith.constant 0 : index
    %swap3A_672 = vector.load %arg3[%swap3A_669, %swap3A_670, %swap3A_671] : memref<10x256x256xbf16, #tpu.memory_space<vmem>>, vector<1x256x256xbf16>
    %swap3A_673 = vector.shape_cast %swap3A_672 : vector<1x256x256xbf16> to vector<256x256xbf16>
    %swap3A_674 = vector.shape_cast %convert_element_type3A_668 : vector<256x256xbf16> to vector<1x256x256xbf16>
    tpu.vector_store %arg3[%swap3A_669, %swap3A_670, %swap3A_671], %swap3A_674 {strides = array<i32>} : memref<10x256x256xbf16, #tpu.memory_space<vmem>>, vector<1x256x256xbf16>,
    %get3A_675 = arith.constant 5 : index
    %get3A_676 = arith.constant 0 : index
    %get3A_677 = arith.constant 0 : index
    %get3A_678 = vector.load %arg1[%get3A_675, %get3A_676, %get3A_677] : memref<10x1x10xf32, #tpu.memory_space<vmem>>, vector<1x1x1xf32>
    %get3A_679 = vector.extract %get3A_678[0, 0, 0] : f32 from vector<1x1x1xf32>
    %get3A_680 = arith.constant 0 : index
    %get3A_681 = arith.constant 0 : index
    %get3A_682 = arith.constant 0 : index
    %get3A_683 = vector.load %arg2[%get3A_680, %get3A_681, %get3A_682] : memref<10x256x256xf32, #tpu.memory_space<vmem>>, vector<1x256x256xf32>
    %get3A_684 = vector.shape_cast %get3A_683 : vector<1x256x256xf32> to vector<256x256xf32>
    %mul3A_685 = vector.broadcast %get3A_679 : f32 to vector<256x256xf32>
    %mul3A_686 = arith.mulf %mul3A_685, %get3A_684 : vector<256x256xf32>
    %get3A_687 = arith.constant 5 : index
    %get3A_688 = arith.constant 0 : index
    %get3A_689 = arith.constant 1 : index
    %get3A_690 = vector.load %arg1[%get3A_687, %get3A_688, %get3A_689] : memref<10x1x10xf32, #tpu.memory_space<vmem>>, vector<1x1x1xf32>
    %get3A_691 = vector.extract %get3A_690[0, 0, 0] : f32 from vector<1x1x1xf32>
    %get3A_692 = arith.constant 1 : index
    %get3A_693 = arith.constant 0 : index
    %get3A_694 = arith.constant 0 : index
    %get3A_695 = vector.load %arg2[%get3A_692, %get3A_693, %get3A_694] : memref<10x256x256xf32, #tpu.memory_space<vmem>>, vector<1x256x256xf32>
    %get3A_696 = vector.shape_cast %get3A_695 : vector<1x256x256xf32> to vector<256x256xf32>
    %mul3A_697 = vector.broadcast %get3A_691 : f32 to vector<256x256xf32>
    %mul3A_698 = arith.mulf %mul3A_697, %get3A_696 : vector<256x256xf32>
    %add3A_699 = arith.addf %mul3A_686, %mul3A_698 : vector<256x256xf32>
    %get3A_700 = arith.constant 5 : index
    %get3A_701 = arith.constant 0 : index
    %get3A_702 = arith.constant 2 : index
    %get3A_703 = vector.load %arg1[%get3A_700, %get3A_701, %get3A_702] : memref<10x1x10xf32, #tpu.memory_space<vmem>>, vector<1x1x1xf32>
    %get3A_704 = vector.extract %get3A_703[0, 0, 0] : f32 from vector<1x1x1xf32>
    %get3A_705 = arith.constant 2 : index
    %get3A_706 = arith.constant 0 : index
    %get3A_707 = arith.constant 0 : index
    %get3A_708 = vector.load %arg2[%get3A_705, %get3A_706, %get3A_707] : memref<10x256x256xf32, #tpu.memory_space<vmem>>, vector<1x256x256xf32>
    %get3A_709 = vector.shape_cast %get3A_708 : vector<1x256x256xf32> to vector<256x256xf32>
    %mul3A_710 = vector.broadcast %get3A_704 : f32 to vector<256x256xf32>
    %mul3A_711 = arith.mulf %mul3A_710, %get3A_709 : vector<256x256xf32>
    %add3A_712 = arith.addf %add3A_699, %mul3A_711 : vector<256x256xf32>
    %get3A_713 = arith.constant 5 : index
    %get3A_714 = arith.constant 0 : index
    %get3A_715 = arith.constant 3 : index
    %get3A_716 = vector.load %arg1[%get3A_713, %get3A_714, %get3A_715] : memref<10x1x10xf32, #tpu.memory_space<vmem>>, vector<1x1x1xf32>
    %get3A_717 = vector.extract %get3A_716[0, 0, 0] : f32 from vector<1x1x1xf32>
    %get3A_718 = arith.constant 3 : index
    %get3A_719 = arith.constant 0 : index
    %get3A_720 = arith.constant 0 : index
    %get3A_721 = vector.load %arg2[%get3A_718, %get3A_719, %get3A_720] : memref<10x256x256xf32, #tpu.memory_space<vmem>>, vector<1x256x256xf32>
    %get3A_722 = vector.shape_cast %get3A_721 : vector<1x256x256xf32> to vector<256x256xf32>
    %mul3A_723 = vector.broadcast %get3A_717 : f32 to vector<256x256xf32>
    %mul3A_724 = arith.mulf %mul3A_723, %get3A_722 : vector<256x256xf32>
    %add3A_725 = arith.addf %add3A_712, %mul3A_724 : vector<256x256xf32>
    %get3A_726 = arith.constant 5 : index
    %get3A_727 = arith.constant 0 : index
    %get3A_728 = arith.constant 4 : index
    %get3A_729 = vector.load %arg1[%get3A_726, %get3A_727, %get3A_728] : memref<10x1x10xf32, #tpu.memory_space<vmem>>, vector<1x1x1xf32>
    %get3A_730 = vector.extract %get3A_729[0, 0, 0] : f32 from vector<1x1x1xf32>
    %get3A_731 = arith.constant 4 : index
    %get3A_732 = arith.constant 0 : index
    %get3A_733 = arith.constant 0 : index
    %get3A_734 = vector.load %arg2[%get3A_731, %get3A_732, %get3A_733] : memref<10x256x256xf32, #tpu.memory_space<vmem>>, vector<1x256x256xf32>
    %get3A_735 = vector.shape_cast %get3A_734 : vector<1x256x256xf32> to vector<256x256xf32>
    %mul3A_736 = vector.broadcast %get3A_730 : f32 to vector<256x256xf32>
    %mul3A_737 = arith.mulf %mul3A_736, %get3A_735 : vector<256x256xf32>
    %add3A_738 = arith.addf %add3A_725, %mul3A_737 : vector<256x256xf32>
    %get3A_739 = arith.constant 5 : index
    %get3A_740 = arith.constant 0 : index
    %get3A_741 = arith.constant 5 : index
    %get3A_742 = vector.load %arg1[%get3A_739, %get3A_740, %get3A_741] : memref<10x1x10xf32, #tpu.memory_space<vmem>>, vector<1x1x1xf32>
    %get3A_743 = vector.extract %get3A_742[0, 0, 0] : f32 from vector<1x1x1xf32>
    %get3A_744 = arith.constant 5 : index
    %get3A_745 = arith.constant 0 : index
    %get3A_746 = arith.constant 0 : index
    %get3A_747 = vector.load %arg2[%get3A_744, %get3A_745, %get3A_746] : memref<10x256x256xf32, #tpu.memory_space<vmem>>, vector<1x256x256xf32>
    %get3A_748 = vector.shape_cast %get3A_747 : vector<1x256x256xf32> to vector<256x256xf32>
    %mul3A_749 = vector.broadcast %get3A_743 : f32 to vector<256x256xf32>
    %mul3A_750 = arith.mulf %mul3A_749, %get3A_748 : vector<256x256xf32>
    %add3A_751 = arith.addf %add3A_738, %mul3A_750 : vector<256x256xf32>
    %get3A_752 = arith.constant 5 : index
    %get3A_753 = arith.constant 0 : index
    %get3A_754 = arith.constant 6 : index
    %get3A_755 = vector.load %arg1[%get3A_752, %get3A_753, %get3A_754] : memref<10x1x10xf32, #tpu.memory_space<vmem>>, vector<1x1x1xf32>
    %get3A_756 = vector.extract %get3A_755[0, 0, 0] : f32 from vector<1x1x1xf32>
    %get3A_757 = arith.constant 6 : index
    %get3A_758 = arith.constant 0 : index
    %get3A_759 = arith.constant 0 : index
    %get3A_760 = vector.load %arg2[%get3A_757, %get3A_758, %get3A_759] : memref<10x256x256xf32, #tpu.memory_space<vmem>>, vector<1x256x256xf32>
    %get3A_761 = vector.shape_cast %get3A_760 : vector<1x256x256xf32> to vector<256x256xf32>
    %mul3A_762 = vector.broadcast %get3A_756 : f32 to vector<256x256xf32>
    %mul3A_763 = arith.mulf %mul3A_762, %get3A_761 : vector<256x256xf32>
    %add3A_764 = arith.addf %add3A_751, %mul3A_763 : vector<256x256xf32>
    %get3A_765 = arith.constant 5 : index
    %get3A_766 = arith.constant 0 : index
    %get3A_767 = arith.constant 7 : index
    %get3A_768 = vector.load %arg1[%get3A_765, %get3A_766, %get3A_767] : memref<10x1x10xf32, #tpu.memory_space<vmem>>, vector<1x1x1xf32>
    %get3A_769 = vector.extract %get3A_768[0, 0, 0] : f32 from vector<1x1x1xf32>
    %get3A_770 = arith.constant 7 : index
    %get3A_771 = arith.constant 0 : index
    %get3A_772 = arith.constant 0 : index
    %get3A_773 = vector.load %arg2[%get3A_770, %get3A_771, %get3A_772] : memref<10x256x256xf32, #tpu.memory_space<vmem>>, vector<1x256x256xf32>
    %get3A_774 = vector.shape_cast %get3A_773 : vector<1x256x256xf32> to vector<256x256xf32>
    %mul3A_775 = vector.broadcast %get3A_769 : f32 to vector<256x256xf32>
    %mul3A_776 = arith.mulf %mul3A_775, %get3A_774 : vector<256x256xf32>
    %add3A_777 = arith.addf %add3A_764, %mul3A_776 : vector<256x256xf32>
    %get3A_778 = arith.constant 5 : index
    %get3A_779 = arith.constant 0 : index
    %get3A_780 = arith.constant 8 : index
    %get3A_781 = vector.load %arg1[%get3A_778, %get3A_779, %get3A_780] : memref<10x1x10xf32, #tpu.memory_space<vmem>>, vector<1x1x1xf32>
    %get3A_782 = vector.extract %get3A_781[0, 0, 0] : f32 from vector<1x1x1xf32>
    %get3A_783 = arith.constant 8 : index
    %get3A_784 = arith.constant 0 : index
    %get3A_785 = arith.constant 0 : index
    %get3A_786 = vector.load %arg2[%get3A_783, %get3A_784, %get3A_785] : memref<10x256x256xf32, #tpu.memory_space<vmem>>, vector<1x256x256xf32>
    %get3A_787 = vector.shape_cast %get3A_786 : vector<1x256x256xf32> to vector<256x256xf32>
    %mul3A_788 = vector.broadcast %get3A_782 : f32 to vector<256x256xf32>
    %mul3A_789 = arith.mulf %mul3A_788, %get3A_787 : vector<256x256xf32>
    %add3A_790 = arith.addf %add3A_777, %mul3A_789 : vector<256x256xf32>
    %get3A_791 = arith.constant 5 : index
    %get3A_792 = arith.constant 0 : index
    %get3A_793 = arith.constant 9 : index
    %get3A_794 = vector.load %arg1[%get3A_791, %get3A_792, %get3A_793] : memref<10x1x10xf32, #tpu.memory_space<vmem>>, vector<1x1x1xf32>
    %get3A_795 = vector.extract %get3A_794[0, 0, 0] : f32 from vector<1x1x1xf32>
    %get3A_796 = arith.constant 9 : index
    %get3A_797 = arith.constant 0 : index
    %get3A_798 = arith.constant 0 : index
    %get3A_799 = vector.load %arg2[%get3A_796, %get3A_797, %get3A_798] : memref<10x256x256xf32, #tpu.memory_space<vmem>>, vector<1x256x256xf32>
    %get3A_800 = vector.shape_cast %get3A_799 : vector<1x256x256xf32> to vector<256x256xf32>
    %mul3A_801 = vector.broadcast %get3A_795 : f32 to vector<256x256xf32>
    %mul3A_802 = arith.mulf %mul3A_801, %get3A_800 : vector<256x256xf32>
    %add3A_803 = arith.addf %add3A_790, %mul3A_802 : vector<256x256xf32>
    %convert_element_type3A_804 = arith.truncf %add3A_803 : vector<256x256xf32> to vector<256x256xbf16>
    %swap3A_805 = arith.constant 5 : index
    %swap3A_806 = arith.constant 0 : index
    %swap3A_807 = arith.constant 0 : index
    %swap3A_808 = vector.load %arg3[%swap3A_805, %swap3A_806, %swap3A_807] : memref<10x256x256xbf16, #tpu.memory_space<vmem>>, vector<1x256x256xbf16>
    %swap3A_809 = vector.shape_cast %swap3A_808 : vector<1x256x256xbf16> to vector<256x256xbf16>
    %swap3A_810 = vector.shape_cast %convert_element_type3A_804 : vector<256x256xbf16> to vector<1x256x256xbf16>
    tpu.vector_store %arg3[%swap3A_805, %swap3A_806, %swap3A_807], %swap3A_810 {strides = array<i32>} : memref<10x256x256xbf16, #tpu.memory_space<vmem>>, vector<1x256x256xbf16>,
    %get3A_811 = arith.constant 6 : index
    %get3A_812 = arith.constant 0 : index
    %get3A_813 = arith.constant 0 : index
    %get3A_814 = vector.load %arg1[%get3A_811, %get3A_812, %get3A_813] : memref<10x1x10xf32, #tpu.memory_space<vmem>>, vector<1x1x1xf32>
    %get3A_815 = vector.extract %get3A_814[0, 0, 0] : f32 from vector<1x1x1xf32>
    %get3A_816 = arith.constant 0 : index
    %get3A_817 = arith.constant 0 : index
    %get3A_818 = arith.constant 0 : index
    %get3A_819 = vector.load %arg2[%get3A_816, %get3A_817, %get3A_818] : memref<10x256x256xf32, #tpu.memory_space<vmem>>, vector<1x256x256xf32>
    %get3A_820 = vector.shape_cast %get3A_819 : vector<1x256x256xf32> to vector<256x256xf32>
    %mul3A_821 = vector.broadcast %get3A_815 : f32 to vector<256x256xf32>
    %mul3A_822 = arith.mulf %mul3A_821, %get3A_820 : vector<256x256xf32>
    %get3A_823 = arith.constant 6 : index
    %get3A_824 = arith.constant 0 : index
    %get3A_825 = arith.constant 1 : index
    %get3A_826 = vector.load %arg1[%get3A_823, %get3A_824, %get3A_825] : memref<10x1x10xf32, #tpu.memory_space<vmem>>, vector<1x1x1xf32>
    %get3A_827 = vector.extract %get3A_826[0, 0, 0] : f32 from vector<1x1x1xf32>
    %get3A_828 = arith.constant 1 : index
    %get3A_829 = arith.constant 0 : index
    %get3A_830 = arith.constant 0 : index
    %get3A_831 = vector.load %arg2[%get3A_828, %get3A_829, %get3A_830] : memref<10x256x256xf32, #tpu.memory_space<vmem>>, vector<1x256x256xf32>
    %get3A_832 = vector.shape_cast %get3A_831 : vector<1x256x256xf32> to vector<256x256xf32>
    %mul3A_833 = vector.broadcast %get3A_827 : f32 to vector<256x256xf32>
    %mul3A_834 = arith.mulf %mul3A_833, %get3A_832 : vector<256x256xf32>
    %add3A_835 = arith.addf %mul3A_822, %mul3A_834 : vector<256x256xf32>
    %get3A_836 = arith.constant 6 : index
    %get3A_837 = arith.constant 0 : index
    %get3A_838 = arith.constant 2 : index
    %get3A_839 = vector.load %arg1[%get3A_836, %get3A_837, %get3A_838] : memref<10x1x10xf32, #tpu.memory_space<vmem>>, vector<1x1x1xf32>
    %get3A_840 = vector.extract %get3A_839[0, 0, 0] : f32 from vector<1x1x1xf32>
    %get3A_841 = arith.constant 2 : index
    %get3A_842 = arith.constant 0 : index
    %get3A_843 = arith.constant 0 : index
    %get3A_844 = vector.load %arg2[%get3A_841, %get3A_842, %get3A_843] : memref<10x256x256xf32, #tpu.memory_space<vmem>>, vector<1x256x256xf32>
    %get3A_845 = vector.shape_cast %get3A_844 : vector<1x256x256xf32> to vector<256x256xf32>
    %mul3A_846 = vector.broadcast %get3A_840 : f32 to vector<256x256xf32>
    %mul3A_847 = arith.mulf %mul3A_846, %get3A_845 : vector<256x256xf32>
    %add3A_848 = arith.addf %add3A_835, %mul3A_847 : vector<256x256xf32>
    %get3A_849 = arith.constant 6 : index
    %get3A_850 = arith.constant 0 : index
    %get3A_851 = arith.constant 3 : index
    %get3A_852 = vector.load %arg1[%get3A_849, %get3A_850, %get3A_851] : memref<10x1x10xf32, #tpu.memory_space<vmem>>, vector<1x1x1xf32>
    %get3A_853 = vector.extract %get3A_852[0, 0, 0] : f32 from vector<1x1x1xf32>
    %get3A_854 = arith.constant 3 : index
    %get3A_855 = arith.constant 0 : index
    %get3A_856 = arith.constant 0 : index
    %get3A_857 = vector.load %arg2[%get3A_854, %get3A_855, %get3A_856] : memref<10x256x256xf32, #tpu.memory_space<vmem>>, vector<1x256x256xf32>
    %get3A_858 = vector.shape_cast %get3A_857 : vector<1x256x256xf32> to vector<256x256xf32>
    %mul3A_859 = vector.broadcast %get3A_853 : f32 to vector<256x256xf32>
    %mul3A_860 = arith.mulf %mul3A_859, %get3A_858 : vector<256x256xf32>
    %add3A_861 = arith.addf %add3A_848, %mul3A_860 : vector<256x256xf32>
    %get3A_862 = arith.constant 6 : index
    %get3A_863 = arith.constant 0 : index
    %get3A_864 = arith.constant 4 : index
    %get3A_865 = vector.load %arg1[%get3A_862, %get3A_863, %get3A_864] : memref<10x1x10xf32, #tpu.memory_space<vmem>>, vector<1x1x1xf32>
    %get3A_866 = vector.extract %get3A_865[0, 0, 0] : f32 from vector<1x1x1xf32>
    %get3A_867 = arith.constant 4 : index
    %get3A_868 = arith.constant 0 : index
    %get3A_869 = arith.constant 0 : index
    %get3A_870 = vector.load %arg2[%get3A_867, %get3A_868, %get3A_869] : memref<10x256x256xf32, #tpu.memory_space<vmem>>, vector<1x256x256xf32>
    %get3A_871 = vector.shape_cast %get3A_870 : vector<1x256x256xf32> to vector<256x256xf32>
    %mul3A_872 = vector.broadcast %get3A_866 : f32 to vector<256x256xf32>
    %mul3A_873 = arith.mulf %mul3A_872, %get3A_871 : vector<256x256xf32>
    %add3A_874 = arith.addf %add3A_861, %mul3A_873 : vector<256x256xf32>
    %get3A_875 = arith.constant 6 : index
    %get3A_876 = arith.constant 0 : index
    %get3A_877 = arith.constant 5 : index
    %get3A_878 = vector.load %arg1[%get3A_875, %get3A_876, %get3A_877] : memref<10x1x10xf32, #tpu.memory_space<vmem>>, vector<1x1x1xf32>
    %get3A_879 = vector.extract %get3A_878[0, 0, 0] : f32 from vector<1x1x1xf32>
    %get3A_880 = arith.constant 5 : index
    %get3A_881 = arith.constant 0 : index
    %get3A_882 = arith.constant 0 : index
    %get3A_883 = vector.load %arg2[%get3A_880, %get3A_881, %get3A_882] : memref<10x256x256xf32, #tpu.memory_space<vmem>>, vector<1x256x256xf32>
    %get3A_884 = vector.shape_cast %get3A_883 : vector<1x256x256xf32> to vector<256x256xf32>
    %mul3A_885 = vector.broadcast %get3A_879 : f32 to vector<256x256xf32>
    %mul3A_886 = arith.mulf %mul3A_885, %get3A_884 : vector<256x256xf32>
    %add3A_887 = arith.addf %add3A_874, %mul3A_886 : vector<256x256xf32>
    %get3A_888 = arith.constant 6 : index
    %get3A_889 = arith.constant 0 : index
    %get3A_890 = arith.constant 6 : index
    %get3A_891 = vector.load %arg1[%get3A_888, %get3A_889, %get3A_890] : memref<10x1x10xf32, #tpu.memory_space<vmem>>, vector<1x1x1xf32>
    %get3A_892 = vector.extract %get3A_891[0, 0, 0] : f32 from vector<1x1x1xf32>
    %get3A_893 = arith.constant 6 : index
    %get3A_894 = arith.constant 0 : index
    %get3A_895 = arith.constant 0 : index
    %get3A_896 = vector.load %arg2[%get3A_893, %get3A_894, %get3A_895] : memref<10x256x256xf32, #tpu.memory_space<vmem>>, vector<1x256x256xf32>
    %get3A_897 = vector.shape_cast %get3A_896 : vector<1x256x256xf32> to vector<256x256xf32>
    %mul3A_898 = vector.broadcast %get3A_892 : f32 to vector<256x256xf32>
    %mul3A_899 = arith.mulf %mul3A_898, %get3A_897 : vector<256x256xf32>
    %add3A_900 = arith.addf %add3A_887, %mul3A_899 : vector<256x256xf32>
    %get3A_901 = arith.constant 6 : index
    %get3A_902 = arith.constant 0 : index
    %get3A_903 = arith.constant 7 : index
    %get3A_904 = vector.load %arg1[%get3A_901, %get3A_902, %get3A_903] : memref<10x1x10xf32, #tpu.memory_space<vmem>>, vector<1x1x1xf32>
    %get3A_905 = vector.extract %get3A_904[0, 0, 0] : f32 from vector<1x1x1xf32>
    %get3A_906 = arith.constant 7 : index
    %get3A_907 = arith.constant 0 : index
    %get3A_908 = arith.constant 0 : index
    %get3A_909 = vector.load %arg2[%get3A_906, %get3A_907, %get3A_908] : memref<10x256x256xf32, #tpu.memory_space<vmem>>, vector<1x256x256xf32>
    %get3A_910 = vector.shape_cast %get3A_909 : vector<1x256x256xf32> to vector<256x256xf32>
    %mul3A_911 = vector.broadcast %get3A_905 : f32 to vector<256x256xf32>
    %mul3A_912 = arith.mulf %mul3A_911, %get3A_910 : vector<256x256xf32>
    %add3A_913 = arith.addf %add3A_900, %mul3A_912 : vector<256x256xf32>
    %get3A_914 = arith.constant 6 : index
    %get3A_915 = arith.constant 0 : index
    %get3A_916 = arith.constant 8 : index
    %get3A_917 = vector.load %arg1[%get3A_914, %get3A_915, %get3A_916] : memref<10x1x10xf32, #tpu.memory_space<vmem>>, vector<1x1x1xf32>
    %get3A_918 = vector.extract %get3A_917[0, 0, 0] : f32 from vector<1x1x1xf32>
    %get3A_919 = arith.constant 8 : index
    %get3A_920 = arith.constant 0 : index
    %get3A_921 = arith.constant 0 : index
    %get3A_922 = vector.load %arg2[%get3A_919, %get3A_920, %get3A_921] : memref<10x256x256xf32, #tpu.memory_space<vmem>>, vector<1x256x256xf32>
    %get3A_923 = vector.shape_cast %get3A_922 : vector<1x256x256xf32> to vector<256x256xf32>
    %mul3A_924 = vector.broadcast %get3A_918 : f32 to vector<256x256xf32>
    %mul3A_925 = arith.mulf %mul3A_924, %get3A_923 : vector<256x256xf32>
    %add3A_926 = arith.addf %add3A_913, %mul3A_925 : vector<256x256xf32>
    %get3A_927 = arith.constant 6 : index
    %get3A_928 = arith.constant 0 : index
    %get3A_929 = arith.constant 9 : index
    %get3A_930 = vector.load %arg1[%get3A_927, %get3A_928, %get3A_929] : memref<10x1x10xf32, #tpu.memory_space<vmem>>, vector<1x1x1xf32>
    %get3A_931 = vector.extract %get3A_930[0, 0, 0] : f32 from vector<1x1x1xf32>
    %get3A_932 = arith.constant 9 : index
    %get3A_933 = arith.constant 0 : index
    %get3A_934 = arith.constant 0 : index
    %get3A_935 = vector.load %arg2[%get3A_932, %get3A_933, %get3A_934] : memref<10x256x256xf32, #tpu.memory_space<vmem>>, vector<1x256x256xf32>
    %get3A_936 = vector.shape_cast %get3A_935 : vector<1x256x256xf32> to vector<256x256xf32>
    %mul3A_937 = vector.broadcast %get3A_931 : f32 to vector<256x256xf32>
    %mul3A_938 = arith.mulf %mul3A_937, %get3A_936 : vector<256x256xf32>
    %add3A_939 = arith.addf %add3A_926, %mul3A_938 : vector<256x256xf32>
    %convert_element_type3A_940 = arith.truncf %add3A_939 : vector<256x256xf32> to vector<256x256xbf16>
    %swap3A_941 = arith.constant 6 : index
    %swap3A_942 = arith.constant 0 : index
    %swap3A_943 = arith.constant 0 : index
    %swap3A_944 = vector.load %arg3[%swap3A_941, %swap3A_942, %swap3A_943] : memref<10x256x256xbf16, #tpu.memory_space<vmem>>, vector<1x256x256xbf16>
    %swap3A_945 = vector.shape_cast %swap3A_944 : vector<1x256x256xbf16> to vector<256x256xbf16>
    %swap3A_946 = vector.shape_cast %convert_element_type3A_940 : vector<256x256xbf16> to vector<1x256x256xbf16>
    tpu.vector_store %arg3[%swap3A_941, %swap3A_942, %swap3A_943], %swap3A_946 {strides = array<i32>} : memref<10x256x256xbf16, #tpu.memory_space<vmem>>, vector<1x256x256xbf16>,
    %get3A_947 = arith.constant 7 : index
    %get3A_948 = arith.constant 0 : index
    %get3A_949 = arith.constant 0 : index
    %get3A_950 = vector.load %arg1[%get3A_947, %get3A_948, %get3A_949] : memref<10x1x10xf32, #tpu.memory_space<vmem>>, vector<1x1x1xf32>
    %get3A_951 = vector.extract %get3A_950[0, 0, 0] : f32 from vector<1x1x1xf32>
    %get3A_952 = arith.constant 0 : index
    %get3A_953 = arith.constant 0 : index
    %get3A_954 = arith.constant 0 : index
    %get3A_955 = vector.load %arg2[%get3A_952, %get3A_953, %get3A_954] : memref<10x256x256xf32, #tpu.memory_space<vmem>>, vector<1x256x256xf32>
    %get3A_956 = vector.shape_cast %get3A_955 : vector<1x256x256xf32> to vector<256x256xf32>
    %mul3A_957 = vector.broadcast %get3A_951 : f32 to vector<256x256xf32>
    %mul3A_958 = arith.mulf %mul3A_957, %get3A_956 : vector<256x256xf32>
    %get3A_959 = arith.constant 7 : index
    %get3A_960 = arith.constant 0 : index
    %get3A_961 = arith.constant 1 : index
    %get3A_962 = vector.load %arg1[%get3A_959, %get3A_960, %get3A_961] : memref<10x1x10xf32, #tpu.memory_space<vmem>>, vector<1x1x1xf32>
    %get3A_963 = vector.extract %get3A_962[0, 0, 0] : f32 from vector<1x1x1xf32>
    %get3A_964 = arith.constant 1 : index
    %get3A_965 = arith.constant 0 : index
    %get3A_966 = arith.constant 0 : index
    %get3A_967 = vector.load %arg2[%get3A_964, %get3A_965, %get3A_966] : memref<10x256x256xf32, #tpu.memory_space<vmem>>, vector<1x256x256xf32>
    %get3A_968 = vector.shape_cast %get3A_967 : vector<1x256x256xf32> to vector<256x256xf32>
    %mul3A_969 = vector.broadcast %get3A_963 : f32 to vector<256x256xf32>
    %mul3A_970 = arith.mulf %mul3A_969, %get3A_968 : vector<256x256xf32>
    %add3A_971 = arith.addf %mul3A_958, %mul3A_970 : vector<256x256xf32>
    %get3A_972 = arith.constant 7 : index
    %get3A_973 = arith.constant 0 : index
    %get3A_974 = arith.constant 2 : index
    %get3A_975 = vector.load %arg1[%get3A_972, %get3A_973, %get3A_974] : memref<10x1x10xf32, #tpu.memory_space<vmem>>, vector<1x1x1xf32>
    %get3A_976 = vector.extract %get3A_975[0, 0, 0] : f32 from vector<1x1x1xf32>
    %get3A_977 = arith.constant 2 : index
    %get3A_978 = arith.constant 0 : index
    %get3A_979 = arith.constant 0 : index
    %get3A_980 = vector.load %arg2[%get3A_977, %get3A_978, %get3A_979] : memref<10x256x256xf32, #tpu.memory_space<vmem>>, vector<1x256x256xf32>
    %get3A_981 = vector.shape_cast %get3A_980 : vector<1x256x256xf32> to vector<256x256xf32>
    %mul3A_982 = vector.broadcast %get3A_976 : f32 to vector<256x256xf32>
    %mul3A_983 = arith.mulf %mul3A_982, %get3A_981 : vector<256x256xf32>
    %add3A_984 = arith.addf %add3A_971, %mul3A_983 : vector<256x256xf32>
    %get3A_985 = arith.constant 7 : index
    %get3A_986 = arith.constant 0 : index
    %get3A_987 = arith.constant 3 : index
    %get3A_988 = vector.load %arg1[%get3A_985, %get3A_986, %get3A_987] : memref<10x1x10xf32, #tpu.memory_space<vmem>>, vector<1x1x1xf32>
    %get3A_989 = vector.extract %get3A_988[0, 0, 0] : f32 from vector<1x1x1xf32>
    %get3A_990 = arith.constant 3 : index
    %get3A_991 = arith.constant 0 : index
    %get3A_992 = arith.constant 0 : index
    %get3A_993 = vector.load %arg2[%get3A_990, %get3A_991, %get3A_992] : memref<10x256x256xf32, #tpu.memory_space<vmem>>, vector<1x256x256xf32>
    %get3A_994 = vector.shape_cast %get3A_993 : vector<1x256x256xf32> to vector<256x256xf32>
    %mul3A_995 = vector.broadcast %get3A_989 : f32 to vector<256x256xf32>
    %mul3A_996 = arith.mulf %mul3A_995, %get3A_994 : vector<256x256xf32>
    %add3A_997 = arith.addf %add3A_984, %mul3A_996 : vector<256x256xf32>
    %get3A_998 = arith.constant 7 : index
    %get3A_999 = arith.constant 0 : index
    %get3A_1000 = arith.constant 4 : index
    %get3A_1001 = vector.load %arg1[%get3A_998, %get3A_999, %get3A_1000] : memref<10x1x10xf32, #tpu.memory_space<vmem>>, vector<1x1x1xf32>
    %get3A_1002 = vector.extract %get3A_1001[0, 0, 0] : f32 from vector<1x1x1xf32>
    %get3A_1003 = arith.constant 4 : index
    %get3A_1004 = arith.constant 0 : index
    %get3A_1005 = arith.constant 0 : index
    %get3A_1006 = vector.load %arg2[%get3A_1003, %get3A_1004, %get3A_1005] : memref<10x256x256xf32, #tpu.memory_space<vmem>>, vector<1x256x256xf32>
    %get3A_1007 = vector.shape_cast %get3A_1006 : vector<1x256x256xf32> to vector<256x256xf32>
    %mul3A_1008 = vector.broadcast %get3A_1002 : f32 to vector<256x256xf32>
    %mul3A_1009 = arith.mulf %mul3A_1008, %get3A_1007 : vector<256x256xf32>
    %add3A_1010 = arith.addf %add3A_997, %mul3A_1009 : vector<256x256xf32>
    %get3A_1011 = arith.constant 7 : index
    %get3A_1012 = arith.constant 0 : index
    %get3A_1013 = arith.constant 5 : index
    %get3A_1014 = vector.load %arg1[%get3A_1011, %get3A_1012, %get3A_1013] : memref<10x1x10xf32, #tpu.memory_space<vmem>>, vector<1x1x1xf32>
    %get3A_1015 = vector.extract %get3A_1014[0, 0, 0] : f32 from vector<1x1x1xf32>
    %get3A_1016 = arith.constant 5 : index
    %get3A_1017 = arith.constant 0 : index
    %get3A_1018 = arith.constant 0 : index
    %get3A_1019 = vector.load %arg2[%get3A_1016, %get3A_1017, %get3A_1018] : memref<10x256x256xf32, #tpu.memory_space<vmem>>, vector<1x256x256xf32>
    %get3A_1020 = vector.shape_cast %get3A_1019 : vector<1x256x256xf32> to vector<256x256xf32>
    %mul3A_1021 = vector.broadcast %get3A_1015 : f32 to vector<256x256xf32>
    %mul3A_1022 = arith.mulf %mul3A_1021, %get3A_1020 : vector<256x256xf32>
    %add3A_1023 = arith.addf %add3A_1010, %mul3A_1022 : vector<256x256xf32>
    %get3A_1024 = arith.constant 7 : index
    %get3A_1025 = arith.constant 0 : index
    %get3A_1026 = arith.constant 6 : index
    %get3A_1027 = vector.load %arg1[%get3A_1024, %get3A_1025, %get3A_1026] : memref<10x1x10xf32, #tpu.memory_space<vmem>>, vector<1x1x1xf32>
    %get3A_1028 = vector.extract %get3A_1027[0, 0, 0] : f32 from vector<1x1x1xf32>
    %get3A_1029 = arith.constant 6 : index
    %get3A_1030 = arith.constant 0 : index
    %get3A_1031 = arith.constant 0 : index
    %get3A_1032 = vector.load %arg2[%get3A_1029, %get3A_1030, %get3A_1031] : memref<10x256x256xf32, #tpu.memory_space<vmem>>, vector<1x256x256xf32>
    %get3A_1033 = vector.shape_cast %get3A_1032 : vector<1x256x256xf32> to vector<256x256xf32>
    %mul3A_1034 = vector.broadcast %get3A_1028 : f32 to vector<256x256xf32>
    %mul3A_1035 = arith.mulf %mul3A_1034, %get3A_1033 : vector<256x256xf32>
    %add3A_1036 = arith.addf %add3A_1023, %mul3A_1035 : vector<256x256xf32>
    %get3A_1037 = arith.constant 7 : index
    %get3A_1038 = arith.constant 0 : index
    %get3A_1039 = arith.constant 7 : index
    %get3A_1040 = vector.load %arg1[%get3A_1037, %get3A_1038, %get3A_1039] : memref<10x1x10xf32, #tpu.memory_space<vmem>>, vector<1x1x1xf32>
    %get3A_1041 = vector.extract %get3A_1040[0, 0, 0] : f32 from vector<1x1x1xf32>
    %get3A_1042 = arith.constant 7 : index
    %get3A_1043 = arith.constant 0 : index
    %get3A_1044 = arith.constant 0 : index
    %get3A_1045 = vector.load %arg2[%get3A_1042, %get3A_1043, %get3A_1044] : memref<10x256x256xf32, #tpu.memory_space<vmem>>, vector<1x256x256xf32>
    %get3A_1046 = vector.shape_cast %get3A_1045 : vector<1x256x256xf32> to vector<256x256xf32>
    %mul3A_1047 = vector.broadcast %get3A_1041 : f32 to vector<256x256xf32>
    %mul3A_1048 = arith.mulf %mul3A_1047, %get3A_1046 : vector<256x256xf32>
    %add3A_1049 = arith.addf %add3A_1036, %mul3A_1048 : vector<256x256xf32>
    %get3A_1050 = arith.constant 7 : index
    %get3A_1051 = arith.constant 0 : index
    %get3A_1052 = arith.constant 8 : index
    %get3A_1053 = vector.load %arg1[%get3A_1050, %get3A_1051, %get3A_1052] : memref<10x1x10xf32, #tpu.memory_space<vmem>>, vector<1x1x1xf32>
    %get3A_1054 = vector.extract %get3A_1053[0, 0, 0] : f32 from vector<1x1x1xf32>
    %get3A_1055 = arith.constant 8 : index
    %get3A_1056 = arith.constant 0 : index
    %get3A_1057 = arith.constant 0 : index
    %get3A_1058 = vector.load %arg2[%get3A_1055, %get3A_1056, %get3A_1057] : memref<10x256x256xf32, #tpu.memory_space<vmem>>, vector<1x256x256xf32>
    %get3A_1059 = vector.shape_cast %get3A_1058 : vector<1x256x256xf32> to vector<256x256xf32>
    %mul3A_1060 = vector.broadcast %get3A_1054 : f32 to vector<256x256xf32>
    %mul3A_1061 = arith.mulf %mul3A_1060, %get3A_1059 : vector<256x256xf32>
    %add3A_1062 = arith.addf %add3A_1049, %mul3A_1061 : vector<256x256xf32>
    %get3A_1063 = arith.constant 7 : index
    %get3A_1064 = arith.constant 0 : index
    %get3A_1065 = arith.constant 9 : index
    %get3A_1066 = vector.load %arg1[%get3A_1063, %get3A_1064, %get3A_1065] : memref<10x1x10xf32, #tpu.memory_space<vmem>>, vector<1x1x1xf32>
    %get3A_1067 = vector.extract %get3A_1066[0, 0, 0] : f32 from vector<1x1x1xf32>
    %get3A_1068 = arith.constant 9 : index
    %get3A_1069 = arith.constant 0 : index
    %get3A_1070 = arith.constant 0 : index
    %get3A_1071 = vector.load %arg2[%get3A_1068, %get3A_1069, %get3A_1070] : memref<10x256x256xf32, #tpu.memory_space<vmem>>, vector<1x256x256xf32>
    %get3A_1072 = vector.shape_cast %get3A_1071 : vector<1x256x256xf32> to vector<256x256xf32>
    %mul3A_1073 = vector.broadcast %get3A_1067 : f32 to vector<256x256xf32>
    %mul3A_1074 = arith.mulf %mul3A_1073, %get3A_1072 : vector<256x256xf32>
    %add3A_1075 = arith.addf %add3A_1062, %mul3A_1074 : vector<256x256xf32>
    %convert_element_type3A_1076 = arith.truncf %add3A_1075 : vector<256x256xf32> to vector<256x256xbf16>
    %swap3A_1077 = arith.constant 7 : index
    %swap3A_1078 = arith.constant 0 : index
    %swap3A_1079 = arith.constant 0 : index
    %swap3A_1080 = vector.load %arg3[%swap3A_1077, %swap3A_1078, %swap3A_1079] : memref<10x256x256xbf16, #tpu.memory_space<vmem>>, vector<1x256x256xbf16>
    %swap3A_1081 = vector.shape_cast %swap3A_1080 : vector<1x256x256xbf16> to vector<256x256xbf16>
    %swap3A_1082 = vector.shape_cast %convert_element_type3A_1076 : vector<256x256xbf16> to vector<1x256x256xbf16>
    tpu.vector_store %arg3[%swap3A_1077, %swap3A_1078, %swap3A_1079], %swap3A_1082 {strides = array<i32>} : memref<10x256x256xbf16, #tpu.memory_space<vmem>>, vector<1x256x256xbf16>,
    %get3A_1083 = arith.constant 8 : index
    %get3A_1084 = arith.constant 0 : index
    %get3A_1085 = arith.constant 0 : index
    %get3A_1086 = vector.load %arg1[%get3A_1083, %get3A_1084, %get3A_1085] : memref<10x1x10xf32, #tpu.memory_space<vmem>>, vector<1x1x1xf32>
    %get3A_1087 = vector.extract %get3A_1086[0, 0, 0] : f32 from vector<1x1x1xf32>
    %get3A_1088 = arith.constant 0 : index
    %get3A_1089 = arith.constant 0 : index
    %get3A_1090 = arith.constant 0 : index
    %get3A_1091 = vector.load %arg2[%get3A_1088, %get3A_1089, %get3A_1090] : memref<10x256x256xf32, #tpu.memory_space<vmem>>, vector<1x256x256xf32>
    %get3A_1092 = vector.shape_cast %get3A_1091 : vector<1x256x256xf32> to vector<256x256xf32>
    %mul3A_1093 = vector.broadcast %get3A_1087 : f32 to vector<256x256xf32>
    %mul3A_1094 = arith.mulf %mul3A_1093, %get3A_1092 : vector<256x256xf32>
    %get3A_1095 = arith.constant 8 : index
    %get3A_1096 = arith.constant 0 : index
    %get3A_1097 = arith.constant 1 : index
    %get3A_1098 = vector.load %arg1[%get3A_1095, %get3A_1096, %get3A_1097] : memref<10x1x10xf32, #tpu.memory_space<vmem>>, vector<1x1x1xf32>
    %get3A_1099 = vector.extract %get3A_1098[0, 0, 0] : f32 from vector<1x1x1xf32>
    %get3A_1100 = arith.constant 1 : index
    %get3A_1101 = arith.constant 0 : index
    %get3A_1102 = arith.constant 0 : index
    %get3A_1103 = vector.load %arg2[%get3A_1100, %get3A_1101, %get3A_1102] : memref<10x256x256xf32, #tpu.memory_space<vmem>>, vector<1x256x256xf32>
    %get3A_1104 = vector.shape_cast %get3A_1103 : vector<1x256x256xf32> to vector<256x256xf32>
    %mul3A_1105 = vector.broadcast %get3A_1099 : f32 to vector<256x256xf32>
    %mul3A_1106 = arith.mulf %mul3A_1105, %get3A_1104 : vector<256x256xf32>
    %add3A_1107 = arith.addf %mul3A_1094, %mul3A_1106 : vector<256x256xf32>
    %get3A_1108 = arith.constant 8 : index
    %get3A_1109 = arith.constant 0 : index
    %get3A_1110 = arith.constant 2 : index
    %get3A_1111 = vector.load %arg1[%get3A_1108, %get3A_1109, %get3A_1110] : memref<10x1x10xf32, #tpu.memory_space<vmem>>, vector<1x1x1xf32>
    %get3A_1112 = vector.extract %get3A_1111[0, 0, 0] : f32 from vector<1x1x1xf32>
    %get3A_1113 = arith.constant 2 : index
    %get3A_1114 = arith.constant 0 : index
    %get3A_1115 = arith.constant 0 : index
    %get3A_1116 = vector.load %arg2[%get3A_1113, %get3A_1114, %get3A_1115] : memref<10x256x256xf32, #tpu.memory_space<vmem>>, vector<1x256x256xf32>
    %get3A_1117 = vector.shape_cast %get3A_1116 : vector<1x256x256xf32> to vector<256x256xf32>
    %mul3A_1118 = vector.broadcast %get3A_1112 : f32 to vector<256x256xf32>
    %mul3A_1119 = arith.mulf %mul3A_1118, %get3A_1117 : vector<256x256xf32>
    %add3A_1120 = arith.addf %add3A_1107, %mul3A_1119 : vector<256x256xf32>
    %get3A_1121 = arith.constant 8 : index
    %get3A_1122 = arith.constant 0 : index
    %get3A_1123 = arith.constant 3 : index
    %get3A_1124 = vector.load %arg1[%get3A_1121, %get3A_1122, %get3A_1123] : memref<10x1x10xf32, #tpu.memory_space<vmem>>, vector<1x1x1xf32>
    %get3A_1125 = vector.extract %get3A_1124[0, 0, 0] : f32 from vector<1x1x1xf32>
    %get3A_1126 = arith.constant 3 : index
    %get3A_1127 = arith.constant 0 : index
    %get3A_1128 = arith.constant 0 : index
    %get3A_1129 = vector.load %arg2[%get3A_1126, %get3A_1127, %get3A_1128] : memref<10x256x256xf32, #tpu.memory_space<vmem>>, vector<1x256x256xf32>
    %get3A_1130 = vector.shape_cast %get3A_1129 : vector<1x256x256xf32> to vector<256x256xf32>
    %mul3A_1131 = vector.broadcast %get3A_1125 : f32 to vector<256x256xf32>
    %mul3A_1132 = arith.mulf %mul3A_1131, %get3A_1130 : vector<256x256xf32>
    %add3A_1133 = arith.addf %add3A_1120, %mul3A_1132 : vector<256x256xf32>
    %get3A_1134 = arith.constant 8 : index
    %get3A_1135 = arith.constant 0 : index
    %get3A_1136 = arith.constant 4 : index
    %get3A_1137 = vector.load %arg1[%get3A_1134, %get3A_1135, %get3A_1136] : memref<10x1x10xf32, #tpu.memory_space<vmem>>, vector<1x1x1xf32>
    %get3A_1138 = vector.extract %get3A_1137[0, 0, 0] : f32 from vector<1x1x1xf32>
    %get3A_1139 = arith.constant 4 : index
    %get3A_1140 = arith.constant 0 : index
    %get3A_1141 = arith.constant 0 : index
    %get3A_1142 = vector.load %arg2[%get3A_1139, %get3A_1140, %get3A_1141] : memref<10x256x256xf32, #tpu.memory_space<vmem>>, vector<1x256x256xf32>
    %get3A_1143 = vector.shape_cast %get3A_1142 : vector<1x256x256xf32> to vector<256x256xf32>
    %mul3A_1144 = vector.broadcast %get3A_1138 : f32 to vector<256x256xf32>
    %mul3A_1145 = arith.mulf %mul3A_1144, %get3A_1143 : vector<256x256xf32>
    %add3A_1146 = arith.addf %add3A_1133, %mul3A_1145 : vector<256x256xf32>
    %get3A_1147 = arith.constant 8 : index
    %get3A_1148 = arith.constant 0 : index
    %get3A_1149 = arith.constant 5 : index
    %get3A_1150 = vector.load %arg1[%get3A_1147, %get3A_1148, %get3A_1149] : memref<10x1x10xf32, #tpu.memory_space<vmem>>, vector<1x1x1xf32>
    %get3A_1151 = vector.extract %get3A_1150[0, 0, 0] : f32 from vector<1x1x1xf32>
    %get3A_1152 = arith.constant 5 : index
    %get3A_1153 = arith.constant 0 : index
    %get3A_1154 = arith.constant 0 : index
    %get3A_1155 = vector.load %arg2[%get3A_1152, %get3A_1153, %get3A_1154] : memref<10x256x256xf32, #tpu.memory_space<vmem>>, vector<1x256x256xf32>
    %get3A_1156 = vector.shape_cast %get3A_1155 : vector<1x256x256xf32> to vector<256x256xf32>
    %mul3A_1157 = vector.broadcast %get3A_1151 : f32 to vector<256x256xf32>
    %mul3A_1158 = arith.mulf %mul3A_1157, %get3A_1156 : vector<256x256xf32>
    %add3A_1159 = arith.addf %add3A_1146, %mul3A_1158 : vector<256x256xf32>
    %get3A_1160 = arith.constant 8 : index
    %get3A_1161 = arith.constant 0 : index
    %get3A_1162 = arith.constant 6 : index
    %get3A_1163 = vector.load %arg1[%get3A_1160, %get3A_1161, %get3A_1162] : memref<10x1x10xf32, #tpu.memory_space<vmem>>, vector<1x1x1xf32>
    %get3A_1164 = vector.extract %get3A_1163[0, 0, 0] : f32 from vector<1x1x1xf32>
    %get3A_1165 = arith.constant 6 : index
    %get3A_1166 = arith.constant 0 : index
    %get3A_1167 = arith.constant 0 : index
    %get3A_1168 = vector.load %arg2[%get3A_1165, %get3A_1166, %get3A_1167] : memref<10x256x256xf32, #tpu.memory_space<vmem>>, vector<1x256x256xf32>
    %get3A_1169 = vector.shape_cast %get3A_1168 : vector<1x256x256xf32> to vector<256x256xf32>
    %mul3A_1170 = vector.broadcast %get3A_1164 : f32 to vector<256x256xf32>
    %mul3A_1171 = arith.mulf %mul3A_1170, %get3A_1169 : vector<256x256xf32>
    %add3A_1172 = arith.addf %add3A_1159, %mul3A_1171 : vector<256x256xf32>
    %get3A_1173 = arith.constant 8 : index
    %get3A_1174 = arith.constant 0 : index
    %get3A_1175 = arith.constant 7 : index
    %get3A_1176 = vector.load %arg1[%get3A_1173, %get3A_1174, %get3A_1175] : memref<10x1x10xf32, #tpu.memory_space<vmem>>, vector<1x1x1xf32>
    %get3A_1177 = vector.extract %get3A_1176[0, 0, 0] : f32 from vector<1x1x1xf32>
    %get3A_1178 = arith.constant 7 : index
    %get3A_1179 = arith.constant 0 : index
    %get3A_1180 = arith.constant 0 : index
    %get3A_1181 = vector.load %arg2[%get3A_1178, %get3A_1179, %get3A_1180] : memref<10x256x256xf32, #tpu.memory_space<vmem>>, vector<1x256x256xf32>
    %get3A_1182 = vector.shape_cast %get3A_1181 : vector<1x256x256xf32> to vector<256x256xf32>
    %mul3A_1183 = vector.broadcast %get3A_1177 : f32 to vector<256x256xf32>
    %mul3A_1184 = arith.mulf %mul3A_1183, %get3A_1182 : vector<256x256xf32>
    %add3A_1185 = arith.addf %add3A_1172, %mul3A_1184 : vector<256x256xf32>
    %get3A_1186 = arith.constant 8 : index
    %get3A_1187 = arith.constant 0 : index
    %get3A_1188 = arith.constant 8 : index
    %get3A_1189 = vector.load %arg1[%get3A_1186, %get3A_1187, %get3A_1188] : memref<10x1x10xf32, #tpu.memory_space<vmem>>, vector<1x1x1xf32>
    %get3A_1190 = vector.extract %get3A_1189[0, 0, 0] : f32 from vector<1x1x1xf32>
    %get3A_1191 = arith.constant 8 : index
    %get3A_1192 = arith.constant 0 : index
    %get3A_1193 = arith.constant 0 : index
    %get3A_1194 = vector.load %arg2[%get3A_1191, %get3A_1192, %get3A_1193] : memref<10x256x256xf32, #tpu.memory_space<vmem>>, vector<1x256x256xf32>
    %get3A_1195 = vector.shape_cast %get3A_1194 : vector<1x256x256xf32> to vector<256x256xf32>
    %mul3A_1196 = vector.broadcast %get3A_1190 : f32 to vector<256x256xf32>
    %mul3A_1197 = arith.mulf %mul3A_1196, %get3A_1195 : vector<256x256xf32>
    %add3A_1198 = arith.addf %add3A_1185, %mul3A_1197 : vector<256x256xf32>
    %get3A_1199 = arith.constant 8 : index
    %get3A_1200 = arith.constant 0 : index
    %get3A_1201 = arith.constant 9 : index
    %get3A_1202 = vector.load %arg1[%get3A_1199, %get3A_1200, %get3A_1201] : memref<10x1x10xf32, #tpu.memory_space<vmem>>, vector<1x1x1xf32>
    %get3A_1203 = vector.extract %get3A_1202[0, 0, 0] : f32 from vector<1x1x1xf32>
    %get3A_1204 = arith.constant 9 : index
    %get3A_1205 = arith.constant 0 : index
    %get3A_1206 = arith.constant 0 : index
    %get3A_1207 = vector.load %arg2[%get3A_1204, %get3A_1205, %get3A_1206] : memref<10x256x256xf32, #tpu.memory_space<vmem>>, vector<1x256x256xf32>
    %get3A_1208 = vector.shape_cast %get3A_1207 : vector<1x256x256xf32> to vector<256x256xf32>
    %mul3A_1209 = vector.broadcast %get3A_1203 : f32 to vector<256x256xf32>
    %mul3A_1210 = arith.mulf %mul3A_1209, %get3A_1208 : vector<256x256xf32>
    %add3A_1211 = arith.addf %add3A_1198, %mul3A_1210 : vector<256x256xf32>
    %convert_element_type3A_1212 = arith.truncf %add3A_1211 : vector<256x256xf32> to vector<256x256xbf16>
    %swap3A_1213 = arith.constant 8 : index
    %swap3A_1214 = arith.constant 0 : index
    %swap3A_1215 = arith.constant 0 : index
    %swap3A_1216 = vector.load %arg3[%swap3A_1213, %swap3A_1214, %swap3A_1215] : memref<10x256x256xbf16, #tpu.memory_space<vmem>>, vector<1x256x256xbf16>
    %swap3A_1217 = vector.shape_cast %swap3A_1216 : vector<1x256x256xbf16> to vector<256x256xbf16>
    %swap3A_1218 = vector.shape_cast %convert_element_type3A_1212 : vector<256x256xbf16> to vector<1x256x256xbf16>
    tpu.vector_store %arg3[%swap3A_1213, %swap3A_1214, %swap3A_1215], %swap3A_1218 {strides = array<i32>} : memref<10x256x256xbf16, #tpu.memory_space<vmem>>, vector<1x256x256xbf16>,
    %get3A_1219 = arith.constant 9 : index
    %get3A_1220 = arith.constant 0 : index
    %get3A_1221 = arith.constant 0 : index
    %get3A_1222 = vector.load %arg1[%get3A_1219, %get3A_1220, %get3A_1221] : memref<10x1x10xf32, #tpu.memory_space<vmem>>, vector<1x1x1xf32>
    %get3A_1223 = vector.extract %get3A_1222[0, 0, 0] : f32 from vector<1x1x1xf32>
    %get3A_1224 = arith.constant 0 : index
    %get3A_1225 = arith.constant 0 : index
    %get3A_1226 = arith.constant 0 : index
    %get3A_1227 = vector.load %arg2[%get3A_1224, %get3A_1225, %get3A_1226] : memref<10x256x256xf32, #tpu.memory_space<vmem>>, vector<1x256x256xf32>
    %get3A_1228 = vector.shape_cast %get3A_1227 : vector<1x256x256xf32> to vector<256x256xf32>
    %mul3A_1229 = vector.broadcast %get3A_1223 : f32 to vector<256x256xf32>
    %mul3A_1230 = arith.mulf %mul3A_1229, %get3A_1228 : vector<256x256xf32>
    %get3A_1231 = arith.constant 9 : index
    %get3A_1232 = arith.constant 0 : index
    %get3A_1233 = arith.constant 1 : index
    %get3A_1234 = vector.load %arg1[%get3A_1231, %get3A_1232, %get3A_1233] : memref<10x1x10xf32, #tpu.memory_space<vmem>>, vector<1x1x1xf32>
    %get3A_1235 = vector.extract %get3A_1234[0, 0, 0] : f32 from vector<1x1x1xf32>
    %get3A_1236 = arith.constant 1 : index
    %get3A_1237 = arith.constant 0 : index
    %get3A_1238 = arith.constant 0 : index
    %get3A_1239 = vector.load %arg2[%get3A_1236, %get3A_1237, %get3A_1238] : memref<10x256x256xf32, #tpu.memory_space<vmem>>, vector<1x256x256xf32>
    %get3A_1240 = vector.shape_cast %get3A_1239 : vector<1x256x256xf32> to vector<256x256xf32>
    %mul3A_1241 = vector.broadcast %get3A_1235 : f32 to vector<256x256xf32>
    %mul3A_1242 = arith.mulf %mul3A_1241, %get3A_1240 : vector<256x256xf32>
    %add3A_1243 = arith.addf %mul3A_1230, %mul3A_1242 : vector<256x256xf32>
    %get3A_1244 = arith.constant 9 : index
    %get3A_1245 = arith.constant 0 : index
    %get3A_1246 = arith.constant 2 : index
    %get3A_1247 = vector.load %arg1[%get3A_1244, %get3A_1245, %get3A_1246] : memref<10x1x10xf32, #tpu.memory_space<vmem>>, vector<1x1x1xf32>
    %get3A_1248 = vector.extract %get3A_1247[0, 0, 0] : f32 from vector<1x1x1xf32>
    %get3A_1249 = arith.constant 2 : index
    %get3A_1250 = arith.constant 0 : index
    %get3A_1251 = arith.constant 0 : index
    %get3A_1252 = vector.load %arg2[%get3A_1249, %get3A_1250, %get3A_1251] : memref<10x256x256xf32, #tpu.memory_space<vmem>>, vector<1x256x256xf32>
    %get3A_1253 = vector.shape_cast %get3A_1252 : vector<1x256x256xf32> to vector<256x256xf32>
    %mul3A_1254 = vector.broadcast %get3A_1248 : f32 to vector<256x256xf32>
    %mul3A_1255 = arith.mulf %mul3A_1254, %get3A_1253 : vector<256x256xf32>
    %add3A_1256 = arith.addf %add3A_1243, %mul3A_1255 : vector<256x256xf32>
    %get3A_1257 = arith.constant 9 : index
    %get3A_1258 = arith.constant 0 : index
    %get3A_1259 = arith.constant 3 : index
    %get3A_1260 = vector.load %arg1[%get3A_1257, %get3A_1258, %get3A_1259] : memref<10x1x10xf32, #tpu.memory_space<vmem>>, vector<1x1x1xf32>
    %get3A_1261 = vector.extract %get3A_1260[0, 0, 0] : f32 from vector<1x1x1xf32>
    %get3A_1262 = arith.constant 3 : index
    %get3A_1263 = arith.constant 0 : index
    %get3A_1264 = arith.constant 0 : index
    %get3A_1265 = vector.load %arg2[%get3A_1262, %get3A_1263, %get3A_1264] : memref<10x256x256xf32, #tpu.memory_space<vmem>>, vector<1x256x256xf32>
    %get3A_1266 = vector.shape_cast %get3A_1265 : vector<1x256x256xf32> to vector<256x256xf32>
    %mul3A_1267 = vector.broadcast %get3A_1261 : f32 to vector<256x256xf32>
    %mul3A_1268 = arith.mulf %mul3A_1267, %get3A_1266 : vector<256x256xf32>
    %add3A_1269 = arith.addf %add3A_1256, %mul3A_1268 : vector<256x256xf32>
    %get3A_1270 = arith.constant 9 : index
    %get3A_1271 = arith.constant 0 : index
    %get3A_1272 = arith.constant 4 : index
    %get3A_1273 = vector.load %arg1[%get3A_1270, %get3A_1271, %get3A_1272] : memref<10x1x10xf32, #tpu.memory_space<vmem>>, vector<1x1x1xf32>
    %get3A_1274 = vector.extract %get3A_1273[0, 0, 0] : f32 from vector<1x1x1xf32>
    %get3A_1275 = arith.constant 4 : index
    %get3A_1276 = arith.constant 0 : index
    %get3A_1277 = arith.constant 0 : index
    %get3A_1278 = vector.load %arg2[%get3A_1275, %get3A_1276, %get3A_1277] : memref<10x256x256xf32, #tpu.memory_space<vmem>>, vector<1x256x256xf32>
    %get3A_1279 = vector.shape_cast %get3A_1278 : vector<1x256x256xf32> to vector<256x256xf32>
    %mul3A_1280 = vector.broadcast %get3A_1274 : f32 to vector<256x256xf32>
    %mul3A_1281 = arith.mulf %mul3A_1280, %get3A_1279 : vector<256x256xf32>
    %add3A_1282 = arith.addf %add3A_1269, %mul3A_1281 : vector<256x256xf32>
    %get3A_1283 = arith.constant 9 : index
    %get3A_1284 = arith.constant 0 : index
    %get3A_1285 = arith.constant 5 : index
    %get3A_1286 = vector.load %arg1[%get3A_1283, %get3A_1284, %get3A_1285] : memref<10x1x10xf32, #tpu.memory_space<vmem>>, vector<1x1x1xf32>
    %get3A_1287 = vector.extract %get3A_1286[0, 0, 0] : f32 from vector<1x1x1xf32>
    %get3A_1288 = arith.constant 5 : index
    %get3A_1289 = arith.constant 0 : index
    %get3A_1290 = arith.constant 0 : index
    %get3A_1291 = vector.load %arg2[%get3A_1288, %get3A_1289, %get3A_1290] : memref<10x256x256xf32, #tpu.memory_space<vmem>>, vector<1x256x256xf32>
    %get3A_1292 = vector.shape_cast %get3A_1291 : vector<1x256x256xf32> to vector<256x256xf32>
    %mul3A_1293 = vector.broadcast %get3A_1287 : f32 to vector<256x256xf32>
    %mul3A_1294 = arith.mulf %mul3A_1293, %get3A_1292 : vector<256x256xf32>
    %add3A_1295 = arith.addf %add3A_1282, %mul3A_1294 : vector<256x256xf32>
    %get3A_1296 = arith.constant 9 : index
    %get3A_1297 = arith.constant 0 : index
    %get3A_1298 = arith.constant 6 : index
    %get3A_1299 = vector.load %arg1[%get3A_1296, %get3A_1297, %get3A_1298] : memref<10x1x10xf32, #tpu.memory_space<vmem>>, vector<1x1x1xf32>
    %get3A_1300 = vector.extract %get3A_1299[0, 0, 0] : f32 from vector<1x1x1xf32>
    %get3A_1301 = arith.constant 6 : index
    %get3A_1302 = arith.constant 0 : index
    %get3A_1303 = arith.constant 0 : index
    %get3A_1304 = vector.load %arg2[%get3A_1301, %get3A_1302, %get3A_1303] : memref<10x256x256xf32, #tpu.memory_space<vmem>>, vector<1x256x256xf32>
    %get3A_1305 = vector.shape_cast %get3A_1304 : vector<1x256x256xf32> to vector<256x256xf32>
    %mul3A_1306 = vector.broadcast %get3A_1300 : f32 to vector<256x256xf32>
    %mul3A_1307 = arith.mulf %mul3A_1306, %get3A_1305 : vector<256x256xf32>
    %add3A_1308 = arith.addf %add3A_1295, %mul3A_1307 : vector<256x256xf32>
    %get3A_1309 = arith.constant 9 : index
    %get3A_1310 = arith.constant 0 : index
    %get3A_1311 = arith.constant 7 : index
    %get3A_1312 = vector.load %arg1[%get3A_1309, %get3A_1310, %get3A_1311] : memref<10x1x10xf32, #tpu.memory_space<vmem>>, vector<1x1x1xf32>
    %get3A_1313 = vector.extract %get3A_1312[0, 0, 0] : f32 from vector<1x1x1xf32>
    %get3A_1314 = arith.constant 7 : index
    %get3A_1315 = arith.constant 0 : index
    %get3A_1316 = arith.constant 0 : index
    %get3A_1317 = vector.load %arg2[%get3A_1314, %get3A_1315, %get3A_1316] : memref<10x256x256xf32, #tpu.memory_space<vmem>>, vector<1x256x256xf32>
    %get3A_1318 = vector.shape_cast %get3A_1317 : vector<1x256x256xf32> to vector<256x256xf32>
    %mul3A_1319 = vector.broadcast %get3A_1313 : f32 to vector<256x256xf32>
    %mul3A_1320 = arith.mulf %mul3A_1319, %get3A_1318 : vector<256x256xf32>
    %add3A_1321 = arith.addf %add3A_1308, %mul3A_1320 : vector<256x256xf32>
    %get3A_1322 = arith.constant 9 : index
    %get3A_1323 = arith.constant 0 : index
    %get3A_1324 = arith.constant 8 : index
    %get3A_1325 = vector.load %arg1[%get3A_1322, %get3A_1323, %get3A_1324] : memref<10x1x10xf32, #tpu.memory_space<vmem>>, vector<1x1x1xf32>
    %get3A_1326 = vector.extract %get3A_1325[0, 0, 0] : f32 from vector<1x1x1xf32>
    %get3A_1327 = arith.constant 8 : index
    %get3A_1328 = arith.constant 0 : index
    %get3A_1329 = arith.constant 0 : index
    %get3A_1330 = vector.load %arg2[%get3A_1327, %get3A_1328, %get3A_1329] : memref<10x256x256xf32, #tpu.memory_space<vmem>>, vector<1x256x256xf32>
    %get3A_1331 = vector.shape_cast %get3A_1330 : vector<1x256x256xf32> to vector<256x256xf32>
    %mul3A_1332 = vector.broadcast %get3A_1326 : f32 to vector<256x256xf32>
    %mul3A_1333 = arith.mulf %mul3A_1332, %get3A_1331 : vector<256x256xf32>
    %add3A_1334 = arith.addf %add3A_1321, %mul3A_1333 : vector<256x256xf32>
    %get3A_1335 = arith.constant 9 : index
    %get3A_1336 = arith.constant 0 : index
    %get3A_1337 = arith.constant 9 : index
    %get3A_1338 = vector.load %arg1[%get3A_1335, %get3A_1336, %get3A_1337] : memref<10x1x10xf32, #tpu.memory_space<vmem>>, vector<1x1x1xf32>
    %get3A_1339 = vector.extract %get3A_1338[0, 0, 0] : f32 from vector<1x1x1xf32>
    %get3A_1340 = arith.constant 9 : index
    %get3A_1341 = arith.constant 0 : index
    %get3A_1342 = arith.constant 0 : index
    %get3A_1343 = vector.load %arg2[%get3A_1340, %get3A_1341, %get3A_1342] : memref<10x256x256xf32, #tpu.memory_space<vmem>>, vector<1x256x256xf32>
    %get3A_1344 = vector.shape_cast %get3A_1343 : vector<1x256x256xf32> to vector<256x256xf32>
    %mul3A_1345 = vector.broadcast %get3A_1339 : f32 to vector<256x256xf32>
    %mul3A_1346 = arith.mulf %mul3A_1345, %get3A_1344 : vector<256x256xf32>
    %add3A_1347 = arith.addf %add3A_1334, %mul3A_1346 : vector<256x256xf32>
    %convert_element_type3A_1348 = arith.truncf %add3A_1347 : vector<256x256xf32> to vector<256x256xbf16>
    %swap3A_1349 = arith.constant 9 : index
    %swap3A_1350 = arith.constant 0 : index
    %swap3A_1351 = arith.constant 0 : index
    %swap3A_1352 = vector.load %arg3[%swap3A_1349, %swap3A_1350, %swap3A_1351] : memref<10x256x256xbf16, #tpu.memory_space<vmem>>, vector<1x256x256xbf16>
    %swap3A_1353 = vector.shape_cast %swap3A_1352 : vector<1x256x256xbf16> to vector<256x256xbf16>
    %swap3A_1354 = vector.shape_cast %convert_element_type3A_1348 : vector<256x256xbf16> to vector<1x256x256xbf16>
    tpu.vector_store %arg3[%swap3A_1349, %swap3A_1350, %swap3A_1351], %swap3A_1354 {strides = array<i32>} : memref<10x256x256xbf16, #tpu.memory_space<vmem>>, vector<1x256x256xbf16>,
    return
  }
  func.func @transform_0(%arg0: i32) -> (i32, i32, i32) {
    %c0_i32 = arith.constant 0 : i32
    %c0_i32_0 = arith.constant 0 : i32
    %c0_i32_1 = arith.constant 0 : i32
    return %arg0, %c0_i32, %c0_i32_0 : i32, i32, i32
  }
  func.func @transform_1(%arg0: i32) -> (i32, i32, i32) {
    %c0_i32 = arith.constant 0 : i32
    %c0_i32_0 = arith.constant 0 : i32
    %c0_i32_1 = arith.constant 0 : i32
    %c0_i32_2 = arith.constant 0 : i32
    return %c0_i32, %c0_i32_0, %c0_i32_1 : i32, i32, i32
  }
  func.func @transform_2(%arg0: i32) -> (i32, i32, i32) {
    %c0_i32 = arith.constant 0 : i32
    %c0_i32_0 = arith.constant 0 : i32
    %c0_i32_1 = arith.constant 0 : i32
    return %arg0, %c0_i32, %c0_i32_0 : i32, i32, i32
  }
}

module attributes {stable_mosaic.version = 14 : i64} {
  func.func @_ht_body(%arg0: i32, %arg1: i32, %arg2: memref<1x256x256xbf16, #tpu.memory_space<vmem>>, %arg3: memref<10000x256xbf16, #tpu.memory_space<vmem>>, %arg4: memref<2x1x10000x128xf32, #tpu.memory_space<vmem>>) attributes {dimension_semantics = [#tpu.dimension_semantics<arbitrary>, #tpu.dimension_semantics<arbitrary>], iteration_bounds = array<i64: 1, 50>, scalar_prefetch = 0 : i64, scratch_operands = 0 : i64, tpu.core_type = #tpu.core_type<tc>, window_params = [{transform_indices = @transform_0, window_bounds = array<i64: 1, 256, 256>}, {transform_indices = @transform_1, window_bounds = array<i64: 10000, 256>}, {transform_indices = @transform_2, window_bounds = array<i64: 2, 1, 10000, 128>}]} {
    %get3A = arith.constant 0 : index
    %get3A_0 = arith.constant 0 : index
    %get3A_1 = vector.load %arg3[%get3A, %get3A_0] : memref<10000x256xbf16, #tpu.memory_space<vmem>>, vector<10000x256xbf16>
    %get3A_2 = arith.constant 0 : index
    %get3A_3 = arith.constant 0 : index
    %get3A_4 = arith.constant 0 : index
    %get3A_5 = vector.load %arg2[%get3A_2, %get3A_3, %get3A_4] : memref<1x256x256xbf16, #tpu.memory_space<vmem>>, vector<1x256x256xbf16>
    %get3A_6 = vector.shape_cast %get3A_5 : vector<1x256x256xbf16> to vector<256x256xbf16>
    %dot_general3A = arith.constant dense<0.000000e+00> : vector<10000x256xf32>
    %dot_general3A_7 = tpu.matmul %get3A_1, %get3A_6, %dot_general3A {dimension_numbers = #tpu.dot_dimension_numbers<[1], [0], [0], [1], [0, 0, 1, 1], [], []>, transpose_lhs_hint = false} : vector<10000x256xbf16>, vector<256x256xbf16>, vector<10000x256xf32> -> vector<10000x256xf32>
    %slice3A = vector.extract_strided_slice %dot_general3A_7 {offsets = [0, 0], sizes = [10000, 128], strides = [1, 1]} : vector<10000x256xf32> to vector<10000x128xf32>
    %swap3A = arith.constant 0 : index
    %swap3A_8 = arith.constant 0 : index
    %swap3A_9 = arith.constant 0 : index
    %swap3A_10 = arith.constant 0 : index
    %swap3A_11 = vector.load %arg4[%swap3A, %swap3A_8, %swap3A_9, %swap3A_10] : memref<2x1x10000x128xf32, #tpu.memory_space<vmem>>, vector<1x1x10000x128xf32>
    %swap3A_12 = vector.shape_cast %swap3A_11 : vector<1x1x10000x128xf32> to vector<10000x128xf32>
    %swap3A_13 = vector.shape_cast %slice3A : vector<10000x128xf32> to vector<1x1x10000x128xf32>
    tpu.vector_store %arg4[%swap3A, %swap3A_8, %swap3A_9, %swap3A_10], %swap3A_13 {strides = array<i32>} : memref<2x1x10000x128xf32, #tpu.memory_space<vmem>>, vector<1x1x10000x128xf32>,
    %slice3A_14 = vector.extract_strided_slice %dot_general3A_7 {offsets = [0, 128], sizes = [10000, 128], strides = [1, 1]} : vector<10000x256xf32> to vector<10000x128xf32>
    %swap3A_15 = arith.constant 1 : index
    %swap3A_16 = arith.constant 0 : index
    %swap3A_17 = arith.constant 0 : index
    %swap3A_18 = arith.constant 0 : index
    %swap3A_19 = vector.load %arg4[%swap3A_15, %swap3A_16, %swap3A_17, %swap3A_18] : memref<2x1x10000x128xf32, #tpu.memory_space<vmem>>, vector<1x1x10000x128xf32>
    %swap3A_20 = vector.shape_cast %swap3A_19 : vector<1x1x10000x128xf32> to vector<10000x128xf32>
    %swap3A_21 = vector.shape_cast %slice3A_14 : vector<10000x128xf32> to vector<1x1x10000x128xf32>
    tpu.vector_store %arg4[%swap3A_15, %swap3A_16, %swap3A_17, %swap3A_18], %swap3A_21 {strides = array<i32>} : memref<2x1x10000x128xf32, #tpu.memory_space<vmem>>, vector<1x1x10000x128xf32>,
    return
  }
  func.func @transform_0(%arg0: i32, %arg1: i32) -> (i32, i32, i32) {
    %c0_i32 = arith.constant 0 : i32
    %c0_i32_0 = arith.constant 0 : i32
    %c0_i32_1 = arith.constant 0 : i32
    return %arg1, %c0_i32, %c0_i32_0 : i32, i32, i32
  }
  func.func @transform_1(%arg0: i32, %arg1: i32) -> (i32, i32) {
    %c0_i32 = arith.constant 0 : i32
    %c0_i32_0 = arith.constant 0 : i32
    return %arg0, %c0_i32 : i32, i32
  }
  func.func @transform_2(%arg0: i32, %arg1: i32) -> (i32, i32, i32, i32) {
    %c0_i32 = arith.constant 0 : i32
    %c0_i32_0 = arith.constant 0 : i32
    %c0_i32_1 = arith.constant 0 : i32
    return %c0_i32, %arg1, %arg0, %c0_i32_0 : i32, i32, i32, i32
  }
}

module attributes {stable_mosaic.version = 14 : i64} {
  func.func @_fin_body(%arg0: i32, %arg1: memref<2x1000x128xf32, #tpu.memory_space<vmem>>, %arg2: memref<1000x256xf32, #tpu.memory_space<vmem>>, %arg3: memref<256x256xf32, #tpu.memory_space<vmem>>, %arg4: memref<1x256xf32, #tpu.memory_space<vmem>>, %arg5: memref<256x16xf32, #tpu.memory_space<vmem>>, %arg6: memref<1x16xf32, #tpu.memory_space<vmem>>, %arg7: memref<16x40xf32, #tpu.memory_space<vmem>>, %arg8: memref<1x40xf32, #tpu.memory_space<vmem>>, %arg9: memref<1x40xf32, #tpu.memory_space<vmem>>, %arg10: memref<1x256xf32, #tpu.memory_space<vmem>>) attributes {dimension_semantics = [#tpu.dimension_semantics<arbitrary>], iteration_bounds = array<i64: 10>, scalar_prefetch = 0 : i64, scratch_operands = 1 : i64, tpu.core_type = #tpu.core_type<tc>, window_params = [{transform_indices = @transform_0, window_bounds = array<i64: 2, 1000, 128>}, {transform_indices = @transform_1, window_bounds = array<i64: 1000, 256>}, {pipeline_mode = #tpu.pipeline_mode<synchronous>, transform_indices = @transform_2, window_bounds = array<i64: 256, 256>}, {pipeline_mode = #tpu.pipeline_mode<synchronous>, transform_indices = @transform_3, window_bounds = array<i64: 1, 256>}, {pipeline_mode = #tpu.pipeline_mode<synchronous>, transform_indices = @transform_4, window_bounds = array<i64: 256, 16>}, {pipeline_mode = #tpu.pipeline_mode<synchronous>, transform_indices = @transform_5, window_bounds = array<i64: 1, 16>}, {pipeline_mode = #tpu.pipeline_mode<synchronous>, transform_indices = @transform_6, window_bounds = array<i64: 16, 40>}, {pipeline_mode = #tpu.pipeline_mode<synchronous>, transform_indices = @transform_7, window_bounds = array<i64: 1, 40>}, {pipeline_mode = #tpu.pipeline_mode<synchronous>, transform_indices = @transform_8, window_bounds = array<i64: 1, 40>}]} {
    %get3A = arith.constant 0 : index
    %get3A_0 = arith.constant 0 : index
    %get3A_1 = vector.load %arg2[%get3A, %get3A_0] : memref<1000x256xf32, #tpu.memory_space<vmem>>, vector<1000x256xf32>
    %get3A_2 = arith.constant 0 : index
    %get3A_3 = arith.constant 0 : index
    %get3A_4 = vector.load %arg3[%get3A_2, %get3A_3] : memref<256x256xf32, #tpu.memory_space<vmem>>, vector<256x256xf32>
    %dot_general3A = arith.constant dense<0.000000e+00> : vector<1000x256xf32>
    %dot_general3A_5 = tpu.matmul %get3A_1, %get3A_4, %dot_general3A {dimension_numbers = #tpu.dot_dimension_numbers<[1], [0], [0], [1], [0, 0, 1, 1], [], []>, precision = #tpu.contract_precision<fp32>, transpose_lhs_hint = false} : vector<1000x256xf32>, vector<256x256xf32>, vector<1000x256xf32> -> vector<1000x256xf32>
    %get3A_6 = arith.constant 0 : index
    %get3A_7 = arith.constant 0 : index
    %get3A_8 = arith.constant 0 : index
    %get3A_9 = vector.load %arg1[%get3A_6, %get3A_7, %get3A_8] : memref<2x1000x128xf32, #tpu.memory_space<vmem>>, vector<1x1000x128xf32>
    %get3A_10 = vector.shape_cast %get3A_9 : vector<1x1000x128xf32> to vector<1000x128xf32>
    %slice3A = vector.extract_strided_slice %dot_general3A_5 {offsets = [0, 0], sizes = [1000, 128], strides = [1, 1]} : vector<1000x256xf32> to vector<1000x128xf32>
    %add3A = arith.addf %get3A_10, %slice3A : vector<1000x128xf32>
    %get3A_11 = arith.constant 0 : index
    %get3A_12 = arith.constant 0 : index
    %get3A_13 = vector.load %arg4[%get3A_11, %get3A_12] : memref<1x256xf32, #tpu.memory_space<vmem>>, vector<1x128xf32>
    %add3A_14 = vector.broadcast %get3A_13 : vector<1x128xf32> to vector<1000x128xf32>
    %add3A_15 = arith.addf %add3A, %add3A_14 : vector<1000x128xf32>
    %max3A = arith.constant 0.000000e+00 : f32
    %max3A_16 = vector.broadcast %max3A : f32 to vector<1000x128xf32>
    %max3A_17 = arith.maximumf %add3A_15, %max3A_16 : vector<1000x128xf32>
    %get3A_18 = arith.constant 1 : index
    %get3A_19 = arith.constant 0 : index
    %get3A_20 = arith.constant 0 : index
    %get3A_21 = vector.load %arg1[%get3A_18, %get3A_19, %get3A_20] : memref<2x1000x128xf32, #tpu.memory_space<vmem>>, vector<1x1000x128xf32>
    %get3A_22 = vector.shape_cast %get3A_21 : vector<1x1000x128xf32> to vector<1000x128xf32>
    %slice3A_23 = vector.extract_strided_slice %dot_general3A_5 {offsets = [0, 128], sizes = [1000, 128], strides = [1, 1]} : vector<1000x256xf32> to vector<1000x128xf32>
    %add3A_24 = arith.addf %get3A_22, %slice3A_23 : vector<1000x128xf32>
    %get3A_25 = arith.constant 0 : index
    %get3A_26 = arith.constant 128 : index
    %get3A_27 = vector.load %arg4[%get3A_25, %get3A_26] : memref<1x256xf32, #tpu.memory_space<vmem>>, vector<1x128xf32>
    %add3A_28 = vector.broadcast %get3A_27 : vector<1x128xf32> to vector<1000x128xf32>
    %add3A_29 = arith.addf %add3A_24, %add3A_28 : vector<1000x128xf32>
    %max3A_30 = arith.constant 0.000000e+00 : f32
    %max3A_31 = vector.broadcast %max3A_30 : f32 to vector<1000x128xf32>
    %max3A_32 = arith.maximumf %add3A_29, %max3A_31 : vector<1000x128xf32>
    %reduce_sum3A = arith.constant dense<0.000000e+00> : vector<128xf32>
    %reduce_sum3A_33 = vector.multi_reduction <add>, %max3A_17, %reduce_sum3A [0] : vector<1000x128xf32> to vector<128xf32>
    %broadcast_in_dim3A = vector.shape_cast %reduce_sum3A_33 : vector<128xf32> to vector<1x128xf32>
    %reduce_sum3A_34 = arith.constant dense<0.000000e+00> : vector<128xf32>
    %reduce_sum3A_35 = vector.multi_reduction <add>, %max3A_32, %reduce_sum3A_34 [0] : vector<1000x128xf32> to vector<128xf32>
    %broadcast_in_dim3A_36 = vector.shape_cast %reduce_sum3A_35 : vector<128xf32> to vector<1x128xf32>
    %concatenate3A = tpu.concatenate %broadcast_in_dim3A, %broadcast_in_dim3A_36 in 1 : vector<1x128xf32>, vector<1x128xf32> -> vector<1x256xf32>
    %eq3A = arith.constant 0 : i32
    %eq3A_37 = arith.cmpi eq, %arg0, %eq3A : i32
    %convert_element_type3A = arith.extui %eq3A_37 : i1 to i32
    %cond3A = arith.constant 0 : i32
    %cond3A_38 = arith.cmpi ne, %convert_element_type3A, %cond3A : i32
    scf.if %cond3A_38 {
      %swap3A = arith.constant 0 : index
      %swap3A_48 = arith.constant 0 : index
      %swap3A_49 = vector.load %arg10[%swap3A, %swap3A_48] : memref<1x256xf32, #tpu.memory_space<vmem>>, vector<1x256xf32>
      tpu.vector_store %arg10[%swap3A, %swap3A_48], %concatenate3A {strides = array<i32>} : memref<1x256xf32, #tpu.memory_space<vmem>>, vector<1x256xf32>,
    } else {
    }
    %gt3A = arith.constant 0 : i32
    %gt3A_39 = arith.cmpi sgt, %arg0, %gt3A : i32
    %convert_element_type3A_40 = arith.extui %gt3A_39 : i1 to i32
    %cond3A_41 = arith.constant 0 : i32
    %cond3A_42 = arith.cmpi ne, %convert_element_type3A_40, %cond3A_41 : i32
    scf.if %cond3A_42 {
      %get3A_48 = arith.constant 0 : index
      %get3A_49 = arith.constant 0 : index
      %get3A_50 = vector.load %arg10[%get3A_48, %get3A_49] : memref<1x256xf32, #tpu.memory_space<vmem>>, vector<1x256xf32>
      %add3A_51 = arith.addf %get3A_50, %concatenate3A : vector<1x256xf32>
      %swap3A = arith.constant 0 : index
      %swap3A_52 = arith.constant 0 : index
      %swap3A_53 = vector.load %arg10[%swap3A, %swap3A_52] : memref<1x256xf32, #tpu.memory_space<vmem>>, vector<1x256xf32>
      tpu.vector_store %arg10[%swap3A, %swap3A_52], %add3A_51 {strides = array<i32>} : memref<1x256xf32, #tpu.memory_space<vmem>>, vector<1x256xf32>,
    } else {
    }
    %eq3A_43 = arith.constant 9 : i32
    %eq3A_44 = arith.cmpi eq, %arg0, %eq3A_43 : i32
    %convert_element_type3A_45 = arith.extui %eq3A_44 : i1 to i32
    %cond3A_46 = arith.constant 0 : i32
    %cond3A_47 = arith.cmpi ne, %convert_element_type3A_45, %cond3A_46 : i32
    scf.if %cond3A_47 {
      %get3A_48 = arith.constant 0 : index
      %get3A_49 = arith.constant 0 : index
      %get3A_50 = vector.load %arg10[%get3A_48, %get3A_49] : memref<1x256xf32, #tpu.memory_space<vmem>>, vector<1x256xf32>
      %mul3A = arith.constant 9.99999974E-5 : f32
      %mul3A_51 = vector.broadcast %mul3A : f32 to vector<1x256xf32>
      %mul3A_52 = arith.mulf %get3A_50, %mul3A_51 : vector<1x256xf32>
      %get3A_53 = arith.constant 0 : index
      %get3A_54 = arith.constant 0 : index
      %get3A_55 = vector.load %arg5[%get3A_53, %get3A_54] : memref<256x16xf32, #tpu.memory_space<vmem>>, vector<256x16xf32>
      %dot_general3A_56 = arith.constant dense<0.000000e+00> : vector<1x16xf32>
      %dot_general3A_57 = tpu.matmul %mul3A_52, %get3A_55, %dot_general3A_56 {dimension_numbers = #tpu.dot_dimension_numbers<[1], [0], [0], [1], [0, 0, 1, 1], [], []>, precision = #tpu.contract_precision<fp32>, transpose_lhs_hint = false} : vector<1x256xf32>, vector<256x16xf32>, vector<1x16xf32> -> vector<1x16xf32>
      %get3A_58 = arith.constant 0 : index
      %get3A_59 = arith.constant 0 : index
      %get3A_60 = vector.load %arg6[%get3A_58, %get3A_59] : memref<1x16xf32, #tpu.memory_space<vmem>>, vector<1x16xf32>
      %add3A_61 = arith.addf %dot_general3A_57, %get3A_60 : vector<1x16xf32>
      %max3A_62 = arith.constant 0.000000e+00 : f32
      %max3A_63 = vector.broadcast %max3A_62 : f32 to vector<1x16xf32>
      %max3A_64 = arith.maximumf %add3A_61, %max3A_63 : vector<1x16xf32>
      %get3A_65 = arith.constant 0 : index
      %get3A_66 = arith.constant 0 : index
      %get3A_67 = vector.load %arg7[%get3A_65, %get3A_66] : memref<16x40xf32, #tpu.memory_space<vmem>>, vector<16x40xf32>
      %dot_general3A_68 = arith.constant dense<0.000000e+00> : vector<1x40xf32>
      %dot_general3A_69 = tpu.matmul %max3A_64, %get3A_67, %dot_general3A_68 {dimension_numbers = #tpu.dot_dimension_numbers<[1], [0], [0], [1], [0, 0, 1, 1], [], []>, precision = #tpu.contract_precision<fp32>, transpose_lhs_hint = false} : vector<1x16xf32>, vector<16x40xf32>, vector<1x40xf32> -> vector<1x40xf32>
      %get3A_70 = arith.constant 0 : index
      %get3A_71 = arith.constant 0 : index
      %get3A_72 = vector.load %arg8[%get3A_70, %get3A_71] : memref<1x40xf32, #tpu.memory_space<vmem>>, vector<1x40xf32>
      %add3A_73 = arith.addf %dot_general3A_69, %get3A_72 : vector<1x40xf32>
      %swap3A = arith.constant 0 : index
      %swap3A_74 = arith.constant 0 : index
      %swap3A_75 = vector.load %arg9[%swap3A, %swap3A_74] : memref<1x40xf32, #tpu.memory_space<vmem>>, vector<1x40xf32>
      tpu.vector_store %arg9[%swap3A, %swap3A_74], %add3A_73 {strides = array<i32>} : memref<1x40xf32, #tpu.memory_space<vmem>>, vector<1x40xf32>,
    } else {
    }
    return
  }
  func.func @transform_0(%arg0: i32) -> (i32, i32, i32) {
    %c0_i32 = arith.constant 0 : i32
    %c0_i32_0 = arith.constant 0 : i32
    %c0_i32_1 = arith.constant 0 : i32
    return %c0_i32, %arg0, %c0_i32_0 : i32, i32, i32
  }
  func.func @transform_1(%arg0: i32) -> (i32, i32) {
    %c0_i32 = arith.constant 0 : i32
    %c0_i32_0 = arith.constant 0 : i32
    return %arg0, %c0_i32 : i32, i32
  }
  func.func @transform_2(%arg0: i32) -> (i32, i32) {
    %c0_i32 = arith.constant 0 : i32
    %c0_i32_0 = arith.constant 0 : i32
    %c0_i32_1 = arith.constant 0 : i32
    return %c0_i32, %c0_i32_0 : i32, i32
  }
  func.func @transform_3(%arg0: i32) -> (i32, i32) {
    %c0_i32 = arith.constant 0 : i32
    %c0_i32_0 = arith.constant 0 : i32
    %c0_i32_1 = arith.constant 0 : i32
    return %c0_i32, %c0_i32_0 : i32, i32
  }
  func.func @transform_4(%arg0: i32) -> (i32, i32) {
    %c0_i32 = arith.constant 0 : i32
    %c0_i32_0 = arith.constant 0 : i32
    %c0_i32_1 = arith.constant 0 : i32
    return %c0_i32, %c0_i32_0 : i32, i32
  }
  func.func @transform_5(%arg0: i32) -> (i32, i32) {
    %c0_i32 = arith.constant 0 : i32
    %c0_i32_0 = arith.constant 0 : i32
    %c0_i32_1 = arith.constant 0 : i32
    return %c0_i32, %c0_i32_0 : i32, i32
  }
  func.func @transform_6(%arg0: i32) -> (i32, i32) {
    %c0_i32 = arith.constant 0 : i32
    %c0_i32_0 = arith.constant 0 : i32
    %c0_i32_1 = arith.constant 0 : i32
    return %c0_i32, %c0_i32_0 : i32, i32
  }
  func.func @transform_7(%arg0: i32) -> (i32, i32) {
    %c0_i32 = arith.constant 0 : i32
    %c0_i32_0 = arith.constant 0 : i32
    %c0_i32_1 = arith.constant 0 : i32
    return %c0_i32, %c0_i32_0 : i32, i32
  }
  func.func @transform_8(%arg0: i32) -> (i32, i32) {
    %c0_i32 = arith.constant 0 : i32
    %c0_i32_0 = arith.constant 0 : i32
    %c0_i32_1 = arith.constant 0 : i32
    return %c0_i32, %c0_i32_0 : i32, i32
  }
}

</mosaic_0001>

<sc_bundles>
// kernel: kernel.6.cloned.1.call-start
scs
__scs_entry_jumppad:
0x0: {  	(pc) =	sbr.rel $0x88, $3  }
0x1: {  	(tag) =	ssettag $0x0;
	lr =	simm.s32 $0x1  }
0x2: {  	[smem:$0x3F96] =	sst lr;
	_ =	strace $0xD0000000  }
0x3: {  	_ = 	snop  }
0x4: {  	_ = 	snop  }
0x5: {  	_ = 	snop  }
0x6: {  	_ = 	snop  }
0x7: {  	_ = 	snop  }
__scs_overlays_trampoline_lowered:
0x8: {  	[smem:$0x3FA5] =	sst s0  }
0x9: {  	[smem:$0x3FA6] =	sst s1  }
0xa: {  	[smem:$0x3FA7] =	sst s2  }
0xb: {  	[smem:$0x3FA8] =	sst s3  }
0xc: {  	[smem:$0x3FA9] =	sst s4  }
0xd: {  	[smem:$0x3FAA] =	sst s5  }
0xe: {  	[smem:$0x3FAB] =	sst s6  }
0xf: {  	[smem:$0x3FAC] =	sst s7  }
0x10: {  	[smem:$0x3FAD] =	sst s8  }
0x11: {  	[smem:$0x3FAE] =	sst s9;
	s0 =	simm.s32 @!p0 $0x0  }
0x12: {  	s1 =	sld [smem:$0x3F94];
	s0 =	simm.s32 @p0 $0x1  }
0x13: {  	[smem:$0x3FAF] =	sst s0;
	s0 =	simm.s32 @!p1 $0x0  }
0x14: {  	s2 =	sld [smem:$0x3F93];
	s0 =	simm.s32 @p1 $0x1  }
0x15: {  	[smem:$0x3FB0] =	sst s0;
	s0 =	simm.s32 @!p2 $0x0  }
0x16: {  	s3 =	sld [smem:$0x3FDB];
	s0 =	simm.s32 @p2 $0x1  }
0x17: {  	s4 =	simm.s32 $0x1BF5;
	[smem:$0x3FB2] =	sst s0  }
0x18: {  	s0 =	sld [smem:$0x3F95];
	_ =	swait.ge [sflag:s4], $0x0  }
0x19: {  	s7 =	sld [smem:$0x3F96]  }
0x1a: {  	s8 =	sadd.s32 $0xFFFFE003, lr  }
0x1b: {  	s9 =	sadd.s32 $0xFFFFFEF7, lr;
	s5 =	simm.s32 $0xFFFFFFFF;
	p2 =	slt.u32 s8, $0xFFFFF086  }
0x1c: {  	p1 =	slt.u32 s9, $0xF7A;
	s5 =	simm.s32 @!p2 $0x0  }
0x1d: {  	s5 =	simm.s32 @p1 $0x1;
	p0 =	seq.s32 s7, s2  }
0x1e: {  	s7 =	smul.u32 @!p0 $0xF7A, s2;
	p2 =	seq.s32 @!p0 s5, $0x0  }
0x1f: {  	s9 =	smul.u32 $0xF7A, s1;
	s8 =	simm.s32 @!p0 $0x1BF5;
	p2 =	por !p2, p0  }
0x20: {  	[sflag:s8] =	ssyncset.s32 @!p0 $0xFFFFF086;
	s6 =	sadd.s32 @!p0 s3, s7;
	s7 =	simm.s32 @!p0 $0x108  }
0x21: {  	s3 =	sadd.s32 s3, s9;
	s6 =	sadd.s32 @!p0 $0x88, s6;
	s7 =	simm.s32 @p2 $0x1082  }
0x22: {  	[simem:s7], [sflag:s8] =	dma.local @!p0 [hbm:s6], $0xF7A  }
0x23: {  	s9 =	sor.u32 $0xD0000000, s2;
	s6 =	simm.s32 $0x108;
	_ =	swait.ge @!p0 [sflag:s8], $0x0  }
0x24: {  	s3 =	sadd.s32 $0x88, s3;
	s6 =	simm.s32 @!p1 $0x1082;
	[sflag:s4] =	ssyncset.s32 $0xFFFFF086  }
0x25: {  	[simem:s6], [sflag:s4] =	dma.local [hbm:s3], $0xF7A  }
0x26: {  	[smem:$0x3F96] =	sst s1;
	(tag) =	ssettag s2;
	_ =	strace s9  }
0x27: {  	s1 =	sld [smem:$0x3FA6]  }
0x28: {  	s2 =	sld [smem:$0x3FA7]  }
0x29: {  	s4 =	sld [smem:$0x3FA9]  }
0x2a: {  	p0 =	seq.s32 s5, $0x0;
	s5 =	sld [smem:$0x3FAA]  }
0x2b: {  	s6 =	sld [smem:$0x3FAB]  }
0x2c: {  	s7 =	sld [smem:$0x3FAC]  }
0x2d: {  	s3 =	simm.s32 $0x108;
	s8 =	sld [smem:$0x3FAD]  }
0x2e: {  	s3 =	simm.s32 @!p0 $0x1082;
	s9 =	sld [smem:$0x3FAE]  }
0x2f: {  	lr =	sadd.s32 s0, s3;
	s0 =	sld [smem:$0x3FA5]  }
0x30: {  	s3 =	sld [smem:$0x3FA8]  }
0x31: {  	[smem:$0x3FB1] =	sst s10  }
0x32: {  	s10 =	sld [smem:$0x3FAF];
	_ =	sdelay $0x3  }
0x33: {  	p0 =	seq.s32 s10, $0x1;
	s10 =	sld [smem:$0x3FB1];
	_ =	sdelay $0x3  }
0x34: {  	[smem:$0x3FB1] =	sst s10  }
0x35: {  	s10 =	sld [smem:$0x3FB0];
	_ =	sdelay $0x3  }
0x36: {  	p1 =	seq.s32 s10, $0x1;
	s10 =	sld [smem:$0x3FB1];
	_ =	sdelay $0x3  }
0x37: {  	[smem:$0x3FB1] =	sst s10  }
0x38: {  	s10 =	sld [smem:$0x3FB2]  }
0x39: {  	_ = 	snop;
	(pc) =	sbr.ind lr, $3  }
0x3a: {  	_ = 	snop  }
0x3b: {  	_ = 	snop  }
0x3c: {  	p2 =	seq.s32 s10, $0x1;
	s10 =	sld [smem:$0x3FB1]  }
0x3d: {  	_ =	shalt  }
0x3e: {  	_ =	shalt  }
0x3f: {  	_ =	shalt  }
0x40: {  	_ =	shalt  }
0x41: {  	_ =	shalt  }
0x42: {  	_ =	shalt  }
0x43: {  	_ =	shalt  }
0x44: {  	_ =	shalt  }
0x45: {  	_ =	shalt  }
0x46: {  	_ =	shalt  }
0x47: {  	_ =	shalt  }
0x48: {  	_ =	shalt  }
0x49: {  	_ =	shalt  }
0x4a: {  	_ =	shalt  }
0x4b: {  	_ =	shalt  }
0x4c: {  	_ =	shalt  }
0x4d: {  	_ =	shalt  }
0x4e: {  	_ =	shalt  }
0x4f: {  	_ =	shalt  }
0x50: {  	_ =	shalt  }
0x51: {  	_ =	shalt  }
0x52: {  	_ =	shalt  }
0x53: {  	_ =	shalt  }
0x54: {  	_ =	shalt  }
0x55: {  	_ =	shalt  }
0x56: {  	_ =	shalt  }
0x57: {  	_ =	shalt  }
0x58: {  	_ =	shalt  }
0x59: {  	_ =	shalt  }
0x5a: {  	_ =	shalt  }
0x5b: {  	_ =	shalt  }
0x5c: {  	_ =	shalt  }
0x5d: {  	_ =	shalt  }
0x5e: {  	_ =	shalt  }
0x5f: {  	_ =	shalt  }
0x60: {  	_ =	shalt  }
0x61: {  	_ =	shalt  }
0x62: {  	_ =	shalt  }
0x63: {  	_ =	shalt  }
0x64: {  	_ =	shalt  }
0x65: {  	_ =	shalt  }
0x66: {  	_ =	shalt  }
0x67: {  	_ =	shalt  }
0x68: {  	_ =	shalt  }
0x69: {  	_ =	shalt  }
0x6a: {  	_ =	shalt  }
0x6b: {  	_ =	shalt  }
0x6c: {  	_ =	shalt  }
0x6d: {  	_ =	shalt  }
0x6e: {  	_ =	shalt  }
0x6f: {  	_ =	shalt  }
0x70: {  	_ =	shalt  }
0x71: {  	_ =	shalt  }
0x72: {  	_ =	shalt  }
0x73: {  	_ =	shalt  }
0x74: {  	_ =	shalt  }
0x75: {  	_ =	shalt  }
0x76: {  	_ =	shalt  }
0x77: {  	_ =	shalt  }
0x78: {  	_ =	shalt  }
0x79: {  	_ =	shalt  }
0x7a: {  	_ =	shalt  }
0x7b: {  	_ =	shalt  }
0x7c: {  	_ =	shalt  }
0x7d: {  	_ =	shalt  }
0x7e: {  	_ =	shalt  }
0x7f: {  	_ =	shalt  }
0x80: {  	_ =	shalt  }
0x81: {  	_ =	shalt  }
0x82: {  	_ =	shalt  }
0x83: {  	_ =	shalt  }
0x84: {  	_ =	shalt  }
0x85: {  	_ =	shalt  }
0x86: {  	_ =	shalt  }
0x87: {  	_ =	shalt  }
.Lfunc_end0:
.L_simem_size_0:
called_computation_lowered:
.L_overlay_start_0:
0x88: {  	s2 =	sld [smem:$0x3FD9]  }
0x89: {  	s3 =	sld [smem:$0x3FFE];
	_ =	sdelay $0x1  }
0x8a: {  	s1 =	srdreg.scid  }
0x8b: {  	s0 =	sand.u32 $0x1, s1  }
0x8c: {  	s17 =	sshll.u32 s0, $0xA;
	s2 =	sadd.s32 s3, s2  }
0x8d: {  	s2 =	sadd.s32 s2, s17  }
0x8e: {  	[smem:$0x3FBD] =	sst s2  }
0x8f: {  	_ = 	snop  }
0x90: {  	s2 =	sld [smem:$0x3FC7];
	(tm) =	ssettm $0x1  }
0x91: {  	s18 =	sld [smem:$0x3FFB];
	_ =	sdelay $0x3  }
0x92: {  	_ =	strace s18  }
0x93: {  	s3 =	sld [smem:$0x3FFC];
	_ =	sdelay $0x3  }
0x94: {  	_ =	strace s3  }
0x95: {  	s3 =	sld [smem:$0x3FFD];
	_ =	sdelay $0x3  }
0x96: {  	_ =	strace s3  }
0x97: {  	_ =	strace $0x8FFFFFFF  }
0x98: {  	s19 =	sld [smem:$0x3FDB];
	_ =	sdelay $0x1  }
0x99: {  	s4 =	simm.s32 $_scs_section_size  }
0x9a: {  	s5 =	simm.s32 $_size__tile_overlayer_lowered;
	s6 =	simm.s32 $_tile_overlayer_lowered  }
0x9b: {  	s22 =	simm.s32 $0x1BFF;
	s21 =	sshll.u32 s6, $0x1;
	s3 =	sadd.s32 s4, s19  }
0x9c: {  	s7 =	simm.s32 $0x0;
	s20 =	sshll.u32 s5, $0x1;
	s5 =	sadd.s32 s21, s3  }
0x9d: {  	[timem:s7], [sflag:s22] =	dma.local [hbm:s5], s20  }
0x9e: {  	_ =	swait.ge [sflag:s22], s20  }
0x9f: {  	s4 =	ssub.s32 $0x0, s20;
	[sflag:s22] =	ssyncset.done $0x0  }
0xa0: {  	[sflag:s22] =	ssyncadd.s32 s4;
	_ =	sdelay $0x1  }
0xa1: {  	s23 =	simm.s32 $0x1B8B  }
0xa2: {  	_ =	swait.ge [sflag:s23], $0x1  }
0xa3: {  	[sflag:s23] =	ssyncset.done $0x0  }
0xa4: {  	s25 =	simm.s32 $0x1B8E;
	s24 =	sld [smem:$0x3FFE];
	[sflag:s23] =	ssyncadd.s32 $0xFFFFFFFF  }
0xa5: {  	s26 =	simm.s32 $execute0_lowered;
	[smem:$0x3FD2] =	sst s25  }
0xa6: {  	s5 =	sshll.u32 s26, $0x1;
	_ =	strace $0x80000046;
	[dreg:$0x1] =	wrdreg $0xFFFFFFFF  }
0xa7: {  	s28 =	simm.s32 $_size_execute0_lowered;
	s3 =	sadd.s32 s3, s5;
	[dreg:$0x0] =	wrdreg $0x0  }
0xa8: {  	s5 =	sshll.u32 s28, $0x1;
	[dreg:$0x2] =	wrdreg s3  }
0xa9: {  	[dreg:$0x3] =	wrdreg s5  }
0xaa: {  	[dreg:$0x4] =	wrdreg $0xC0  }
0xab: {  	_ =	task [dreg:s7], $0x5FFFF  }
0xac: {  	[dreg:$0x1] =	wrdreg $0xFFFFFFFF  }
0xad: {  	[dreg:$0x0] =	wrdreg $0x60  }
0xae: {  	[dreg:$0x2] =	wrdreg s24  }
0xaf: {  	[dreg:$0x3] =	wrdreg s2  }
0xb0: {  	[dreg:$0x4] =	wrdreg $0x99800  }
0xb1: {  	[dreg:$0x5] =	wrdreg $0x9  }
0xb2: {  	_ =	task.clear_ibuf [dreg:s7], $0x6FFFF;
	_ =	strace $0x90000046  }
0xb3: {  	s29 =	simm.s32 $0x9;
	_ =	strace $0x80000048  }
0xb4: {  	_ =	swait.ge [sflag:s29], $0x1  }
0xb5: {  	[sflag:s29] =	ssyncadd.s32 $0xFFFFFFFF  }
0xb6: {  	_ =	strace $0x90000048  }
0xb7: {  	_ =	sfence  }
0xb8: {  	s30 =	sld [smem:$0x0];
	_ =	sdelay $0x2  }
0xb9: {  	s31 =	sshll.u32 s1, $0xD;
	s1 =	sshrl.u32 s1, $0x2  }
0xba: {  	s3 =	sand.u32 $0x4000, s31;
	s1 =	sadd.s32 s1, s30  }
0xbb: {  	s0 =	sor.u32 s3, s0;
	s1 =	sshll.u32 s1, $0x11  }
0xbc: {  	s0 =	sor.u32 s1, s0  }
0xbd: {  	s0 =	sadd.s32 $0x8F2B, s0  }
0xbe: {  	[sflag:s0] =	ssyncadd.remote.s32 $0x1  }
0xbf: {  	_ =	sfence.sel $0xFFFF  }
0xc0: {  	[dreg:$0x0] =	wrdreg $0xFFFFFFFF;
	(pc) =	sbr.abs _section_cstart, $3  }
0xc1: {  	[dreg:$0x1] =	wrdreg $0xFFFFFFFF  }
0xc2: {  	_ =	task.clear_ibuf [dreg:s7], $0x2FFFF;
	_ =	strace $0x9FFFFFFF  }
0xc3: {  	(tm) =	ssettm $0x7FFFFFFF  }
tec
execute0_lowered:
.L_overlay_start_1:
0x0: {  	(tag) =	ssettag $0x1  }
0x1: {  	s0 =	rddreg [dreg:$0x0]  }
0x2: {  	s2 =	rddreg [dreg:$0x2];
	s20 =	simm.s32 $0x0  }
0x3: {  	s1 =	stileid.u32;
	s3 =	srdreg.scid;
	s28 =	simm.s32 $0x2080  }
0x4: {  	s29 =	simm.s32 $0x4980;
	s30 =	simm.s32 $0x2100;
	s31 =	simm.s32 $0x7180  }
0x5: {  	[smem:$0x7FF] =	sst s20;
	s5 =	sadd.s32 $0x10000, s0;
	s6 =	sadd.s32 $0x1000, s0  }
0x6: {  	s7 =	sadd.s32 $0x6000, s0;
	s4 =	smul.u32 $0x19000, s1;
	s8 =	sor.u32 $0x10, s1  }
0x7: {  	s3 =	sand.u32 $0x1, s3;
	s12 =	sor.u32 $0x20, s1;
	s10 =	smul.u32 $0x19000, s8  }
0x8: {  	s14 =	sor.u32 $0x30, s1;
	s11 =	sadd.s32 $0xF52400, s0;
	s13 =	smul.u32 $0x19000, s12  }
0x9: {  	s0 =	sadd.s32 $0xF53200, s0;
	s21 =	sshll.u32 s1, $0x6;
	s15 =	smul.u32 $0x19000, s14  }
0xa: {  	p0 =	sgt.u32 s1, $0x1;
	_ =	strace $0x80000047;
	s17 =	smul.u32 $0x32, s3  }
0xb: {  	s9 =	ssub.s32 $0x2, s3;
	[dreg:$0x5] =	wrdreg s11;
	s11 =	smul.u32 $0x5000, s1  }
0xc: {  	s3 =	smul.u32 $0x7A120, s3;
	s19 =	sshrl.u32 s9, $0x1;
	s4 =	sshrl.u32 s4, $0x2  }
0xd: {  	s16 =	ssub.s32 s9, s19;
	s9 =	smul.u32 $0x2710, s1;
	s4 =	sadd.s32 s4, s2  }
0xe: {  	s19 =	sor.u32 $0x1C07, s21;
	s10 =	sshrl.u32 s10, $0x2;
	s18 =	sadd.s32 s1, s17  }
0xf: {  	s8 =	sadd.s32 s8, s17;
	s13 =	sshrl.u32 s13, $0x2;
	s12 =	sadd.s32 s12, s17  }
0x10: {  	s15 =	sshrl.u32 s15, $0x2;
	s14 =	sadd.s32 s14, s17;
	s22 =	smul.u32 $0xC80, s18  }
0x11: {  	s21 =	simm.s32 $0x7;
	s17 =	simm.s32 $0x1B00;
	s8 =	smul.u32 $0xC80, s8  }
0x12: {  	s10 =	sadd.s32 s10, s2;
	s12 =	smul.u32 $0xC80, s12;
	s13 =	sadd.s32 s13, s2  }
0x13: {  	s23 =	sadd.s32 s15, s2;
	s24 =	smul.u32 $0xC80, s14;
	s26 =	smax.u32 s16, $0x1  }
0x14: {  	s14 =	simm.s32 $0x3;
	s15 =	simm.s32 $0x6;
	[dreg:$0x7] =	wrdreg s10  }
0x15: {  	v0 =	vmov s3;
	s16 =	simm.s32 $0x1A80;
	s3 =	smov.u32 s19;
	[dreg:$0x8] =	wrdreg s13  }
0x16: {  	s18 =	simm.s32 $0x1B80;
	s19 =	simm.s32 $0x1C00;
	[dreg:$0x9] =	wrdreg s23  }
0x17: {  	[dreg:$0xe] =	wrdreg s26;
	s23 =	simm.s32 $0x1000;
	s26 =	simm.s32 $0x2180  }
0x18: {  	s13 =	simm.s32 $0x5;
	[dreg:$0x6] =	wrdreg s3;
	s10 =	sadd.s32 s0, s22  }
0x19: {  	s8 =	sadd.s32 s0, s8;
	s25 =	sadd.s32 s0, s12;
	[dreg:$0xa] =	wrdreg s10  }
0x1a: {  	s0 =	sadd.s32 s0, s24;
	s22 =	simm.s32 $0x800;
	[dreg:$0xb] =	wrdreg s8  }
0x1b: {  	s24 =	simm.s32 $0x50;
	s12 =	simm.s32 $0x2;
	[dreg:$0xc] =	wrdreg s25  }
0x1c: {  	[dreg:$0xd] =	wrdreg s0;
	s10 =	sshrl.u32 s4, $0x3;
	s25 =	simm.s32 $0x2000  }
0x1d: {  	s0 =	simm.s32 $0x1;
	s4 =	simm.s32 $0x4;
	[dreg:$0xf] =	wrdreg s10  }
.LBB2_1:
0x1e: {  	[dreg:$0x4] =	wrdreg s20  }
0x1f: {  	s1 =	rddreg [dreg:$0x5]  }
0x20: {  	[spmem:s10], [sflag:s3] =	dma.local [hbm:s1], $0xC80  }
0x21: {  	_ =	swait.ge [sflag:s21], $0xC80  }
0x22: {  	s8 =	rddreg [dreg:$0x7]  }
0x23: {  	[sflag:s21] =	ssyncset.done $0x0;
	s8 =	sshrl.u32 s8, $0x3  }
0x24: {  	[sflag:s21] =	ssyncadd.s32 $0xFFFFF380;
	[dreg:$0x10] =	wrdreg s8  }
0x25: {  	[spmem:s8], [sflag:s3] =	dma.local [hbm:s1], $0xC80  }
0x26: {  	_ =	swait.ge [sflag:s21], $0xC80  }
0x27: {  	s20 =	rddreg [dreg:$0x8]  }
0x28: {  	[sflag:s21] =	ssyncset.done $0x0;
	s8 =	sshrl.u32 s20, $0x3  }
0x29: {  	[sflag:s21] =	ssyncadd.s32 $0xFFFFF380;
	[dreg:$0x11] =	wrdreg s8  }
0x2a: {  	[spmem:s8], [sflag:s3] =	dma.local [hbm:s1], $0xC80  }
0x2b: {  	_ =	swait.ge [sflag:s21], $0xC80  }
0x2c: {  	s8 =	rddreg [dreg:$0x9]  }
0x2d: {  	[sflag:s21] =	ssyncset.done $0x0;
	s8 =	sshrl.u32 @!p0 s8, $0x3  }
0x2e: {  	[sflag:s21] =	ssyncadd.s32 $0xFFFFF380;
	[dreg:$0x12] =	wrdreg s8  }
0x2f: {  	[spmem:s8], [sflag:s3] =	dma.local @!p0 [hbm:s1], $0xC80  }
0x30: {  	s3 =	simm.s32 @!p0 $0x7  }
0x31: {  	_ =	swait.ge @!p0 [sflag:s3], $0xC80  }
0x32: {  	[sflag:s3] =	ssyncset.done @!p0 $0x0  }
0x33: {  	[sflag:s3] =	ssyncadd.s32 @!p0 $0xFFFFF380  }
0x34: {  	s20 =	simm.s32 $0x0;
	[bflag:$0x0] =	sbarrier.arrive $0xFFFF  }
.LBB2_2:
0x35: {  	s3 =	smul.u32 $0x7D0, s20;
	_ =	sdelay $0x1  }
0x36: {  	s3 =	sadd.s32 s9, s3  }
0x37: {  	s3 =	sshrl.u32 s3, $0x3  }
0x38: {  	s10 =	simm.s32 $0x0;
	s8 =	sadd.s32 s6, s3  }
0x39: {  	[tilespmem:s10], [sflag:$0x7] =	stream.linear.gather [hbm4b:s8+s10], $0x7D0, $0x38;
	[tilespmem:$0x1D200] =	vst v63  }
0x3a: {  	_ =	swait.ge [sflag:s21], $0x7D0  }
0x3b: {  	[sflag:s21] =	ssyncset.done $0x0  }
0x3c: {  	[sflag:s21] =	ssyncadd.s32 $0xFFFFF830  }
0x3d: {  	s1 =	rddreg [dreg:$0x1]  }
0x3e: {  	s8 =	sshll.u32 s20, $0xC;
	s3 =	sadd.s32 s1, s3  }
0x3f: {  	[tilespmem:s22], [sflag:$0x7] =	stream.linear.gather [hbm4b:s3+s10], $0x7D0, $0x38;
	[tilespmem:$0x1D200] =	vst v63  }
0x40: {  	s3 =	sadd.s32 s11, s8;
	_ =	swait.ge [sflag:s21], $0x7D0  }
0x41: {  	s3 =	sshrl.u32 s3, $0x3;
	[sflag:s21] =	ssyncset.done $0x0  }
0x42: {  	s3 =	sadd.s32 s7, s3;
	[sflag:s21] =	ssyncadd.s32 $0xFFFFF830  }
0x43: {  	[tilespmem:s23], [sflag:$0x7] =	stream.linear.gather [hbm4b:s3+s10], $0xC80, $0x38;
	[tilespmem:$0x1D200] =	vst v63  }
0x44: {  	_ =	swait.ge [sflag:s21], $0xC80  }
0x45: {  	[sflag:s21] =	ssyncset.done $0x0  }
0x46: {  	[sflag:s21] =	ssyncadd.s32 $0xFFFFF380  }
0x47: {  	v1 =	vld [tilespmem:$0x800]  }
0x48: {  	v2 =	vld [tilespmem:$0x0]  }
0x49: {  	v3 =	vld [tilespmem:$0x810]  }
0x4a: {  	v4 =	vld [tilespmem:$0x10]  }
0x4b: {  	v5 =	vld [tilespmem:$0x820]  }
0x4c: {  	v6 =	vld [tilespmem:$0x20]  }
0x4d: {  	v7 =	vld [tilespmem:$0x830]  }
0x4e: {  	v8 =	vld [tilespmem:$0x30]  }
0x4f: {  	v9 =	vld [tilespmem:$0x840]  }
0x50: {  	v10 =	vld [tilespmem:$0x40];
	v1 =	vmul.u32 $0x2710, v1  }
0x51: {  	v2 =	vadd.s32 v0, v2;
	v3 =	vmul.u32 $0x2710, v3  }
0x52: {  	v44 =	vmul.u32 $0x2710, v5;
	v1 =	vadd.s32 v1, v2;
	v2 =	vadd.s32 v0, v4  }
0x53: {  	[tilespmem:$0x2000] =	vst v1;
	v1 =	vadd.s32 v3, v2;
	v2 =	vadd.s32 v0, v6;
	v3 =	vmul.u32 $0x2710, v7  }
0x54: {  	v45 =	vmul.u32 $0x2710, v9;
	[tilespmem:$0x2010] =	vst v1;
	v1 =	vadd.s32 v44, v2;
	v2 =	vadd.s32 v0, v8  }
0x55: {  	[tilespmem:$0x2020] =	vst v1;
	v1 =	vadd.s32 v3, v2;
	v2 =	vadd.s32 v0, v10  }
0x56: {  	[tilespmem:$0x2030] =	vst v1;
	v1 =	vadd.s32 v45, v2  }
0x57: {  	[tilespmem:$0x2040] =	vst v1  }
0x58: {  	[tilespmem:s26], [sflag:$0x1] =	stream.indirect.gather [hbm4b:s5+s24], $0x80, s25, s24, $0xb8;
	[tilespmem:$0x1D200] =	vst v63  }
0x59: {  	v1 =	vld [tilespmem:$0x850]  }
0x5a: {  	v2 =	vld [tilespmem:$0x50]  }
0x5b: {  	v3 =	vld [tilespmem:$0x860]  }
0x5c: {  	v46 =	vld [tilespmem:$0x60]  }
0x5d: {  	v47 =	vld [tilespmem:$0x870]  }
0x5e: {  	v48 =	vld [tilespmem:$0x70]  }
0x5f: {  	v49 =	vld [tilespmem:$0x880]  }
0x60: {  	v50 =	vld [tilespmem:$0x80]  }
0x61: {  	v51 =	vld [tilespmem:$0x890]  }
0x62: {  	v52 =	vld [tilespmem:$0x90];
	v1 =	vmul.u32 $0x2710, v1  }
0x63: {  	v2 =	vadd.s32 v0, v2;
	v3 =	vmul.u32 $0x2710, v3  }
0x64: {  	v53 =	vmul.u32 $0x2710, v47;
	v1 =	vadd.s32 v1, v2;
	v2 =	vadd.s32 v0, v46  }
0x65: {  	[tilespmem:$0x2080] =	vst v1;
	v1 =	vadd.s32 v3, v2;
	v2 =	vadd.s32 v0, v48;
	v3 =	vmul.u32 $0x2710, v49  }
0x66: {  	v54 =	vmul.u32 $0x2710, v51;
	[tilespmem:$0x2090] =	vst v1;
	v1 =	vadd.s32 v53, v2;
	v2 =	vadd.s32 v0, v50  }
0x67: {  	[tilespmem:$0x20A0] =	vst v1;
	v1 =	vadd.s32 v3, v2;
	v2 =	vadd.s32 v0, v52  }
0x68: {  	[tilespmem:$0x20B0] =	vst v1;
	v1 =	vadd.s32 v54, v2  }
0x69: {  	[tilespmem:$0x20C0] =	vst v1  }
0x6a: {  	[tilespmem:s29], [sflag:$0x2] =	stream.indirect.gather [hbm4b:s5+s24], $0x80, s28, s24, $0xb8;
	[tilespmem:$0x1D200] =	vst v63  }
0x6b: {  	v1 =	vld [tilespmem:$0x8A0]  }
0x6c: {  	v2 =	vld [tilespmem:$0xA0]  }
0x6d: {  	v3 =	vld [tilespmem:$0x8B0]  }
0x6e: {  	v55 =	vld [tilespmem:$0xB0]  }
0x6f: {  	v56 =	vld [tilespmem:$0x8C0]  }
0x70: {  	v57 =	vld [tilespmem:$0xC0]  }
0x71: {  	v58 =	vld [tilespmem:$0x8D0]  }
0x72: {  	v59 =	vld [tilespmem:$0xD0]  }
0x73: {  	v60 =	vld [tilespmem:$0x8E0]  }
0x74: {  	v61 =	vld [tilespmem:$0xE0];
	v1 =	vmul.u32 $0x2710, v1  }
0x75: {  	v2 =	vadd.s32 v0, v2;
	v3 =	vmul.u32 $0x2710, v3  }
0x76: {  	v62 =	vmul.u32 $0x2710, v56;
	v1 =	vadd.s32 v1, v2;
	v2 =	vadd.s32 v0, v55  }
0x77: {  	[tilespmem:$0x2100] =	vst v1;
	v1 =	vadd.s32 v3, v2;
	v2 =	vadd.s32 v0, v57;
	v3 =	vmul.u32 $0x2710, v58  }
0x78: {  	v63 =	vmul.u32 $0x2710, v60;
	[tilespmem:$0x2110] =	vst v1;
	v1 =	vadd.s32 v62, v2;
	v2 =	vadd.s32 v0, v59  }
0x79: {  	[tilespmem:$0x2120] =	vst v1;
	v1 =	vadd.s32 v3, v2;
	v2 =	vadd.s32 v0, v61  }
0x7a: {  	[tilespmem:$0x2130] =	vst v1;
	v1 =	vadd.s32 v63, v2  }
0x7b: {  	[tilespmem:$0x2140] =	vst v1  }
0x7c: {  	[tilespmem:s31], [sflag:$0x3] =	stream.indirect.gather [hbm4b:s5+s24], $0x80, s30, s24, $0xb8;
	[tilespmem:$0x1D200] =	vst v63  }
0x7d: {  	_ =	swait.ge [sflag:s0], $0x2800  }
0x7e: {  	[sflag:s0] =	ssyncset.done $0x0  }
0x7f: {  	s10 =	simm.s32 $0x1000;
	s3 =	simm.s32 $0x0;
	[sflag:s0] =	ssyncadd.s32 $0xFFFFD800  }
0x80: {  	[spmem:s2] =	stream.indirect.scatter.add.f32 [tilespmem:s26], [sflag:$0x4], $0x80, s10, s24, $0xb8;
	[tilespmem:$0x1D200] =	vst v63  }
0x81: {  	v1 =	vld [tilespmem:s3+$0x8F0]  }
0x82: {  	v2 =	vld [tilespmem:s3+$0xF0];
	_ =	sdelay $0x3  }
0x83: {  	v1 =	vmul.u32 $0x2710, v1  }
0x84: {  	v2 =	vadd.s32 v0, v2  }
0x85: {  	v1 =	vadd.s32 v1, v2  }
0x86: {  	[tilespmem:$0x2000] =	vst v1  }
0x87: {  	v1 =	vld [tilespmem:s3+$0x900]  }
0x88: {  	v2 =	vld [tilespmem:s3+$0x100];
	_ =	sdelay $0x3  }
0x89: {  	v1 =	vmul.u32 $0x2710, v1  }
0x8a: {  	v2 =	vadd.s32 v0, v2  }
0x8b: {  	v1 =	vadd.s32 v1, v2  }
0x8c: {  	[tilespmem:$0x2010] =	vst v1  }
0x8d: {  	v1 =	vld [tilespmem:s3+$0x910]  }
0x8e: {  	v2 =	vld [tilespmem:s3+$0x110];
	_ =	sdelay $0x3  }
0x8f: {  	v1 =	vmul.u32 $0x2710, v1  }
0x90: {  	v2 =	vadd.s32 v0, v2  }
0x91: {  	v1 =	vadd.s32 v1, v2  }
0x92: {  	[tilespmem:$0x2020] =	vst v1  }
0x93: {  	v1 =	vld [tilespmem:s3+$0x920]  }
0x94: {  	v2 =	vld [tilespmem:s3+$0x120];
	_ =	sdelay $0x3  }
0x95: {  	v1 =	vmul.u32 $0x2710, v1  }
0x96: {  	v2 =	vadd.s32 v0, v2  }
0x97: {  	v1 =	vadd.s32 v1, v2  }
0x98: {  	[tilespmem:$0x2030] =	vst v1  }
0x99: {  	v1 =	vld [tilespmem:s3+$0x930]  }
0x9a: {  	v2 =	vld [tilespmem:s3+$0x130];
	_ =	sdelay $0x3  }
0x9b: {  	v1 =	vmul.u32 $0x2710, v1  }
0x9c: {  	v2 =	vadd.s32 v0, v2  }
0x9d: {  	v1 =	vadd.s32 v1, v2  }
0x9e: {  	[tilespmem:$0x2040] =	vst v1  }
0x9f: {  	_ =	swait.ge [sflag:s4], $0x2800  }
0xa0: {  	[sflag:s4] =	ssyncset.done $0x0  }
0xa1: {  	[sflag:s4] =	ssyncadd.s32 $0xFFFFD800  }
0xa2: {  	[tilespmem:s26], [sflag:$0x1] =	stream.indirect.gather [hbm4b:s5+s24], $0x80, s25, s24, $0xb8;
	[tilespmem:$0x1D200] =	vst v63  }
0xa3: {  	_ =	swait.ge [sflag:s12], $0x2800  }
0xa4: {  	[sflag:s12] =	ssyncset.done $0x0  }
0xa5: {  	s1 =	simm.s32 $0x1080;
	[sflag:s12] =	ssyncadd.s32 $0xFFFFD800  }
0xa6: {  	[spmem:s2] =	stream.indirect.scatter.add.f32 [tilespmem:s29], [sflag:$0x5], $0x80, s1, s24, $0xb8;
	[tilespmem:$0x1D200] =	vst v63  }
0xa7: {  	v1 =	vld [tilespmem:s3+$0x940]  }
0xa8: {  	v2 =	vld [tilespmem:s3+$0x140];
	_ =	sdelay $0x3  }
0xa9: {  	v1 =	vmul.u32 $0x2710, v1  }
0xaa: {  	v2 =	vadd.s32 v0, v2  }
0xab: {  	v1 =	vadd.s32 v1, v2  }
0xac: {  	[tilespmem:$0x2080] =	vst v1  }
0xad: {  	v1 =	vld [tilespmem:s3+$0x950]  }
0xae: {  	v2 =	vld [tilespmem:s3+$0x150];
	_ =	sdelay $0x3  }
0xaf: {  	v1 =	vmul.u32 $0x2710, v1  }
0xb0: {  	v2 =	vadd.s32 v0, v2  }
0xb1: {  	v1 =	vadd.s32 v1, v2  }
0xb2: {  	[tilespmem:$0x2090] =	vst v1  }
0xb3: {  	v1 =	vld [tilespmem:s3+$0x960]  }
0xb4: {  	v2 =	vld [tilespmem:s3+$0x160];
	_ =	sdelay $0x3  }
0xb5: {  	v1 =	vmul.u32 $0x2710, v1  }
0xb6: {  	v2 =	vadd.s32 v0, v2  }
0xb7: {  	v1 =	vadd.s32 v1, v2  }
0xb8: {  	[tilespmem:$0x20A0] =	vst v1  }
0xb9: {  	v1 =	vld [tilespmem:s3+$0x970]  }
0xba: {  	v2 =	vld [tilespmem:s3+$0x170];
	_ =	sdelay $0x3  }
0xbb: {  	v1 =	vmul.u32 $0x2710, v1  }
0xbc: {  	v2 =	vadd.s32 v0, v2  }
0xbd: {  	v1 =	vadd.s32 v1, v2  }
0xbe: {  	[tilespmem:$0x20B0] =	vst v1  }
0xbf: {  	v1 =	vld [tilespmem:s3+$0x980]  }
0xc0: {  	v2 =	vld [tilespmem:s3+$0x180];
	_ =	sdelay $0x3  }
0xc1: {  	v1 =	vmul.u32 $0x2710, v1  }
0xc2: {  	v2 =	vadd.s32 v0, v2  }
0xc3: {  	v1 =	vadd.s32 v1, v2  }
0xc4: {  	[tilespmem:$0x20C0] =	vst v1  }
0xc5: {  	_ =	swait.ge [sflag:s13], $0x2800  }
0xc6: {  	[sflag:s13] =	ssyncset.done $0x0  }
0xc7: {  	[sflag:s13] =	ssyncadd.s32 $0xFFFFD800  }
0xc8: {  	[tilespmem:s29], [sflag:$0x2] =	stream.indirect.gather [hbm4b:s5+s24], $0x80, s28, s24, $0xb8;
	[tilespmem:$0x1D200] =	vst v63  }
0xc9: {  	_ =	swait.ge [sflag:s14], $0x2800  }
0xca: {  	[sflag:s14] =	ssyncset.done $0x0  }
0xcb: {  	s10 =	simm.s32 $0x1100;
	[sflag:s14] =	ssyncadd.s32 $0xFFFFD800  }
0xcc: {  	[spmem:s2] =	stream.indirect.scatter.add.f32 [tilespmem:s31], [sflag:$0x6], $0x80, s10, s24, $0xb8;
	[tilespmem:$0x1D200] =	vst v63  }
0xcd: {  	v1 =	vld [tilespmem:s3+$0x990]  }
0xce: {  	v2 =	vld [tilespmem:s3+$0x190];
	_ =	sdelay $0x3  }
0xcf: {  	v1 =	vmul.u32 $0x2710, v1  }
0xd0: {  	v2 =	vadd.s32 v0, v2  }
0xd1: {  	v1 =	vadd.s32 v1, v2  }
0xd2: {  	[tilespmem:$0x2100] =	vst v1  }
0xd3: {  	v1 =	vld [tilespmem:s3+$0x9A0]  }
0xd4: {  	v2 =	vld [tilespmem:s3+$0x1A0];
	_ =	sdelay $0x3  }
0xd5: {  	v1 =	vmul.u32 $0x2710, v1  }
0xd6: {  	v2 =	vadd.s32 v0, v2  }
0xd7: {  	v1 =	vadd.s32 v1, v2  }
0xd8: {  	[tilespmem:$0x2110] =	vst v1  }
0xd9: {  	v1 =	vld [tilespmem:s3+$0x9B0]  }
0xda: {  	v2 =	vld [tilespmem:s3+$0x1B0];
	_ =	sdelay $0x3  }
0xdb: {  	v1 =	vmul.u32 $0x2710, v1  }
0xdc: {  	v2 =	vadd.s32 v0, v2  }
0xdd: {  	v1 =	vadd.s32 v1, v2  }
0xde: {  	[tilespmem:$0x2120] =	vst v1  }
0xdf: {  	v1 =	vld [tilespmem:s3+$0x9C0]  }
0xe0: {  	v2 =	vld [tilespmem:s3+$0x1C0];
	_ =	sdelay $0x3  }
0xe1: {  	v1 =	vmul.u32 $0x2710, v1  }
0xe2: {  	v2 =	vadd.s32 v0, v2  }
0xe3: {  	v1 =	vadd.s32 v1, v2  }
0xe4: {  	[tilespmem:$0x2130] =	vst v1  }
0xe5: {  	v1 =	vld [tilespmem:s3+$0x9D0]  }
0xe6: {  	v2 =	vld [tilespmem:s3+$0x1D0];
	_ =	sdelay $0x3  }
0xe7: {  	v1 =	vmul.u32 $0x2710, v1  }
0xe8: {  	v2 =	vadd.s32 v0, v2  }
0xe9: {  	v1 =	vadd.s32 v1, v2  }
0xea: {  	[tilespmem:$0x2140] =	vst v1  }
0xeb: {  	_ =	swait.ge [sflag:s15], $0x2800  }
0xec: {  	[sflag:s15] =	ssyncset.done $0x0  }
0xed: {  	s8 =	simm.s32 $0x3C0;
	s3 =	simm.s32 $0x1280;
	[sflag:s15] =	ssyncadd.s32 $0xFFFFD800  }
.LBB2_3:
0xee: {  	[tilespmem:s31], [sflag:$0x3] =	stream.indirect.gather [hbm4b:s5+s24], $0x80, s30, s24, $0xb8;
	[tilespmem:$0x1D200] =	vst v63  }
0xef: {  	s10 =	smov.u32 s8  }
0xf0: {  	p1 =	sne.s32 s8, $0x1680;
	s8 =	sadd.s32 $0x3C0, s8;
	_ =	swait.ge [sflag:s0], $0x2800  }
0xf1: {  	[sflag:s0] =	ssyncset.done $0x0  }
0xf2: {  	s1 =	sadd.s32 $0xFFFFFF00, s3;
	s10 =	sshra.s32 s10, $0x2;
	[sflag:s0] =	ssyncadd.s32 $0xFFFFD800  }
0xf3: {  	[spmem:s2] =	stream.indirect.scatter.add.f32 [tilespmem:s26], [sflag:$0x4], $0x80, s1, s24, $0xb8;
	[tilespmem:$0x1D200] =	vst v63  }
0xf4: {  	v1 =	vld [tilespmem:s10+$0x8F0]  }
0xf5: {  	v2 =	vld [tilespmem:s10+$0xF0];
	_ =	sdelay $0x3  }
0xf6: {  	v1 =	vmul.u32 $0x2710, v1  }
0xf7: {  	v2 =	vadd.s32 v0, v2  }
0xf8: {  	v1 =	vadd.s32 v1, v2  }
0xf9: {  	[tilespmem:$0x2000] =	vst v1  }
0xfa: {  	v1 =	vld [tilespmem:s10+$0x900]  }
0xfb: {  	v2 =	vld [tilespmem:s10+$0x100];
	_ =	sdelay $0x3  }
0xfc: {  	v1 =	vmul.u32 $0x2710, v1  }
0xfd: {  	v2 =	vadd.s32 v0, v2  }
0xfe: {  	v1 =	vadd.s32 v1, v2  }
0xff: {  	[tilespmem:$0x2010] =	vst v1  }
0x100: {  	v1 =	vld [tilespmem:s10+$0x910]  }
0x101: {  	v2 =	vld [tilespmem:s10+$0x110];
	_ =	sdelay $0x3  }
0x102: {  	v1 =	vmul.u32 $0x2710, v1  }
0x103: {  	v2 =	vadd.s32 v0, v2  }
0x104: {  	v1 =	vadd.s32 v1, v2  }
0x105: {  	[tilespmem:$0x2020] =	vst v1  }
0x106: {  	v1 =	vld [tilespmem:s10+$0x920]  }
0x107: {  	v2 =	vld [tilespmem:s10+$0x120];
	_ =	sdelay $0x3  }
0x108: {  	v1 =	vmul.u32 $0x2710, v1  }
0x109: {  	v2 =	vadd.s32 v0, v2  }
0x10a: {  	v1 =	vadd.s32 v1, v2  }
0x10b: {  	[tilespmem:$0x2030] =	vst v1  }
0x10c: {  	v1 =	vld [tilespmem:s10+$0x930]  }
0x10d: {  	v2 =	vld [tilespmem:s10+$0x130];
	_ =	sdelay $0x3  }
0x10e: {  	v1 =	vmul.u32 $0x2710, v1  }
0x10f: {  	v2 =	vadd.s32 v0, v2  }
0x110: {  	v1 =	vadd.s32 v1, v2  }
0x111: {  	[tilespmem:$0x2040] =	vst v1  }
0x112: {  	_ =	swait.ge [sflag:s4], $0x2800  }
0x113: {  	[sflag:s4] =	ssyncset.done $0x0  }
0x114: {  	[sflag:s4] =	ssyncadd.s32 $0xFFFFD800  }
0x115: {  	[tilespmem:s26], [sflag:$0x1] =	stream.indirect.gather [hbm4b:s5+s24], $0x80, s25, s24, $0xb8;
	[tilespmem:$0x1D200] =	vst v63  }
0x116: {  	_ =	swait.ge [sflag:s12], $0x2800  }
0x117: {  	[sflag:s12] =	ssyncset.done $0x0  }
0x118: {  	s1 =	sadd.s32 $0xFFFFFF80, s3;
	[sflag:s12] =	ssyncadd.s32 $0xFFFFD800  }
0x119: {  	[spmem:s2] =	stream.indirect.scatter.add.f32 [tilespmem:s29], [sflag:$0x5], $0x80, s1, s24, $0xb8;
	[tilespmem:$0x1D200] =	vst v63  }
0x11a: {  	v1 =	vld [tilespmem:s10+$0x940]  }
0x11b: {  	v2 =	vld [tilespmem:s10+$0x140];
	_ =	sdelay $0x3  }
0x11c: {  	v1 =	vmul.u32 $0x2710, v1  }
0x11d: {  	v2 =	vadd.s32 v0, v2  }
0x11e: {  	v1 =	vadd.s32 v1, v2  }
0x11f: {  	[tilespmem:$0x2080] =	vst v1  }
0x120: {  	v1 =	vld [tilespmem:s10+$0x950]  }
0x121: {  	v2 =	vld [tilespmem:s10+$0x150];
	_ =	sdelay $0x3  }
0x122: {  	v1 =	vmul.u32 $0x2710, v1  }
0x123: {  	v2 =	vadd.s32 v0, v2  }
0x124: {  	v1 =	vadd.s32 v1, v2  }
0x125: {  	[tilespmem:$0x2090] =	vst v1  }
0x126: {  	v1 =	vld [tilespmem:s10+$0x960]  }
0x127: {  	v2 =	vld [tilespmem:s10+$0x160];
	_ =	sdelay $0x3  }
0x128: {  	v1 =	vmul.u32 $0x2710, v1  }
0x129: {  	v2 =	vadd.s32 v0, v2  }
0x12a: {  	v1 =	vadd.s32 v1, v2  }
0x12b: {  	[tilespmem:$0x20A0] =	vst v1  }
0x12c: {  	v1 =	vld [tilespmem:s10+$0x970]  }
0x12d: {  	v2 =	vld [tilespmem:s10+$0x170];
	_ =	sdelay $0x3  }
0x12e: {  	v1 =	vmul.u32 $0x2710, v1  }
0x12f: {  	v2 =	vadd.s32 v0, v2  }
0x130: {  	v1 =	vadd.s32 v1, v2  }
0x131: {  	[tilespmem:$0x20B0] =	vst v1  }
0x132: {  	v1 =	vld [tilespmem:s10+$0x980]  }
0x133: {  	v2 =	vld [tilespmem:s10+$0x180];
	_ =	sdelay $0x3  }
0x134: {  	v1 =	vmul.u32 $0x2710, v1  }
0x135: {  	v2 =	vadd.s32 v0, v2  }
0x136: {  	v1 =	vadd.s32 v1, v2  }
0x137: {  	[tilespmem:$0x20C0] =	vst v1  }
0x138: {  	_ =	swait.ge [sflag:s13], $0x2800  }
0x139: {  	[sflag:s13] =	ssyncset.done $0x0  }
0x13a: {  	[sflag:s13] =	ssyncadd.s32 $0xFFFFD800  }
0x13b: {  	[tilespmem:s29], [sflag:$0x2] =	stream.indirect.gather [hbm4b:s5+s24], $0x80, s28, s24, $0xb8;
	[tilespmem:$0x1D200] =	vst v63  }
0x13c: {  	_ =	swait.ge [sflag:s14], $0x2800  }
0x13d: {  	[sflag:s14] =	ssyncset.done $0x0  }
0x13e: {  	[sflag:s14] =	ssyncadd.s32 $0xFFFFD800  }
0x13f: {  	[spmem:s2] =	stream.indirect.scatter.add.f32 [tilespmem:s31], [sflag:$0x6], $0x80, s3, s24, $0xb8;
	[tilespmem:$0x1D200] =	vst v63  }
0x140: {  	v1 =	vld [tilespmem:s10+$0x990]  }
0x141: {  	v2 =	vld [tilespmem:s10+$0x190];
	_ =	sdelay $0x3  }
0x142: {  	v1 =	vmul.u32 $0x2710, v1  }
0x143: {  	v2 =	vadd.s32 v0, v2  }
0x144: {  	v1 =	vadd.s32 v1, v2  }
0x145: {  	[tilespmem:$0x2100] =	vst v1  }
0x146: {  	v1 =	vld [tilespmem:s10+$0x9A0]  }
0x147: {  	v2 =	vld [tilespmem:s10+$0x1A0];
	_ =	sdelay $0x3  }
0x148: {  	v1 =	vmul.u32 $0x2710, v1  }
0x149: {  	v2 =	vadd.s32 v0, v2  }
0x14a: {  	v1 =	vadd.s32 v1, v2  }
0x14b: {  	[tilespmem:$0x2110] =	vst v1  }
0x14c: {  	v1 =	vld [tilespmem:s10+$0x9B0]  }
0x14d: {  	v2 =	vld [tilespmem:s10+$0x1B0];
	_ =	sdelay $0x3  }
0x14e: {  	v1 =	vmul.u32 $0x2710, v1  }
0x14f: {  	v2 =	vadd.s32 v0, v2  }
0x150: {  	v1 =	vadd.s32 v1, v2  }
0x151: {  	[tilespmem:$0x2120] =	vst v1  }
0x152: {  	v1 =	vld [tilespmem:s10+$0x9C0]  }
0x153: {  	v2 =	vld [tilespmem:s10+$0x1C0];
	_ =	sdelay $0x3  }
0x154: {  	v1 =	vmul.u32 $0x2710, v1  }
0x155: {  	v2 =	vadd.s32 v0, v2  }
0x156: {  	v1 =	vadd.s32 v1, v2  }
0x157: {  	[tilespmem:$0x2130] =	vst v1  }
0x158: {  	v1 =	vld [tilespmem:s10+$0x9D0]  }
0x159: {  	v2 =	vld [tilespmem:s10+$0x1D0];
	_ =	sdelay $0x3  }
0x15a: {  	v1 =	vmul.u32 $0x2710, v1  }
0x15b: {  	v2 =	vadd.s32 v0, v2  }
.Ltmp0:
0x15c: {  	v1 =	vadd.s32 v1, v2;
	(pc) =	sbr.rel @p1 .LBB2_3-.Ltmp0, $4  }
0x15d: {  	[tilespmem:$0x2140] =	vst v1  }
0x15e: {  	_ =	swait.ge [sflag:s15], $0x2800  }
0x15f: {  	[sflag:s15] =	ssyncset.done $0x0  }
0x160: {  	s3 =	sadd.s32 $0x180, s3;
	[sflag:s15] =	ssyncadd.s32 $0xFFFFD800  }
0x161: {  	[tilespmem:s31], [sflag:$0x3] =	stream.indirect.gather [hbm4b:s5+s24], $0x80, s30, s24, $0xb8;
	[tilespmem:$0x1D200] =	vst v63  }
0x162: {  	_ =	swait.ge [sflag:s0], $0x2800  }
0x163: {  	[sflag:s0] =	ssyncset.done $0x0  }
0x164: {  	[sflag:s0] =	ssyncadd.s32 $0xFFFFD800  }
0x165: {  	[spmem:s2] =	stream.indirect.scatter.add.f32 [tilespmem:s26], [sflag:$0x4], $0x80, s16, s24, $0xb8;
	[tilespmem:$0x1D200] =	vst v63  }
0x166: {  	v1 =	vld [tilespmem:$0xF80]  }
0x167: {  	v2 =	vld [tilespmem:$0x780]  }
0x168: {  	v3 =	vld [tilespmem:$0xF90]  }
0x169: {  	v4 =	vld [tilespmem:$0x790]  }
0x16a: {  	v5 =	vld [tilespmem:$0xFA0]  }
0x16b: {  	v6 =	vld [tilespmem:$0x7A0]  }
0x16c: {  	v7 =	vld [tilespmem:$0xFB0]  }
0x16d: {  	v8 =	vld [tilespmem:$0x7B0]  }
0x16e: {  	v9 =	vld [tilespmem:$0xFC0]  }
0x16f: {  	v10 =	vld [tilespmem:$0x7C0];
	v1 =	vmul.u32 $0x2710, v1  }
0x170: {  	v2 =	vadd.s32 v0, v2;
	v3 =	vmul.u32 $0x2710, v3  }
0x171: {  	v62 =	vmul.u32 $0x2710, v5;
	v1 =	vadd.s32 v1, v2;
	v2 =	vadd.s32 v0, v4  }
0x172: {  	[tilespmem:$0x2000] =	vst v1;
	v1 =	vadd.s32 v3, v2;
	v2 =	vadd.s32 v0, v6;
	v3 =	vmul.u32 $0x2710, v7  }
0x173: {  	v63 =	vmul.u32 $0x2710, v9;
	[tilespmem:$0x2010] =	vst v1;
	v1 =	vadd.s32 v62, v2;
	v2 =	vadd.s32 v0, v8  }
0x174: {  	[tilespmem:$0x2020] =	vst v1;
	v1 =	vadd.s32 v3, v2;
	v2 =	vadd.s32 v0, v10  }
0x175: {  	[tilespmem:$0x2030] =	vst v1;
	v1 =	vadd.s32 v63, v2  }
0x176: {  	[tilespmem:$0x2040] =	vst v1  }
0x177: {  	_ =	swait.ge [sflag:s4], $0x2800  }
0x178: {  	[sflag:s4] =	ssyncset.done $0x0  }
0x179: {  	[sflag:s4] =	ssyncadd.s32 $0xFFFFD800  }
0x17a: {  	[tilespmem:s26], [sflag:$0x1] =	stream.indirect.gather [hbm4b:s5+s24], $0x80, s25, s24, $0xb8;
	[tilespmem:$0x1D200] =	vst v63  }
0x17b: {  	_ =	swait.ge [sflag:s12], $0x2800  }
0x17c: {  	[sflag:s12] =	ssyncset.done $0x0  }
0x17d: {  	[sflag:s12] =	ssyncadd.s32 $0xFFFFD800  }
0x17e: {  	[spmem:s2] =	stream.indirect.scatter.add.f32 [tilespmem:s29], [sflag:$0x5], $0x80, s17, s24, $0xb8;
	[tilespmem:$0x1D200] =	vst v63  }
0x17f: {  	_ =	swait.ge [sflag:s13], $0x2800  }
0x180: {  	[sflag:s13] =	ssyncset.done $0x0  }
0x181: {  	[sflag:s13] =	ssyncadd.s32 $0xFFFFD800  }
0x182: {  	_ =	swait.ge [sflag:s14], $0x2800  }
0x183: {  	[sflag:s14] =	ssyncset.done $0x0  }
0x184: {  	[sflag:s14] =	ssyncadd.s32 $0xFFFFD800  }
0x185: {  	[spmem:s2] =	stream.indirect.scatter.add.f32 [tilespmem:s31], [sflag:$0x6], $0x80, s18, s24, $0xb8;
	[tilespmem:$0x1D200] =	vst v63  }
0x186: {  	_ =	swait.ge [sflag:s15], $0x2800  }
0x187: {  	[sflag:s15] =	ssyncset.done $0x0  }
0x188: {  	[sflag:s15] =	ssyncadd.s32 $0xFFFFD800  }
0x189: {  	s20 =	sadd.s32 $0x1, s20;
	_ =	swait.ge [sflag:s0], $0x2800  }
0x18a: {  	p1 =	sne.s32 s20, $0x5;
	[sflag:s0] =	ssyncset.done $0x0  }
.Ltmp1:
0x18b: {  	[sflag:s0] =	ssyncadd.s32 $0xFFFFD800;
	(pc) =	sbr.rel @p1 .LBB2_2-.Ltmp1, $4  }
0x18c: {  	[spmem:s2] =	stream.indirect.scatter.add.f32 [tilespmem:s26], [sflag:$0x4], $0x80, s19, s24, $0xb8;
	[tilespmem:$0x1D200] =	vst v63  }
0x18d: {  	_ =	swait.ge [sflag:s4], $0x2800  }
0x18e: {  	[sflag:s4] =	ssyncset.done $0x0  }
0x18f: {  	[sflag:s4] =	ssyncadd.s32 $0xFFFFD800  }
0x190: {  	[bflag:$0x0] =	sbarrier.arrive $0xFFFF  }
0x191: {  	s3 =	rddreg [dreg:$0x6]  }
0x192: {  	s1 =	rddreg [dreg:$0xa]  }
0x193: {  	s10 =	rddreg [dreg:$0xf]  }
0x194: {  	[hbm:s1], [sflag:s3] =	dma.local [spmem:s10], $0xC80  }
0x195: {  	_ =	swait.ge [sflag:s21], $0xC80  }
0x196: {  	[sflag:s21] =	ssyncset.done $0x0;
	s20 =	rddreg [dreg:$0xb]  }
0x197: {  	s8 =	rddreg [dreg:$0x10];
	[sflag:s21] =	ssyncadd.s32 $0xFFFFF380  }
0x198: {  	[hbm:s20], [sflag:s3] =	dma.local [spmem:s8], $0xC80  }
0x199: {  	_ =	swait.ge [sflag:s21], $0xC80  }
0x19a: {  	[sflag:s21] =	ssyncset.done $0x0;
	s8 =	rddreg [dreg:$0xc]  }
0x19b: {  	s20 =	rddreg [dreg:$0x11];
	[sflag:s21] =	ssyncadd.s32 $0xFFFFF380  }
0x19c: {  	[hbm:s8], [sflag:s3] =	dma.local [spmem:s20], $0xC80  }
0x19d: {  	_ =	swait.ge [sflag:s21], $0xC80  }
0x19e: {  	[sflag:s21] =	ssyncset.done $0x0;
	s1 =	rddreg [dreg:$0xd]  }
0x19f: {  	s8 =	rddreg [dreg:$0x12];
	[sflag:s21] =	ssyncadd.s32 $0xFFFFF380  }
0x1a0: {  	[hbm:s1], [sflag:s3] =	dma.local @!p0 [spmem:s8], $0xC80  }
0x1a1: {  	s1 =	simm.s32 @!p0 $0x7  }
0x1a2: {  	_ =	swait.ge @!p0 [sflag:s1], $0xC80  }
0x1a3: {  	s20 =	rddreg [dreg:$0x4]  }
0x1a4: {  	s8 =	rddreg [dreg:$0xe];
	s20 =	sadd.s32 $0x1, s20  }
0x1a5: {  	p1 =	sne.s32 s20, s8  }
.Ltmp2:
0x1a6: {  	_ = 	snop;
	(pc) =	sbr.rel @p1 .LBB2_1-.Ltmp2, $3  }
0x1a7: {  	_ =	sdelay $0x1  }
0x1a8: {  	[sflag:s1] =	ssyncset.done @!p0 $0x0  }
0x1a9: {  	[sflag:s1] =	ssyncadd.s32 @!p0 $0xFFFFF380  }
0x1aa: {  	_ =	sfence.sel $0x180000  }
0x1ab: {  	[bflag:$0x0] =	sbarrier.arrive $0xFFFF  }
0x1ac: {  	_ =	strace $0x90000047  }
0x1ad: {  	s0 =	stileid.u32;
	[bflag:$0x2] =	sbarrier.arrive $0xFFFF  }
0x1ae: {  	p0 =	sne.s32 s0, $0x0;
	s0 =	rddreg [dreg:$0x3]  }
0x1af: {  	s0 =	sadd.s32 @!p0 $0x100000, s0  }
0x1b0: {  	[sflag:s0] =	ssyncadd.tile.s32 @!p0 $0x1;
	_ =	shalt  }
.Lfunc_end2:
_tile_overlayer_lowered:
.L_overlay_start_2:
0x1b1: {  	(tag) =	ssettag $0x2  }
0x1b2: {  	s0 =	rddreg [dreg:$0x0];
	s2 =	stileid.u32  }
0x1b3: {  	s1 =	rddreg [dreg:$0x1];
	p0 =	sne.s32 s2, $0x0  }
0x1b4: {  	s3 =	rddreg [dreg:$0x2];
	[bflag:$0x3] =	sbarrier.arrive $0xFFFF;
	s2 =	simm.s32 @!p0 $0x1C07  }
0x1b5: {  	[timem:s3], [sflag:s2] =	dma.local @!p0 [hbm:s0], s1  }
0x1b6: {  	s0 =	simm.s32 @!p0 $0x7  }
0x1b7: {  	_ =	swait.ge @!p0 [sflag:s0], s1  }
0x1b8: {  	s1 =	ssub.s32 @!p0 $0x0, s1;
	[sflag:s0] =	ssyncset.done @!p0 $0x0  }
0x1b9: {  	[sflag:s0] =	ssyncadd.s32 @!p0 s1  }
0x1ba: {  	[bflag:$0x3] =	sbarrier.arrive $0xFFFF  }
0x1bb: {  	_ =	shalt  }

</sc_bundles>
